<compile_context>
chip_gen: v7x
topology: tpu7x:2x2x1
jax: 0.10.2.dev20260603
libtpu: 0.0.44.dev20260713+nightly
codegen_flags: <defaults>
</compile_context>

<pallas_src>
import functools

import jax
import jax.numpy as jnp
from jax import lax
from jax.experimental import pallas as pl
from jax.experimental.pallas import tpu as pltpu
from jax.experimental.pallas import tpu_sc as plsc

_CHUNK = 64
_DPAD = 128
_NBUF = 5


@functools.cache
def _make_pad(V: int, D: int):
    rows = 2048
    grid = (V + rows - 1) // rows

    def pad_block(x_ref, o_ref):
        o_ref[:, :D] = x_ref[...]
        o_ref[:, D:] = jnp.zeros_like(o_ref[:, D:])

    return pl.pallas_call(
        pad_block,
        grid=(grid,),
        in_specs=[pl.BlockSpec((rows, D), lambda i: (i, 0))],
        out_specs=pl.BlockSpec((rows, _DPAD), lambda i: (i, 0)),
        out_shape=jax.ShapeDtypeStruct((V, _DPAD), jnp.float32),
    )


@functools.cache
def _make_gather(B: int, D: int):
    info = plsc.get_sparse_core_info()
    nw = info.num_cores * info.num_subcores
    b_per_w = B // nw
    n_chunks = b_per_w // _CHUNK
    n_groups = n_chunks // _NBUF
    mesh = plsc.VectorSubcoreMesh(core_axis_name="c", subcore_axis_name="s")

    @functools.partial(
        pl.kernel,
        out_type=jax.ShapeDtypeStruct((B, D), jnp.float32),
        mesh=mesh,
        scratch_types=[
            pltpu.VMEM((b_per_w,), jnp.int32),
            [pltpu.VMEM((_CHUNK, _DPAD), jnp.float32)] * _NBUF,
            [pltpu.VMEM((_CHUNK, D), jnp.float32)] * _NBUF,
            [pltpu.SemaphoreType.DMA] * _NBUF,
            [pltpu.SemaphoreType.DMA] * _NBUF,
        ],
    )
    def gather_kernel(table_hbm, idx_hbm, out_hbm, idx_v, wide, packed,
                      gsems, wsems):
        wid = lax.axis_index("s") * info.num_cores + lax.axis_index("c")
        base = wid * b_per_w

        pltpu.sync_copy(idx_hbm.at[pl.ds(base, b_per_w)], idx_v)

        def gather_desc(c, b):
            return pltpu.make_async_copy(
                table_hbm.at[idx_v.at[pl.ds(c * _CHUNK, _CHUNK)]],
                wide[b],
                gsems[b],
            )

        def wait_write(b):
            pltpu.make_async_copy(
                packed[b], out_hbm.at[pl.ds(base, _CHUNK)], wsems[b]
            ).wait()

        def compact(b):
            def rows4(r4, carry):
                r = r4 * 4
                for dr in range(4):
                    for k in (0, 16, 32, 48, 64, 80, D - 16):
                        packed[b][r + dr, pl.ds(k, 16)] = (
                            wide[b][r + dr, pl.ds(k, 16)]
                        )
                return carry

            lax.fori_loop(0, _CHUNK // 4, rows4, 0)

        def body(g, carry):
            c0 = g * _NBUF
            for b in range(_NBUF):
                @pl.when(g > 0)
                def _():
                    wait_write(b)
                gather_desc(c0 + b, b).start()
            for b in range(_NBUF):
                gather_desc(c0 + b, b).wait()
                compact(b)
                off = base + (c0 + b) * _CHUNK
                pltpu.async_copy(
                    packed[b], out_hbm.at[pl.ds(off, _CHUNK)], wsems[b]
                )
            return carry

        lax.fori_loop(0, n_groups, body, 0)
        for b in range(_NBUF):
            wait_write(b)

    return gather_kernel


def kernel(sequence, embedding_matrix):
    seq_shape = sequence.shape
    B = seq_shape[0] * seq_shape[1]
    V, D = embedding_matrix.shape
    idx = sequence.reshape(B).astype(jnp.int32)
    table_p = _make_pad(V, D)(embedding_matrix)
    out = _make_gather(B, D)(table_p, idx)
    return out.reshape(seq_shape + (D,))

# --- scband reference (transcript-rebuilt; emitter-appended) ---
"""Pipeline reference for scband-glo-ve-embeddings-65764539236482 (READ-ONLY COPY).

The authoritative reference and input builder live on the scoring server;
editing this copy changes nothing except your own understanding.
"""

import jax, jax.numpy as jnp
import numpy as np

NUM_TOKENS = 100002
EMBED_DIM = 100

def setup_inputs(seed: int = 0) -> dict:
    key = jax.random.key(seed)
    k1, k2 = jax.random.split(key)
    sequence = jax.random.randint(k1, (4096, 200), 0, NUM_TOKENS, dtype=jnp.int64 if jax.config.jax_enable_x64 else jnp.int32)
    # GloVe-style embedding matrix (constant-initialized, non-trainable in the original module)
    embedding_matrix = jax.random.normal(k2, (NUM_TOKENS, EMBED_DIM), dtype=jnp.float32) * 0.1
    return {"sequence": sequence, "embedding_matrix": embedding_matrix}

def reference(sequence, embedding_matrix):
    # Keras Embedding layer: pure gather of rows from the embedding table
    return jnp.take(embedding_matrix, sequence, axis=0)

if __name__ == "__main__":
    import jax
    _d = setup_inputs()
    print(jax.jit(kernel)(*tuple(_d.values())))

</pallas_src>

<mosaic_0001>
#map = affine_map<(d0, d1) -> (0, 0)>
#map1 = affine_map<(d0, d1) -> (0)>
module attributes {stable_mosaic.version = 14 : i64} {
  func.func @gather_kernel(%arg0: i32, %arg1: i32, %arg2: memref<100002x128xf32, #tpu.memory_space<hbm>>, %arg3: memref<819200xi32, #tpu.memory_space<hbm>>, %arg4: memref<819200x100xf32, #tpu.memory_space<hbm>>, %arg5: memref<25600xi32, #tpu.memory_space<vmem>>, %arg6: memref<64x128xf32, #tpu.memory_space<vmem>>, %arg7: memref<64x128xf32, #tpu.memory_space<vmem>>, %arg8: memref<64x128xf32, #tpu.memory_space<vmem>>, %arg9: memref<64x128xf32, #tpu.memory_space<vmem>>, %arg10: memref<64x128xf32, #tpu.memory_space<vmem>>, %arg11: memref<64x100xf32, #tpu.memory_space<vmem>>, %arg12: memref<64x100xf32, #tpu.memory_space<vmem>>, %arg13: memref<64x100xf32, #tpu.memory_space<vmem>>, %arg14: memref<64x100xf32, #tpu.memory_space<vmem>>, %arg15: memref<64x100xf32, #tpu.memory_space<vmem>>, %arg16: memref<!tpu.dma_semaphore, #tpu.memory_space<semaphore_mem>>, %arg17: memref<!tpu.dma_semaphore, #tpu.memory_space<semaphore_mem>>, %arg18: memref<!tpu.dma_semaphore, #tpu.memory_space<semaphore_mem>>, %arg19: memref<!tpu.dma_semaphore, #tpu.memory_space<semaphore_mem>>, %arg20: memref<!tpu.dma_semaphore, #tpu.memory_space<semaphore_mem>>, %arg21: memref<!tpu.dma_semaphore, #tpu.memory_space<semaphore_mem>>, %arg22: memref<!tpu.dma_semaphore, #tpu.memory_space<semaphore_mem>>, %arg23: memref<!tpu.dma_semaphore, #tpu.memory_space<semaphore_mem>>, %arg24: memref<!tpu.dma_semaphore, #tpu.memory_space<semaphore_mem>>, %arg25: memref<!tpu.dma_semaphore, #tpu.memory_space<semaphore_mem>>) attributes {dimension_semantics = [#tpu.dimension_semantics<core_parallel>, #tpu.dimension_semantics<subcore_parallel>], iteration_bounds = array<i64: 2, 16>, scalar_prefetch = 0 : i64, scratch_operands = 21 : i64, tpu.core_type = #tpu.core_type<sc_vector_subcore>, window_params = [{transform_indices = #map}, {transform_indices = #map1}, {transform_indices = #map}]} {
    %mul3A = arith.constant 2 : i32
    %mul3A_0 = arith.muli %arg1, %mul3A : i32
    %add3A = arith.addi %mul3A_0, %arg0 : i32
    %mul3A_1 = arith.constant 25600 : i32
    %mul3A_2 = arith.muli %add3A, %mul3A_1 : i32
    "tpu.region"() ({
      %run_scoped3A = tpu.sem_alloc : memref<!tpu.dma_semaphore, #tpu.memory_space<semaphore_mem>>
      %dma_start3A = tpu.memref_slice %arg3[%mul3A_2] : memref<819200xi32, #tpu.memory_space<hbm>> -> memref<25600xi32, #tpu.memory_space<hbm>>
      %dma_start3A_27 = tpu.memref_slice %arg3[%mul3A_2] : memref<819200xi32, #tpu.memory_space<hbm>> -> memref<25600xi32, #tpu.memory_space<hbm>>
      tpu.enqueue_dma source(%dma_start3A_27 : memref<25600xi32, #tpu.memory_space<hbm>>) target(%arg5 : memref<25600xi32, #tpu.memory_space<vmem>>) target_semaphore(%run_scoped3A : memref<!tpu.dma_semaphore, #tpu.memory_space<semaphore_mem>>)
      %dma_wait3A_28 = tpu.memref_slice %arg3[%mul3A_2] : memref<819200xi32, #tpu.memory_space<hbm>> -> memref<25600xi32, #tpu.memory_space<hbm>>
      %dma_wait3A_29 = tpu.memref_slice %arg3[%mul3A_2] : memref<819200xi32, #tpu.memory_space<hbm>> -> memref<25600xi32, #tpu.memory_space<hbm>>
      tpu.wait_dma2 semaphore(%run_scoped3A : memref<!tpu.dma_semaphore, #tpu.memory_space<semaphore_mem>>) src(%dma_wait3A_29 : memref<25600xi32, #tpu.memory_space<hbm>>) dst(%arg5 : memref<25600xi32, #tpu.memory_space<vmem>>)
      tpu.yield
    }) : () -> ()
    %scan3A = arith.constant 0 : i32
    %scan3A_3 = arith.constant 0 : i32
    %scan3A_4 = arith.constant 80 : i32
    %scan3A_5 = arith.addi %scan3A_3, %scan3A_4 : i32
    %scan3A_6 = arith.constant 1 : i32
    scf.for %scan3A_27 = %scan3A_3 to %scan3A_5 step %scan3A_6  : i32 {
      %mul3A_28 = arith.constant 5 : i32
      %mul3A_29 = arith.muli %scan3A_27, %mul3A_28 : i32
      %gt3A = arith.constant 0 : i32
      %gt3A_30 = arith.cmpi sgt, %scan3A_27, %gt3A : i32
      %convert_element_type3A = arith.extui %gt3A_30 : i1 to i32
      %cond3A = arith.constant 0 : i32
      %cond3A_31 = arith.cmpi ne, %convert_element_type3A, %cond3A : i32
      scf.if %cond3A_31 {
        %dma_wait3A_206 = arith.constant 0 : i32
        %dma_wait3A_207 = tpu.memref_slice %arg4[%mul3A_2, %dma_wait3A_206] : memref<819200x100xf32, #tpu.memory_space<hbm>> -> memref<64x100xf32, #tpu.memory_space<hbm>>
        %dma_wait3A_208 = arith.constant 0 : i32
        %dma_wait3A_209 = tpu.memref_slice %arg4[%mul3A_2, %dma_wait3A_208] : memref<819200x100xf32, #tpu.memory_space<hbm>> -> memref<64x100xf32, #tpu.memory_space<hbm>>
        tpu.wait_dma2 semaphore(%arg21 : memref<!tpu.dma_semaphore, #tpu.memory_space<semaphore_mem>>) src(%arg11 : memref<64x100xf32, #tpu.memory_space<vmem>>) dst(%dma_wait3A_209 : memref<64x100xf32, #tpu.memory_space<hbm>>)
      } else {
      }
      %add3A_32 = arith.constant 0 : i32
      %add3A_33 = arith.addi %mul3A_29, %add3A_32 : i32
      %mul3A_34 = arith.constant 64 : i32
      %mul3A_35 = arith.muli %add3A_33, %mul3A_34 : i32
      %dma_start3A = tpu.memref_slice %arg5[%mul3A_35] : memref<25600xi32, #tpu.memory_space<vmem>> -> memref<64xi32, #tpu.memory_space<vmem>>
      %dma_start3A_36 = arith.constant 0 : i32
      %dma_start3A_37 = arith.constant 0 : i32
      %dma_start3A_38 = tpu.memref_slice %arg2[%dma_start3A_36, %dma_start3A_37] : memref<100002x128xf32, #tpu.memory_space<hbm>> -> memref<100002x128xf32, #tpu.memory_space<hbm>>
      tpu.enqueue_indirect_dma source(%dma_start3A_38 : memref<100002x128xf32, #tpu.memory_space<hbm>>) target(%arg6 : memref<64x128xf32, #tpu.memory_space<vmem>>) offsets(%dma_start3A : memref<64xi32, #tpu.memory_space<vmem>>) semaphore(%arg16 : memref<!tpu.dma_semaphore, #tpu.memory_space<semaphore_mem>>)
      %gt3A_39 = arith.constant 0 : i32
      %gt3A_40 = arith.cmpi sgt, %scan3A_27, %gt3A_39 : i32
      %convert_element_type3A_41 = arith.extui %gt3A_40 : i1 to i32
      %cond3A_42 = arith.constant 0 : i32
      %cond3A_43 = arith.cmpi ne, %convert_element_type3A_41, %cond3A_42 : i32
      scf.if %cond3A_43 {
        %dma_wait3A_206 = arith.constant 0 : i32
        %dma_wait3A_207 = tpu.memref_slice %arg4[%mul3A_2, %dma_wait3A_206] : memref<819200x100xf32, #tpu.memory_space<hbm>> -> memref<64x100xf32, #tpu.memory_space<hbm>>
        %dma_wait3A_208 = arith.constant 0 : i32
        %dma_wait3A_209 = tpu.memref_slice %arg4[%mul3A_2, %dma_wait3A_208] : memref<819200x100xf32, #tpu.memory_space<hbm>> -> memref<64x100xf32, #tpu.memory_space<hbm>>
        tpu.wait_dma2 semaphore(%arg22 : memref<!tpu.dma_semaphore, #tpu.memory_space<semaphore_mem>>) src(%arg12 : memref<64x100xf32, #tpu.memory_space<vmem>>) dst(%dma_wait3A_209 : memref<64x100xf32, #tpu.memory_space<hbm>>)
      } else {
      }
      %add3A_44 = arith.constant 1 : i32
      %add3A_45 = arith.addi %mul3A_29, %add3A_44 : i32
      %mul3A_46 = arith.constant 64 : i32
      %mul3A_47 = arith.muli %add3A_45, %mul3A_46 : i32
      %dma_start3A_48 = tpu.memref_slice %arg5[%mul3A_47] : memref<25600xi32, #tpu.memory_space<vmem>> -> memref<64xi32, #tpu.memory_space<vmem>>
      %dma_start3A_49 = arith.constant 0 : i32
      %dma_start3A_50 = arith.constant 0 : i32
      %dma_start3A_51 = tpu.memref_slice %arg2[%dma_start3A_49, %dma_start3A_50] : memref<100002x128xf32, #tpu.memory_space<hbm>> -> memref<100002x128xf32, #tpu.memory_space<hbm>>
      tpu.enqueue_indirect_dma source(%dma_start3A_51 : memref<100002x128xf32, #tpu.memory_space<hbm>>) target(%arg7 : memref<64x128xf32, #tpu.memory_space<vmem>>) offsets(%dma_start3A_48 : memref<64xi32, #tpu.memory_space<vmem>>) semaphore(%arg17 : memref<!tpu.dma_semaphore, #tpu.memory_space<semaphore_mem>>)
      %gt3A_52 = arith.constant 0 : i32
      %gt3A_53 = arith.cmpi sgt, %scan3A_27, %gt3A_52 : i32
      %convert_element_type3A_54 = arith.extui %gt3A_53 : i1 to i32
      %cond3A_55 = arith.constant 0 : i32
      %cond3A_56 = arith.cmpi ne, %convert_element_type3A_54, %cond3A_55 : i32
      scf.if %cond3A_56 {
        %dma_wait3A_206 = arith.constant 0 : i32
        %dma_wait3A_207 = tpu.memref_slice %arg4[%mul3A_2, %dma_wait3A_206] : memref<819200x100xf32, #tpu.memory_space<hbm>> -> memref<64x100xf32, #tpu.memory_space<hbm>>
        %dma_wait3A_208 = arith.constant 0 : i32
        %dma_wait3A_209 = tpu.memref_slice %arg4[%mul3A_2, %dma_wait3A_208] : memref<819200x100xf32, #tpu.memory_space<hbm>> -> memref<64x100xf32, #tpu.memory_space<hbm>>
        tpu.wait_dma2 semaphore(%arg23 : memref<!tpu.dma_semaphore, #tpu.memory_space<semaphore_mem>>) src(%arg13 : memref<64x100xf32, #tpu.memory_space<vmem>>) dst(%dma_wait3A_209 : memref<64x100xf32, #tpu.memory_space<hbm>>)
      } else {
      }
      %add3A_57 = arith.constant 2 : i32
      %add3A_58 = arith.addi %mul3A_29, %add3A_57 : i32
      %mul3A_59 = arith.constant 64 : i32
      %mul3A_60 = arith.muli %add3A_58, %mul3A_59 : i32
      %dma_start3A_61 = tpu.memref_slice %arg5[%mul3A_60] : memref<25600xi32, #tpu.memory_space<vmem>> -> memref<64xi32, #tpu.memory_space<vmem>>
      %dma_start3A_62 = arith.constant 0 : i32
      %dma_start3A_63 = arith.constant 0 : i32
      %dma_start3A_64 = tpu.memref_slice %arg2[%dma_start3A_62, %dma_start3A_63] : memref<100002x128xf32, #tpu.memory_space<hbm>> -> memref<100002x128xf32, #tpu.memory_space<hbm>>
      tpu.enqueue_indirect_dma source(%dma_start3A_64 : memref<100002x128xf32, #tpu.memory_space<hbm>>) target(%arg8 : memref<64x128xf32, #tpu.memory_space<vmem>>) offsets(%dma_start3A_61 : memref<64xi32, #tpu.memory_space<vmem>>) semaphore(%arg18 : memref<!tpu.dma_semaphore, #tpu.memory_space<semaphore_mem>>)
      %gt3A_65 = arith.constant 0 : i32
      %gt3A_66 = arith.cmpi sgt, %scan3A_27, %gt3A_65 : i32
      %convert_element_type3A_67 = arith.extui %gt3A_66 : i1 to i32
      %cond3A_68 = arith.constant 0 : i32
      %cond3A_69 = arith.cmpi ne, %convert_element_type3A_67, %cond3A_68 : i32
      scf.if %cond3A_69 {
        %dma_wait3A_206 = arith.constant 0 : i32
        %dma_wait3A_207 = tpu.memref_slice %arg4[%mul3A_2, %dma_wait3A_206] : memref<819200x100xf32, #tpu.memory_space<hbm>> -> memref<64x100xf32, #tpu.memory_space<hbm>>
        %dma_wait3A_208 = arith.constant 0 : i32
        %dma_wait3A_209 = tpu.memref_slice %arg4[%mul3A_2, %dma_wait3A_208] : memref<819200x100xf32, #tpu.memory_space<hbm>> -> memref<64x100xf32, #tpu.memory_space<hbm>>
        tpu.wait_dma2 semaphore(%arg24 : memref<!tpu.dma_semaphore, #tpu.memory_space<semaphore_mem>>) src(%arg14 : memref<64x100xf32, #tpu.memory_space<vmem>>) dst(%dma_wait3A_209 : memref<64x100xf32, #tpu.memory_space<hbm>>)
      } else {
      }
      %add3A_70 = arith.constant 3 : i32
      %add3A_71 = arith.addi %mul3A_29, %add3A_70 : i32
      %mul3A_72 = arith.constant 64 : i32
      %mul3A_73 = arith.muli %add3A_71, %mul3A_72 : i32
      %dma_start3A_74 = tpu.memref_slice %arg5[%mul3A_73] : memref<25600xi32, #tpu.memory_space<vmem>> -> memref<64xi32, #tpu.memory_space<vmem>>
      %dma_start3A_75 = arith.constant 0 : i32
      %dma_start3A_76 = arith.constant 0 : i32
      %dma_start3A_77 = tpu.memref_slice %arg2[%dma_start3A_75, %dma_start3A_76] : memref<100002x128xf32, #tpu.memory_space<hbm>> -> memref<100002x128xf32, #tpu.memory_space<hbm>>
      tpu.enqueue_indirect_dma source(%dma_start3A_77 : memref<100002x128xf32, #tpu.memory_space<hbm>>) target(%arg9 : memref<64x128xf32, #tpu.memory_space<vmem>>) offsets(%dma_start3A_74 : memref<64xi32, #tpu.memory_space<vmem>>) semaphore(%arg19 : memref<!tpu.dma_semaphore, #tpu.memory_space<semaphore_mem>>)
      %gt3A_78 = arith.constant 0 : i32
      %gt3A_79 = arith.cmpi sgt, %scan3A_27, %gt3A_78 : i32
      %convert_element_type3A_80 = arith.extui %gt3A_79 : i1 to i32
      %cond3A_81 = arith.constant 0 : i32
      %cond3A_82 = arith.cmpi ne, %convert_element_type3A_80, %cond3A_81 : i32
      scf.if %cond3A_82 {
        %dma_wait3A_206 = arith.constant 0 : i32
        %dma_wait3A_207 = tpu.memref_slice %arg4[%mul3A_2, %dma_wait3A_206] : memref<819200x100xf32, #tpu.memory_space<hbm>> -> memref<64x100xf32, #tpu.memory_space<hbm>>
        %dma_wait3A_208 = arith.constant 0 : i32
        %dma_wait3A_209 = tpu.memref_slice %arg4[%mul3A_2, %dma_wait3A_208] : memref<819200x100xf32, #tpu.memory_space<hbm>> -> memref<64x100xf32, #tpu.memory_space<hbm>>
        tpu.wait_dma2 semaphore(%arg25 : memref<!tpu.dma_semaphore, #tpu.memory_space<semaphore_mem>>) src(%arg15 : memref<64x100xf32, #tpu.memory_space<vmem>>) dst(%dma_wait3A_209 : memref<64x100xf32, #tpu.memory_space<hbm>>)
      } else {
      }
      %add3A_83 = arith.constant 4 : i32
      %add3A_84 = arith.addi %mul3A_29, %add3A_83 : i32
      %mul3A_85 = arith.constant 64 : i32
      %mul3A_86 = arith.muli %add3A_84, %mul3A_85 : i32
      %dma_start3A_87 = tpu.memref_slice %arg5[%mul3A_86] : memref<25600xi32, #tpu.memory_space<vmem>> -> memref<64xi32, #tpu.memory_space<vmem>>
      %dma_start3A_88 = arith.constant 0 : i32
      %dma_start3A_89 = arith.constant 0 : i32
      %dma_start3A_90 = tpu.memref_slice %arg2[%dma_start3A_88, %dma_start3A_89] : memref<100002x128xf32, #tpu.memory_space<hbm>> -> memref<100002x128xf32, #tpu.memory_space<hbm>>
      tpu.enqueue_indirect_dma source(%dma_start3A_90 : memref<100002x128xf32, #tpu.memory_space<hbm>>) target(%arg10 : memref<64x128xf32, #tpu.memory_space<vmem>>) offsets(%dma_start3A_87 : memref<64xi32, #tpu.memory_space<vmem>>) semaphore(%arg20 : memref<!tpu.dma_semaphore, #tpu.memory_space<semaphore_mem>>)
      %add3A_91 = arith.constant 0 : i32
      %add3A_92 = arith.addi %mul3A_29, %add3A_91 : i32
      %mul3A_93 = arith.constant 64 : i32
      %mul3A_94 = arith.muli %add3A_92, %mul3A_93 : i32
      %dma_wait3A_95 = tpu.memref_slice %arg5[%mul3A_94] : memref<25600xi32, #tpu.memory_space<vmem>> -> memref<64xi32, #tpu.memory_space<vmem>>
      %dma_wait3A_96 = arith.constant 0 : i32
      %dma_wait3A_97 = arith.constant 0 : i32
      %dma_wait3A_98 = tpu.memref_slice %arg2[%dma_wait3A_96, %dma_wait3A_97] : memref<100002x128xf32, #tpu.memory_space<hbm>> -> memref<100002x128xf32, #tpu.memory_space<hbm>>
      tpu.wait_indirect_dma semaphore(%arg16 : memref<!tpu.dma_semaphore, #tpu.memory_space<semaphore_mem>>) src(%dma_wait3A_98 : memref<100002x128xf32, #tpu.memory_space<hbm>>) dst(%arg6 : memref<64x128xf32, #tpu.memory_space<vmem>>)
      %scan3A_99 = arith.constant 0 : i32
      %scan3A_100 = arith.constant 0 : i32
      %scan3A_101 = arith.constant 16 : i32
      %scan3A_102 = arith.addi %scan3A_100, %scan3A_101 : i32
      %scan3A_103 = arith.constant 1 : i32
      scf.for %scan3A_206 = %scan3A_100 to %scan3A_102 step %scan3A_103  : i32 {
        %mul3A_207 = arith.constant 4 : i32
        %mul3A_208 = arith.muli %scan3A_206, %mul3A_207 : i32
        %add3A_209 = arith.constant 0 : i32
        %add3A_210 = arith.addi %mul3A_208, %add3A_209 : i32
        %get3A = arith.index_cast %add3A_210 : i32 to index
        %get3A_211 = arith.constant 0 : index
        %get3A_212 = tpu.vector_load %arg6[%get3A, %get3A_211] {strides = array<i32>} : memref<64x128xf32, #tpu.memory_space<vmem>>, vector<1x16xf32>,
        %get3A_213 = vector.shape_cast %get3A_212 : vector<1x16xf32> to vector<16xf32>
        %add3A_214 = arith.constant 0 : i32
        %add3A_215 = arith.addi %mul3A_208, %add3A_214 : i32
        %swap3A = arith.index_cast %add3A_215 : i32 to index
        %swap3A_216 = arith.constant 0 : index
        %swap3A_217 = tpu.vector_load %arg11[%swap3A, %swap3A_216] {strides = array<i32>} : memref<64x100xf32, #tpu.memory_space<vmem>>, vector<1x16xf32>,
        %swap3A_218 = vector.shape_cast %swap3A_217 : vector<1x16xf32> to vector<16xf32>
        %swap3A_219 = vector.shape_cast %get3A_213 : vector<16xf32> to vector<1x16xf32>
        tpu.vector_store %arg11[%swap3A, %swap3A_216], %swap3A_219 {strides = array<i32>} : memref<64x100xf32, #tpu.memory_space<vmem>>, vector<1x16xf32>,
        %add3A_220 = arith.constant 0 : i32
        %add3A_221 = arith.addi %mul3A_208, %add3A_220 : i32
        %get3A_222 = arith.index_cast %add3A_221 : i32 to index
        %get3A_223 = arith.constant 16 : index
        %get3A_224 = tpu.vector_load %arg6[%get3A_222, %get3A_223] {strides = array<i32>} : memref<64x128xf32, #tpu.memory_space<vmem>>, vector<1x16xf32>,
        %get3A_225 = vector.shape_cast %get3A_224 : vector<1x16xf32> to vector<16xf32>
        %add3A_226 = arith.constant 0 : i32
        %add3A_227 = arith.addi %mul3A_208, %add3A_226 : i32
        %swap3A_228 = arith.index_cast %add3A_227 : i32 to index
        %swap3A_229 = arith.constant 16 : index
        %swap3A_230 = tpu.vector_load %arg11[%swap3A_228, %swap3A_229] {strides = array<i32>} : memref<64x100xf32, #tpu.memory_space<vmem>>, vector<1x16xf32>,
        %swap3A_231 = vector.shape_cast %swap3A_230 : vector<1x16xf32> to vector<16xf32>
        %swap3A_232 = vector.shape_cast %get3A_225 : vector<16xf32> to vector<1x16xf32>
        tpu.vector_store %arg11[%swap3A_228, %swap3A_229], %swap3A_232 {strides = array<i32>} : memref<64x100xf32, #tpu.memory_space<vmem>>, vector<1x16xf32>,
        %add3A_233 = arith.constant 0 : i32
        %add3A_234 = arith.addi %mul3A_208, %add3A_233 : i32
        %get3A_235 = arith.index_cast %add3A_234 : i32 to index
        %get3A_236 = arith.constant 32 : index
        %get3A_237 = tpu.vector_load %arg6[%get3A_235, %get3A_236] {strides = array<i32>} : memref<64x128xf32, #tpu.memory_space<vmem>>, vector<1x16xf32>,
        %get3A_238 = vector.shape_cast %get3A_237 : vector<1x16xf32> to vector<16xf32>
        %add3A_239 = arith.constant 0 : i32
        %add3A_240 = arith.addi %mul3A_208, %add3A_239 : i32
        %swap3A_241 = arith.index_cast %add3A_240 : i32 to index
        %swap3A_242 = arith.constant 32 : index
        %swap3A_243 = tpu.vector_load %arg11[%swap3A_241, %swap3A_242] {strides = array<i32>} : memref<64x100xf32, #tpu.memory_space<vmem>>, vector<1x16xf32>,
        %swap3A_244 = vector.shape_cast %swap3A_243 : vector<1x16xf32> to vector<16xf32>
        %swap3A_245 = vector.shape_cast %get3A_238 : vector<16xf32> to vector<1x16xf32>
        tpu.vector_store %arg11[%swap3A_241, %swap3A_242], %swap3A_245 {strides = array<i32>} : memref<64x100xf32, #tpu.memory_space<vmem>>, vector<1x16xf32>,
        %add3A_246 = arith.constant 0 : i32
        %add3A_247 = arith.addi %mul3A_208, %add3A_246 : i32
        %get3A_248 = arith.index_cast %add3A_247 : i32 to index
        %get3A_249 = arith.constant 48 : index
        %get3A_250 = tpu.vector_load %arg6[%get3A_248, %get3A_249] {strides = array<i32>} : memref<64x128xf32, #tpu.memory_space<vmem>>, vector<1x16xf32>,
        %get3A_251 = vector.shape_cast %get3A_250 : vector<1x16xf32> to vector<16xf32>
        %add3A_252 = arith.constant 0 : i32
        %add3A_253 = arith.addi %mul3A_208, %add3A_252 : i32
        %swap3A_254 = arith.index_cast %add3A_253 : i32 to index
        %swap3A_255 = arith.constant 48 : index
        %swap3A_256 = tpu.vector_load %arg11[%swap3A_254, %swap3A_255] {strides = array<i32>} : memref<64x100xf32, #tpu.memory_space<vmem>>, vector<1x16xf32>,
        %swap3A_257 = vector.shape_cast %swap3A_256 : vector<1x16xf32> to vector<16xf32>
        %swap3A_258 = vector.shape_cast %get3A_251 : vector<16xf32> to vector<1x16xf32>
        tpu.vector_store %arg11[%swap3A_254, %swap3A_255], %swap3A_258 {strides = array<i32>} : memref<64x100xf32, #tpu.memory_space<vmem>>, vector<1x16xf32>,
        %add3A_259 = arith.constant 0 : i32
        %add3A_260 = arith.addi %mul3A_208, %add3A_259 : i32
        %get3A_261 = arith.index_cast %add3A_260 : i32 to index
        %get3A_262 = arith.constant 64 : index
        %get3A_263 = tpu.vector_load %arg6[%get3A_261, %get3A_262] {strides = array<i32>} : memref<64x128xf32, #tpu.memory_space<vmem>>, vector<1x16xf32>,
        %get3A_264 = vector.shape_cast %get3A_263 : vector<1x16xf32> to vector<16xf32>
        %add3A_265 = arith.constant 0 : i32
        %add3A_266 = arith.addi %mul3A_208, %add3A_265 : i32
        %swap3A_267 = arith.index_cast %add3A_266 : i32 to index
        %swap3A_268 = arith.constant 64 : index
        %swap3A_269 = tpu.vector_load %arg11[%swap3A_267, %swap3A_268] {strides = array<i32>} : memref<64x100xf32, #tpu.memory_space<vmem>>, vector<1x16xf32>,
        %swap3A_270 = vector.shape_cast %swap3A_269 : vector<1x16xf32> to vector<16xf32>
        %swap3A_271 = vector.shape_cast %get3A_264 : vector<16xf32> to vector<1x16xf32>
        tpu.vector_store %arg11[%swap3A_267, %swap3A_268], %swap3A_271 {strides = array<i32>} : memref<64x100xf32, #tpu.memory_space<vmem>>, vector<1x16xf32>,
        %add3A_272 = arith.constant 0 : i32
        %add3A_273 = arith.addi %mul3A_208, %add3A_272 : i32
        %get3A_274 = arith.index_cast %add3A_273 : i32 to index
        %get3A_275 = arith.constant 80 : index
        %get3A_276 = tpu.vector_load %arg6[%get3A_274, %get3A_275] {strides = array<i32>} : memref<64x128xf32, #tpu.memory_space<vmem>>, vector<1x16xf32>,
        %get3A_277 = vector.shape_cast %get3A_276 : vector<1x16xf32> to vector<16xf32>
        %add3A_278 = arith.constant 0 : i32
        %add3A_279 = arith.addi %mul3A_208, %add3A_278 : i32
        %swap3A_280 = arith.index_cast %add3A_279 : i32 to index
        %swap3A_281 = arith.constant 80 : index
        %swap3A_282 = tpu.vector_load %arg11[%swap3A_280, %swap3A_281] {strides = array<i32>} : memref<64x100xf32, #tpu.memory_space<vmem>>, vector<1x16xf32>,
        %swap3A_283 = vector.shape_cast %swap3A_282 : vector<1x16xf32> to vector<16xf32>
        %swap3A_284 = vector.shape_cast %get3A_277 : vector<16xf32> to vector<1x16xf32>
        tpu.vector_store %arg11[%swap3A_280, %swap3A_281], %swap3A_284 {strides = array<i32>} : memref<64x100xf32, #tpu.memory_space<vmem>>, vector<1x16xf32>,
        %add3A_285 = arith.constant 0 : i32
        %add3A_286 = arith.addi %mul3A_208, %add3A_285 : i32
        %get3A_287 = arith.index_cast %add3A_286 : i32 to index
        %get3A_288 = arith.constant 84 : index
        %get3A_289 = tpu.vector_load %arg6[%get3A_287, %get3A_288] {strides = array<i32>} : memref<64x128xf32, #tpu.memory_space<vmem>>, vector<1x16xf32>,
        %get3A_290 = vector.shape_cast %get3A_289 : vector<1x16xf32> to vector<16xf32>
        %add3A_291 = arith.constant 0 : i32
        %add3A_292 = arith.addi %mul3A_208, %add3A_291 : i32
        %swap3A_293 = arith.index_cast %add3A_292 : i32 to index
        %swap3A_294 = arith.constant 84 : index
        %swap3A_295 = tpu.vector_load %arg11[%swap3A_293, %swap3A_294] {strides = array<i32>} : memref<64x100xf32, #tpu.memory_space<vmem>>, vector<1x16xf32>,
        %swap3A_296 = vector.shape_cast %swap3A_295 : vector<1x16xf32> to vector<16xf32>
        %swap3A_297 = vector.shape_cast %get3A_290 : vector<16xf32> to vector<1x16xf32>
        tpu.vector_store %arg11[%swap3A_293, %swap3A_294], %swap3A_297 {strides = array<i32>} : memref<64x100xf32, #tpu.memory_space<vmem>>, vector<1x16xf32>,
        %add3A_298 = arith.constant 1 : i32
        %add3A_299 = arith.addi %mul3A_208, %add3A_298 : i32
        %get3A_300 = arith.index_cast %add3A_299 : i32 to index
        %get3A_301 = arith.constant 0 : index
        %get3A_302 = tpu.vector_load %arg6[%get3A_300, %get3A_301] {strides = array<i32>} : memref<64x128xf32, #tpu.memory_space<vmem>>, vector<1x16xf32>,
        %get3A_303 = vector.shape_cast %get3A_302 : vector<1x16xf32> to vector<16xf32>
        %add3A_304 = arith.constant 1 : i32
        %add3A_305 = arith.addi %mul3A_208, %add3A_304 : i32
        %swap3A_306 = arith.index_cast %add3A_305 : i32 to index
        %swap3A_307 = arith.constant 0 : index
        %swap3A_308 = tpu.vector_load %arg11[%swap3A_306, %swap3A_307] {strides = array<i32>} : memref<64x100xf32, #tpu.memory_space<vmem>>, vector<1x16xf32>,
        %swap3A_309 = vector.shape_cast %swap3A_308 : vector<1x16xf32> to vector<16xf32>
        %swap3A_310 = vector.shape_cast %get3A_303 : vector<16xf32> to vector<1x16xf32>
        tpu.vector_store %arg11[%swap3A_306, %swap3A_307], %swap3A_310 {strides = array<i32>} : memref<64x100xf32, #tpu.memory_space<vmem>>, vector<1x16xf32>,
        %add3A_311 = arith.constant 1 : i32
        %add3A_312 = arith.addi %mul3A_208, %add3A_311 : i32
        %get3A_313 = arith.index_cast %add3A_312 : i32 to index
        %get3A_314 = arith.constant 16 : index
        %get3A_315 = tpu.vector_load %arg6[%get3A_313, %get3A_314] {strides = array<i32>} : memref<64x128xf32, #tpu.memory_space<vmem>>, vector<1x16xf32>,
        %get3A_316 = vector.shape_cast %get3A_315 : vector<1x16xf32> to vector<16xf32>
        %add3A_317 = arith.constant 1 : i32
        %add3A_318 = arith.addi %mul3A_208, %add3A_317 : i32
        %swap3A_319 = arith.index_cast %add3A_318 : i32 to index
        %swap3A_320 = arith.constant 16 : index
        %swap3A_321 = tpu.vector_load %arg11[%swap3A_319, %swap3A_320] {strides = array<i32>} : memref<64x100xf32, #tpu.memory_space<vmem>>, vector<1x16xf32>,
        %swap3A_322 = vector.shape_cast %swap3A_321 : vector<1x16xf32> to vector<16xf32>
        %swap3A_323 = vector.shape_cast %get3A_316 : vector<16xf32> to vector<1x16xf32>
        tpu.vector_store %arg11[%swap3A_319, %swap3A_320], %swap3A_323 {strides = array<i32>} : memref<64x100xf32, #tpu.memory_space<vmem>>, vector<1x16xf32>,
        %add3A_324 = arith.constant 1 : i32
        %add3A_325 = arith.addi %mul3A_208, %add3A_324 : i32
        %get3A_326 = arith.index_cast %add3A_325 : i32 to index
        %get3A_327 = arith.constant 32 : index
        %get3A_328 = tpu.vector_load %arg6[%get3A_326, %get3A_327] {strides = array<i32>} : memref<64x128xf32, #tpu.memory_space<vmem>>, vector<1x16xf32>,
        %get3A_329 = vector.shape_cast %get3A_328 : vector<1x16xf32> to vector<16xf32>
        %add3A_330 = arith.constant 1 : i32
        %add3A_331 = arith.addi %mul3A_208, %add3A_330 : i32
        %swap3A_332 = arith.index_cast %add3A_331 : i32 to index
        %swap3A_333 = arith.constant 32 : index
        %swap3A_334 = tpu.vector_load %arg11[%swap3A_332, %swap3A_333] {strides = array<i32>} : memref<64x100xf32, #tpu.memory_space<vmem>>, vector<1x16xf32>,
        %swap3A_335 = vector.shape_cast %swap3A_334 : vector<1x16xf32> to vector<16xf32>
        %swap3A_336 = vector.shape_cast %get3A_329 : vector<16xf32> to vector<1x16xf32>
        tpu.vector_store %arg11[%swap3A_332, %swap3A_333], %swap3A_336 {strides = array<i32>} : memref<64x100xf32, #tpu.memory_space<vmem>>, vector<1x16xf32>,
        %add3A_337 = arith.constant 1 : i32
        %add3A_338 = arith.addi %mul3A_208, %add3A_337 : i32
        %get3A_339 = arith.index_cast %add3A_338 : i32 to index
        %get3A_340 = arith.constant 48 : index
        %get3A_341 = tpu.vector_load %arg6[%get3A_339, %get3A_340] {strides = array<i32>} : memref<64x128xf32, #tpu.memory_space<vmem>>, vector<1x16xf32>,
        %get3A_342 = vector.shape_cast %get3A_341 : vector<1x16xf32> to vector<16xf32>
        %add3A_343 = arith.constant 1 : i32
        %add3A_344 = arith.addi %mul3A_208, %add3A_343 : i32
        %swap3A_345 = arith.index_cast %add3A_344 : i32 to index
        %swap3A_346 = arith.constant 48 : index
        %swap3A_347 = tpu.vector_load %arg11[%swap3A_345, %swap3A_346] {strides = array<i32>} : memref<64x100xf32, #tpu.memory_space<vmem>>, vector<1x16xf32>,
        %swap3A_348 = vector.shape_cast %swap3A_347 : vector<1x16xf32> to vector<16xf32>
        %swap3A_349 = vector.shape_cast %get3A_342 : vector<16xf32> to vector<1x16xf32>
        tpu.vector_store %arg11[%swap3A_345, %swap3A_346], %swap3A_349 {strides = array<i32>} : memref<64x100xf32, #tpu.memory_space<vmem>>, vector<1x16xf32>,
        %add3A_350 = arith.constant 1 : i32
        %add3A_351 = arith.addi %mul3A_208, %add3A_350 : i32
        %get3A_352 = arith.index_cast %add3A_351 : i32 to index
        %get3A_353 = arith.constant 64 : index
        %get3A_354 = tpu.vector_load %arg6[%get3A_352, %get3A_353] {strides = array<i32>} : memref<64x128xf32, #tpu.memory_space<vmem>>, vector<1x16xf32>,
        %get3A_355 = vector.shape_cast %get3A_354 : vector<1x16xf32> to vector<16xf32>
        %add3A_356 = arith.constant 1 : i32
        %add3A_357 = arith.addi %mul3A_208, %add3A_356 : i32
        %swap3A_358 = arith.index_cast %add3A_357 : i32 to index
        %swap3A_359 = arith.constant 64 : index
        %swap3A_360 = tpu.vector_load %arg11[%swap3A_358, %swap3A_359] {strides = array<i32>} : memref<64x100xf32, #tpu.memory_space<vmem>>, vector<1x16xf32>,
        %swap3A_361 = vector.shape_cast %swap3A_360 : vector<1x16xf32> to vector<16xf32>
        %swap3A_362 = vector.shape_cast %get3A_355 : vector<16xf32> to vector<1x16xf32>
        tpu.vector_store %arg11[%swap3A_358, %swap3A_359], %swap3A_362 {strides = array<i32>} : memref<64x100xf32, #tpu.memory_space<vmem>>, vector<1x16xf32>,
        %add3A_363 = arith.constant 1 : i32
        %add3A_364 = arith.addi %mul3A_208, %add3A_363 : i32
        %get3A_365 = arith.index_cast %add3A_364 : i32 to index
        %get3A_366 = arith.constant 80 : index
        %get3A_367 = tpu.vector_load %arg6[%get3A_365, %get3A_366] {strides = array<i32>} : memref<64x128xf32, #tpu.memory_space<vmem>>, vector<1x16xf32>,
        %get3A_368 = vector.shape_cast %get3A_367 : vector<1x16xf32> to vector<16xf32>
        %add3A_369 = arith.constant 1 : i32
        %add3A_370 = arith.addi %mul3A_208, %add3A_369 : i32
        %swap3A_371 = arith.index_cast %add3A_370 : i32 to index
        %swap3A_372 = arith.constant 80 : index
        %swap3A_373 = tpu.vector_load %arg11[%swap3A_371, %swap3A_372] {strides = array<i32>} : memref<64x100xf32, #tpu.memory_space<vmem>>, vector<1x16xf32>,
        %swap3A_374 = vector.shape_cast %swap3A_373 : vector<1x16xf32> to vector<16xf32>
        %swap3A_375 = vector.shape_cast %get3A_368 : vector<16xf32> to vector<1x16xf32>
        tpu.vector_store %arg11[%swap3A_371, %swap3A_372], %swap3A_375 {strides = array<i32>} : memref<64x100xf32, #tpu.memory_space<vmem>>, vector<1x16xf32>,
        %add3A_376 = arith.constant 1 : i32
        %add3A_377 = arith.addi %mul3A_208, %add3A_376 : i32
        %get3A_378 = arith.index_cast %add3A_377 : i32 to index
        %get3A_379 = arith.constant 84 : index
        %get3A_380 = tpu.vector_load %arg6[%get3A_378, %get3A_379] {strides = array<i32>} : memref<64x128xf32, #tpu.memory_space<vmem>>, vector<1x16xf32>,
        %get3A_381 = vector.shape_cast %get3A_380 : vector<1x16xf32> to vector<16xf32>
        %add3A_382 = arith.constant 1 : i32
        %add3A_383 = arith.addi %mul3A_208, %add3A_382 : i32
        %swap3A_384 = arith.index_cast %add3A_383 : i32 to index
        %swap3A_385 = arith.constant 84 : index
        %swap3A_386 = tpu.vector_load %arg11[%swap3A_384, %swap3A_385] {strides = array<i32>} : memref<64x100xf32, #tpu.memory_space<vmem>>, vector<1x16xf32>,
        %swap3A_387 = vector.shape_cast %swap3A_386 : vector<1x16xf32> to vector<16xf32>
        %swap3A_388 = vector.shape_cast %get3A_381 : vector<16xf32> to vector<1x16xf32>
        tpu.vector_store %arg11[%swap3A_384, %swap3A_385], %swap3A_388 {strides = array<i32>} : memref<64x100xf32, #tpu.memory_space<vmem>>, vector<1x16xf32>,
        %add3A_389 = arith.constant 2 : i32
        %add3A_390 = arith.addi %mul3A_208, %add3A_389 : i32
        %get3A_391 = arith.index_cast %add3A_390 : i32 to index
        %get3A_392 = arith.constant 0 : index
        %get3A_393 = tpu.vector_load %arg6[%get3A_391, %get3A_392] {strides = array<i32>} : memref<64x128xf32, #tpu.memory_space<vmem>>, vector<1x16xf32>,
        %get3A_394 = vector.shape_cast %get3A_393 : vector<1x16xf32> to vector<16xf32>
        %add3A_395 = arith.constant 2 : i32
        %add3A_396 = arith.addi %mul3A_208, %add3A_395 : i32
        %swap3A_397 = arith.index_cast %add3A_396 : i32 to index
        %swap3A_398 = arith.constant 0 : index
        %swap3A_399 = tpu.vector_load %arg11[%swap3A_397, %swap3A_398] {strides = array<i32>} : memref<64x100xf32, #tpu.memory_space<vmem>>, vector<1x16xf32>,
        %swap3A_400 = vector.shape_cast %swap3A_399 : vector<1x16xf32> to vector<16xf32>
        %swap3A_401 = vector.shape_cast %get3A_394 : vector<16xf32> to vector<1x16xf32>
        tpu.vector_store %arg11[%swap3A_397, %swap3A_398], %swap3A_401 {strides = array<i32>} : memref<64x100xf32, #tpu.memory_space<vmem>>, vector<1x16xf32>,
        %add3A_402 = arith.constant 2 : i32
        %add3A_403 = arith.addi %mul3A_208, %add3A_402 : i32
        %get3A_404 = arith.index_cast %add3A_403 : i32 to index
        %get3A_405 = arith.constant 16 : index
        %get3A_406 = tpu.vector_load %arg6[%get3A_404, %get3A_405] {strides = array<i32>} : memref<64x128xf32, #tpu.memory_space<vmem>>, vector<1x16xf32>,
        %get3A_407 = vector.shape_cast %get3A_406 : vector<1x16xf32> to vector<16xf32>
        %add3A_408 = arith.constant 2 : i32
        %add3A_409 = arith.addi %mul3A_208, %add3A_408 : i32
        %swap3A_410 = arith.index_cast %add3A_409 : i32 to index
        %swap3A_411 = arith.constant 16 : index
        %swap3A_412 = tpu.vector_load %arg11[%swap3A_410, %swap3A_411] {strides = array<i32>} : memref<64x100xf32, #tpu.memory_space<vmem>>, vector<1x16xf32>,
        %swap3A_413 = vector.shape_cast %swap3A_412 : vector<1x16xf32> to vector<16xf32>
        %swap3A_414 = vector.shape_cast %get3A_407 : vector<16xf32> to vector<1x16xf32>
        tpu.vector_store %arg11[%swap3A_410, %swap3A_411], %swap3A_414 {strides = array<i32>} : memref<64x100xf32, #tpu.memory_space<vmem>>, vector<1x16xf32>,
        %add3A_415 = arith.constant 2 : i32
        %add3A_416 = arith.addi %mul3A_208, %add3A_415 : i32
        %get3A_417 = arith.index_cast %add3A_416 : i32 to index
        %get3A_418 = arith.constant 32 : index
        %get3A_419 = tpu.vector_load %arg6[%get3A_417, %get3A_418] {strides = array<i32>} : memref<64x128xf32, #tpu.memory_space<vmem>>, vector<1x16xf32>,
        %get3A_420 = vector.shape_cast %get3A_419 : vector<1x16xf32> to vector<16xf32>
        %add3A_421 = arith.constant 2 : i32
        %add3A_422 = arith.addi %mul3A_208, %add3A_421 : i32
        %swap3A_423 = arith.index_cast %add3A_422 : i32 to index
        %swap3A_424 = arith.constant 32 : index
        %swap3A_425 = tpu.vector_load %arg11[%swap3A_423, %swap3A_424] {strides = array<i32>} : memref<64x100xf32, #tpu.memory_space<vmem>>, vector<1x16xf32>,
        %swap3A_426 = vector.shape_cast %swap3A_425 : vector<1x16xf32> to vector<16xf32>
        %swap3A_427 = vector.shape_cast %get3A_420 : vector<16xf32> to vector<1x16xf32>
        tpu.vector_store %arg11[%swap3A_423, %swap3A_424], %swap3A_427 {strides = array<i32>} : memref<64x100xf32, #tpu.memory_space<vmem>>, vector<1x16xf32>,
        %add3A_428 = arith.constant 2 : i32
        %add3A_429 = arith.addi %mul3A_208, %add3A_428 : i32
        %get3A_430 = arith.index_cast %add3A_429 : i32 to index
        %get3A_431 = arith.constant 48 : index
        %get3A_432 = tpu.vector_load %arg6[%get3A_430, %get3A_431] {strides = array<i32>} : memref<64x128xf32, #tpu.memory_space<vmem>>, vector<1x16xf32>,
        %get3A_433 = vector.shape_cast %get3A_432 : vector<1x16xf32> to vector<16xf32>
        %add3A_434 = arith.constant 2 : i32
        %add3A_435 = arith.addi %mul3A_208, %add3A_434 : i32
        %swap3A_436 = arith.index_cast %add3A_435 : i32 to index
        %swap3A_437 = arith.constant 48 : index
        %swap3A_438 = tpu.vector_load %arg11[%swap3A_436, %swap3A_437] {strides = array<i32>} : memref<64x100xf32, #tpu.memory_space<vmem>>, vector<1x16xf32>,
        %swap3A_439 = vector.shape_cast %swap3A_438 : vector<1x16xf32> to vector<16xf32>
        %swap3A_440 = vector.shape_cast %get3A_433 : vector<16xf32> to vector<1x16xf32>
        tpu.vector_store %arg11[%swap3A_436, %swap3A_437], %swap3A_440 {strides = array<i32>} : memref<64x100xf32, #tpu.memory_space<vmem>>, vector<1x16xf32>,
        %add3A_441 = arith.constant 2 : i32
        %add3A_442 = arith.addi %mul3A_208, %add3A_441 : i32
        %get3A_443 = arith.index_cast %add3A_442 : i32 to index
        %get3A_444 = arith.constant 64 : index
        %get3A_445 = tpu.vector_load %arg6[%get3A_443, %get3A_444] {strides = array<i32>} : memref<64x128xf32, #tpu.memory_space<vmem>>, vector<1x16xf32>,
        %get3A_446 = vector.shape_cast %get3A_445 : vector<1x16xf32> to vector<16xf32>
        %add3A_447 = arith.constant 2 : i32
        %add3A_448 = arith.addi %mul3A_208, %add3A_447 : i32
        %swap3A_449 = arith.index_cast %add3A_448 : i32 to index
        %swap3A_450 = arith.constant 64 : index
        %swap3A_451 = tpu.vector_load %arg11[%swap3A_449, %swap3A_450] {strides = array<i32>} : memref<64x100xf32, #tpu.memory_space<vmem>>, vector<1x16xf32>,
        %swap3A_452 = vector.shape_cast %swap3A_451 : vector<1x16xf32> to vector<16xf32>
        %swap3A_453 = vector.shape_cast %get3A_446 : vector<16xf32> to vector<1x16xf32>
        tpu.vector_store %arg11[%swap3A_449, %swap3A_450], %swap3A_453 {strides = array<i32>} : memref<64x100xf32, #tpu.memory_space<vmem>>, vector<1x16xf32>,
        %add3A_454 = arith.constant 2 : i32
        %add3A_455 = arith.addi %mul3A_208, %add3A_454 : i32
        %get3A_456 = arith.index_cast %add3A_455 : i32 to index
        %get3A_457 = arith.constant 80 : index
        %get3A_458 = tpu.vector_load %arg6[%get3A_456, %get3A_457] {strides = array<i32>} : memref<64x128xf32, #tpu.memory_space<vmem>>, vector<1x16xf32>,
        %get3A_459 = vector.shape_cast %get3A_458 : vector<1x16xf32> to vector<16xf32>
        %add3A_460 = arith.constant 2 : i32
        %add3A_461 = arith.addi %mul3A_208, %add3A_460 : i32
        %swap3A_462 = arith.index_cast %add3A_461 : i32 to index
        %swap3A_463 = arith.constant 80 : index
        %swap3A_464 = tpu.vector_load %arg11[%swap3A_462, %swap3A_463] {strides = array<i32>} : memref<64x100xf32, #tpu.memory_space<vmem>>, vector<1x16xf32>,
        %swap3A_465 = vector.shape_cast %swap3A_464 : vector<1x16xf32> to vector<16xf32>
        %swap3A_466 = vector.shape_cast %get3A_459 : vector<16xf32> to vector<1x16xf32>
        tpu.vector_store %arg11[%swap3A_462, %swap3A_463], %swap3A_466 {strides = array<i32>} : memref<64x100xf32, #tpu.memory_space<vmem>>, vector<1x16xf32>,
        %add3A_467 = arith.constant 2 : i32
        %add3A_468 = arith.addi %mul3A_208, %add3A_467 : i32
        %get3A_469 = arith.index_cast %add3A_468 : i32 to index
        %get3A_470 = arith.constant 84 : index
        %get3A_471 = tpu.vector_load %arg6[%get3A_469, %get3A_470] {strides = array<i32>} : memref<64x128xf32, #tpu.memory_space<vmem>>, vector<1x16xf32>,
        %get3A_472 = vector.shape_cast %get3A_471 : vector<1x16xf32> to vector<16xf32>
        %add3A_473 = arith.constant 2 : i32
        %add3A_474 = arith.addi %mul3A_208, %add3A_473 : i32
        %swap3A_475 = arith.index_cast %add3A_474 : i32 to index
        %swap3A_476 = arith.constant 84 : index
        %swap3A_477 = tpu.vector_load %arg11[%swap3A_475, %swap3A_476] {strides = array<i32>} : memref<64x100xf32, #tpu.memory_space<vmem>>, vector<1x16xf32>,
        %swap3A_478 = vector.shape_cast %swap3A_477 : vector<1x16xf32> to vector<16xf32>
        %swap3A_479 = vector.shape_cast %get3A_472 : vector<16xf32> to vector<1x16xf32>
        tpu.vector_store %arg11[%swap3A_475, %swap3A_476], %swap3A_479 {strides = array<i32>} : memref<64x100xf32, #tpu.memory_space<vmem>>, vector<1x16xf32>,
        %add3A_480 = arith.constant 3 : i32
        %add3A_481 = arith.addi %mul3A_208, %add3A_480 : i32
        %get3A_482 = arith.index_cast %add3A_481 : i32 to index
        %get3A_483 = arith.constant 0 : index
        %get3A_484 = tpu.vector_load %arg6[%get3A_482, %get3A_483] {strides = array<i32>} : memref<64x128xf32, #tpu.memory_space<vmem>>, vector<1x16xf32>,
        %get3A_485 = vector.shape_cast %get3A_484 : vector<1x16xf32> to vector<16xf32>
        %add3A_486 = arith.constant 3 : i32
        %add3A_487 = arith.addi %mul3A_208, %add3A_486 : i32
        %swap3A_488 = arith.index_cast %add3A_487 : i32 to index
        %swap3A_489 = arith.constant 0 : index
        %swap3A_490 = tpu.vector_load %arg11[%swap3A_488, %swap3A_489] {strides = array<i32>} : memref<64x100xf32, #tpu.memory_space<vmem>>, vector<1x16xf32>,
        %swap3A_491 = vector.shape_cast %swap3A_490 : vector<1x16xf32> to vector<16xf32>
        %swap3A_492 = vector.shape_cast %get3A_485 : vector<16xf32> to vector<1x16xf32>
        tpu.vector_store %arg11[%swap3A_488, %swap3A_489], %swap3A_492 {strides = array<i32>} : memref<64x100xf32, #tpu.memory_space<vmem>>, vector<1x16xf32>,
        %add3A_493 = arith.constant 3 : i32
        %add3A_494 = arith.addi %mul3A_208, %add3A_493 : i32
        %get3A_495 = arith.index_cast %add3A_494 : i32 to index
        %get3A_496 = arith.constant 16 : index
        %get3A_497 = tpu.vector_load %arg6[%get3A_495, %get3A_496] {strides = array<i32>} : memref<64x128xf32, #tpu.memory_space<vmem>>, vector<1x16xf32>,
        %get3A_498 = vector.shape_cast %get3A_497 : vector<1x16xf32> to vector<16xf32>
        %add3A_499 = arith.constant 3 : i32
        %add3A_500 = arith.addi %mul3A_208, %add3A_499 : i32
        %swap3A_501 = arith.index_cast %add3A_500 : i32 to index
        %swap3A_502 = arith.constant 16 : index
        %swap3A_503 = tpu.vector_load %arg11[%swap3A_501, %swap3A_502] {strides = array<i32>} : memref<64x100xf32, #tpu.memory_space<vmem>>, vector<1x16xf32>,
        %swap3A_504 = vector.shape_cast %swap3A_503 : vector<1x16xf32> to vector<16xf32>
        %swap3A_505 = vector.shape_cast %get3A_498 : vector<16xf32> to vector<1x16xf32>
        tpu.vector_store %arg11[%swap3A_501, %swap3A_502], %swap3A_505 {strides = array<i32>} : memref<64x100xf32, #tpu.memory_space<vmem>>, vector<1x16xf32>,
        %add3A_506 = arith.constant 3 : i32
        %add3A_507 = arith.addi %mul3A_208, %add3A_506 : i32
        %get3A_508 = arith.index_cast %add3A_507 : i32 to index
        %get3A_509 = arith.constant 32 : index
        %get3A_510 = tpu.vector_load %arg6[%get3A_508, %get3A_509] {strides = array<i32>} : memref<64x128xf32, #tpu.memory_space<vmem>>, vector<1x16xf32>,
        %get3A_511 = vector.shape_cast %get3A_510 : vector<1x16xf32> to vector<16xf32>
        %add3A_512 = arith.constant 3 : i32
        %add3A_513 = arith.addi %mul3A_208, %add3A_512 : i32
        %swap3A_514 = arith.index_cast %add3A_513 : i32 to index
        %swap3A_515 = arith.constant 32 : index
        %swap3A_516 = tpu.vector_load %arg11[%swap3A_514, %swap3A_515] {strides = array<i32>} : memref<64x100xf32, #tpu.memory_space<vmem>>, vector<1x16xf32>,
        %swap3A_517 = vector.shape_cast %swap3A_516 : vector<1x16xf32> to vector<16xf32>
        %swap3A_518 = vector.shape_cast %get3A_511 : vector<16xf32> to vector<1x16xf32>
        tpu.vector_store %arg11[%swap3A_514, %swap3A_515], %swap3A_518 {strides = array<i32>} : memref<64x100xf32, #tpu.memory_space<vmem>>, vector<1x16xf32>,
        %add3A_519 = arith.constant 3 : i32
        %add3A_520 = arith.addi %mul3A_208, %add3A_519 : i32
        %get3A_521 = arith.index_cast %add3A_520 : i32 to index
        %get3A_522 = arith.constant 48 : index
        %get3A_523 = tpu.vector_load %arg6[%get3A_521, %get3A_522] {strides = array<i32>} : memref<64x128xf32, #tpu.memory_space<vmem>>, vector<1x16xf32>,
        %get3A_524 = vector.shape_cast %get3A_523 : vector<1x16xf32> to vector<16xf32>
        %add3A_525 = arith.constant 3 : i32
        %add3A_526 = arith.addi %mul3A_208, %add3A_525 : i32
        %swap3A_527 = arith.index_cast %add3A_526 : i32 to index
        %swap3A_528 = arith.constant 48 : index
        %swap3A_529 = tpu.vector_load %arg11[%swap3A_527, %swap3A_528] {strides = array<i32>} : memref<64x100xf32, #tpu.memory_space<vmem>>, vector<1x16xf32>,
        %swap3A_530 = vector.shape_cast %swap3A_529 : vector<1x16xf32> to vector<16xf32>
        %swap3A_531 = vector.shape_cast %get3A_524 : vector<16xf32> to vector<1x16xf32>
        tpu.vector_store %arg11[%swap3A_527, %swap3A_528], %swap3A_531 {strides = array<i32>} : memref<64x100xf32, #tpu.memory_space<vmem>>, vector<1x16xf32>,
        %add3A_532 = arith.constant 3 : i32
        %add3A_533 = arith.addi %mul3A_208, %add3A_532 : i32
        %get3A_534 = arith.index_cast %add3A_533 : i32 to index
        %get3A_535 = arith.constant 64 : index
        %get3A_536 = tpu.vector_load %arg6[%get3A_534, %get3A_535] {strides = array<i32>} : memref<64x128xf32, #tpu.memory_space<vmem>>, vector<1x16xf32>,
        %get3A_537 = vector.shape_cast %get3A_536 : vector<1x16xf32> to vector<16xf32>
        %add3A_538 = arith.constant 3 : i32
        %add3A_539 = arith.addi %mul3A_208, %add3A_538 : i32
        %swap3A_540 = arith.index_cast %add3A_539 : i32 to index
        %swap3A_541 = arith.constant 64 : index
        %swap3A_542 = tpu.vector_load %arg11[%swap3A_540, %swap3A_541] {strides = array<i32>} : memref<64x100xf32, #tpu.memory_space<vmem>>, vector<1x16xf32>,
        %swap3A_543 = vector.shape_cast %swap3A_542 : vector<1x16xf32> to vector<16xf32>
        %swap3A_544 = vector.shape_cast %get3A_537 : vector<16xf32> to vector<1x16xf32>
        tpu.vector_store %arg11[%swap3A_540, %swap3A_541], %swap3A_544 {strides = array<i32>} : memref<64x100xf32, #tpu.memory_space<vmem>>, vector<1x16xf32>,
        %add3A_545 = arith.constant 3 : i32
        %add3A_546 = arith.addi %mul3A_208, %add3A_545 : i32
        %get3A_547 = arith.index_cast %add3A_546 : i32 to index
        %get3A_548 = arith.constant 80 : index
        %get3A_549 = tpu.vector_load %arg6[%get3A_547, %get3A_548] {strides = array<i32>} : memref<64x128xf32, #tpu.memory_space<vmem>>, vector<1x16xf32>,
        %get3A_550 = vector.shape_cast %get3A_549 : vector<1x16xf32> to vector<16xf32>
        %add3A_551 = arith.constant 3 : i32
        %add3A_552 = arith.addi %mul3A_208, %add3A_551 : i32
        %swap3A_553 = arith.index_cast %add3A_552 : i32 to index
        %swap3A_554 = arith.constant 80 : index
        %swap3A_555 = tpu.vector_load %arg11[%swap3A_553, %swap3A_554] {strides = array<i32>} : memref<64x100xf32, #tpu.memory_space<vmem>>, vector<1x16xf32>,
        %swap3A_556 = vector.shape_cast %swap3A_555 : vector<1x16xf32> to vector<16xf32>
        %swap3A_557 = vector.shape_cast %get3A_550 : vector<16xf32> to vector<1x16xf32>
        tpu.vector_store %arg11[%swap3A_553, %swap3A_554], %swap3A_557 {strides = array<i32>} : memref<64x100xf32, #tpu.memory_space<vmem>>, vector<1x16xf32>,
        %add3A_558 = arith.constant 3 : i32
        %add3A_559 = arith.addi %mul3A_208, %add3A_558 : i32
        %get3A_560 = arith.index_cast %add3A_559 : i32 to index
        %get3A_561 = arith.constant 84 : index
        %get3A_562 = tpu.vector_load %arg6[%get3A_560, %get3A_561] {strides = array<i32>} : memref<64x128xf32, #tpu.memory_space<vmem>>, vector<1x16xf32>,
        %get3A_563 = vector.shape_cast %get3A_562 : vector<1x16xf32> to vector<16xf32>
        %add3A_564 = arith.constant 3 : i32
        %add3A_565 = arith.addi %mul3A_208, %add3A_564 : i32
        %swap3A_566 = arith.index_cast %add3A_565 : i32 to index
        %swap3A_567 = arith.constant 84 : index
        %swap3A_568 = tpu.vector_load %arg11[%swap3A_566, %swap3A_567] {strides = array<i32>} : memref<64x100xf32, #tpu.memory_space<vmem>>, vector<1x16xf32>,
        %swap3A_569 = vector.shape_cast %swap3A_568 : vector<1x16xf32> to vector<16xf32>
        %swap3A_570 = vector.shape_cast %get3A_563 : vector<16xf32> to vector<1x16xf32>
        tpu.vector_store %arg11[%swap3A_566, %swap3A_567], %swap3A_570 {strides = array<i32>} : memref<64x100xf32, #tpu.memory_space<vmem>>, vector<1x16xf32>,
      }
      %scan3A_104 = arith.constant 16 : i32
      %add3A_105 = arith.constant 0 : i32
      %add3A_106 = arith.addi %mul3A_29, %add3A_105 : i32
      %mul3A_107 = arith.constant 64 : i32
      %mul3A_108 = arith.muli %add3A_106, %mul3A_107 : i32
      %add3A_109 = arith.addi %mul3A_2, %mul3A_108 : i32
      %dma_start3A_110 = arith.constant 0 : i32
      %dma_start3A_111 = tpu.memref_slice %arg4[%add3A_109, %dma_start3A_110] : memref<819200x100xf32, #tpu.memory_space<hbm>> -> memref<64x100xf32, #tpu.memory_space<hbm>>
      %dma_start3A_112 = arith.constant 0 : i32
      %dma_start3A_113 = tpu.memref_slice %arg4[%add3A_109, %dma_start3A_112] : memref<819200x100xf32, #tpu.memory_space<hbm>> -> memref<64x100xf32, #tpu.memory_space<hbm>>
      tpu.enqueue_dma source(%arg11 : memref<64x100xf32, #tpu.memory_space<vmem>>) target(%dma_start3A_113 : memref<64x100xf32, #tpu.memory_space<hbm>>) target_semaphore(%arg21 : memref<!tpu.dma_semaphore, #tpu.memory_space<semaphore_mem>>)
      %add3A_114 = arith.constant 1 : i32
      %add3A_115 = arith.addi %mul3A_29, %add3A_114 : i32
      %mul3A_116 = arith.constant 64 : i32
      %mul3A_117 = arith.muli %add3A_115, %mul3A_116 : i32
      %dma_wait3A_118 = tpu.memref_slice %arg5[%mul3A_117] : memref<25600xi32, #tpu.memory_space<vmem>> -> memref<64xi32, #tpu.memory_space<vmem>>
      %dma_wait3A_119 = arith.constant 0 : i32
      %dma_wait3A_120 = arith.constant 0 : i32
      %dma_wait3A_121 = tpu.memref_slice %arg2[%dma_wait3A_119, %dma_wait3A_120] : memref<100002x128xf32, #tpu.memory_space<hbm>> -> memref<100002x128xf32, #tpu.memory_space<hbm>>
      tpu.wait_indirect_dma semaphore(%arg17 : memref<!tpu.dma_semaphore, #tpu.memory_space<semaphore_mem>>) src(%dma_wait3A_121 : memref<100002x128xf32, #tpu.memory_space<hbm>>) dst(%arg7 : memref<64x128xf32, #tpu.memory_space<vmem>>)
      %scan3A_122 = arith.constant 0 : i32
      %scan3A_123 = arith.constant 0 : i32
      %scan3A_124 = arith.constant 16 : i32
      %scan3A_125 = arith.addi %scan3A_123, %scan3A_124 : i32
      %scan3A_126 = arith.constant 1 : i32
      scf.for %scan3A_206 = %scan3A_123 to %scan3A_125 step %scan3A_126  : i32 {
        %mul3A_207 = arith.constant 4 : i32
        %mul3A_208 = arith.muli %scan3A_206, %mul3A_207 : i32
        %add3A_209 = arith.constant 0 : i32
        %add3A_210 = arith.addi %mul3A_208, %add3A_209 : i32
        %get3A = arith.index_cast %add3A_210 : i32 to index
        %get3A_211 = arith.constant 0 : index
        %get3A_212 = tpu.vector_load %arg7[%get3A, %get3A_211] {strides = array<i32>} : memref<64x128xf32, #tpu.memory_space<vmem>>, vector<1x16xf32>,
        %get3A_213 = vector.shape_cast %get3A_212 : vector<1x16xf32> to vector<16xf32>
        %add3A_214 = arith.constant 0 : i32
        %add3A_215 = arith.addi %mul3A_208, %add3A_214 : i32
        %swap3A = arith.index_cast %add3A_215 : i32 to index
        %swap3A_216 = arith.constant 0 : index
        %swap3A_217 = tpu.vector_load %arg12[%swap3A, %swap3A_216] {strides = array<i32>} : memref<64x100xf32, #tpu.memory_space<vmem>>, vector<1x16xf32>,
        %swap3A_218 = vector.shape_cast %swap3A_217 : vector<1x16xf32> to vector<16xf32>
        %swap3A_219 = vector.shape_cast %get3A_213 : vector<16xf32> to vector<1x16xf32>
        tpu.vector_store %arg12[%swap3A, %swap3A_216], %swap3A_219 {strides = array<i32>} : memref<64x100xf32, #tpu.memory_space<vmem>>, vector<1x16xf32>,
        %add3A_220 = arith.constant 0 : i32
        %add3A_221 = arith.addi %mul3A_208, %add3A_220 : i32
        %get3A_222 = arith.index_cast %add3A_221 : i32 to index
        %get3A_223 = arith.constant 16 : index
        %get3A_224 = tpu.vector_load %arg7[%get3A_222, %get3A_223] {strides = array<i32>} : memref<64x128xf32, #tpu.memory_space<vmem>>, vector<1x16xf32>,
        %get3A_225 = vector.shape_cast %get3A_224 : vector<1x16xf32> to vector<16xf32>
        %add3A_226 = arith.constant 0 : i32
        %add3A_227 = arith.addi %mul3A_208, %add3A_226 : i32
        %swap3A_228 = arith.index_cast %add3A_227 : i32 to index
        %swap3A_229 = arith.constant 16 : index
        %swap3A_230 = tpu.vector_load %arg12[%swap3A_228, %swap3A_229] {strides = array<i32>} : memref<64x100xf32, #tpu.memory_space<vmem>>, vector<1x16xf32>,
        %swap3A_231 = vector.shape_cast %swap3A_230 : vector<1x16xf32> to vector<16xf32>
        %swap3A_232 = vector.shape_cast %get3A_225 : vector<16xf32> to vector<1x16xf32>
        tpu.vector_store %arg12[%swap3A_228, %swap3A_229], %swap3A_232 {strides = array<i32>} : memref<64x100xf32, #tpu.memory_space<vmem>>, vector<1x16xf32>,
        %add3A_233 = arith.constant 0 : i32
        %add3A_234 = arith.addi %mul3A_208, %add3A_233 : i32
        %get3A_235 = arith.index_cast %add3A_234 : i32 to index
        %get3A_236 = arith.constant 32 : index
        %get3A_237 = tpu.vector_load %arg7[%get3A_235, %get3A_236] {strides = array<i32>} : memref<64x128xf32, #tpu.memory_space<vmem>>, vector<1x16xf32>,
        %get3A_238 = vector.shape_cast %get3A_237 : vector<1x16xf32> to vector<16xf32>
        %add3A_239 = arith.constant 0 : i32
        %add3A_240 = arith.addi %mul3A_208, %add3A_239 : i32
        %swap3A_241 = arith.index_cast %add3A_240 : i32 to index
        %swap3A_242 = arith.constant 32 : index
        %swap3A_243 = tpu.vector_load %arg12[%swap3A_241, %swap3A_242] {strides = array<i32>} : memref<64x100xf32, #tpu.memory_space<vmem>>, vector<1x16xf32>,
        %swap3A_244 = vector.shape_cast %swap3A_243 : vector<1x16xf32> to vector<16xf32>
        %swap3A_245 = vector.shape_cast %get3A_238 : vector<16xf32> to vector<1x16xf32>
        tpu.vector_store %arg12[%swap3A_241, %swap3A_242], %swap3A_245 {strides = array<i32>} : memref<64x100xf32, #tpu.memory_space<vmem>>, vector<1x16xf32>,
        %add3A_246 = arith.constant 0 : i32
        %add3A_247 = arith.addi %mul3A_208, %add3A_246 : i32
        %get3A_248 = arith.index_cast %add3A_247 : i32 to index
        %get3A_249 = arith.constant 48 : index
        %get3A_250 = tpu.vector_load %arg7[%get3A_248, %get3A_249] {strides = array<i32>} : memref<64x128xf32, #tpu.memory_space<vmem>>, vector<1x16xf32>,
        %get3A_251 = vector.shape_cast %get3A_250 : vector<1x16xf32> to vector<16xf32>
        %add3A_252 = arith.constant 0 : i32
        %add3A_253 = arith.addi %mul3A_208, %add3A_252 : i32
        %swap3A_254 = arith.index_cast %add3A_253 : i32 to index
        %swap3A_255 = arith.constant 48 : index
        %swap3A_256 = tpu.vector_load %arg12[%swap3A_254, %swap3A_255] {strides = array<i32>} : memref<64x100xf32, #tpu.memory_space<vmem>>, vector<1x16xf32>,
        %swap3A_257 = vector.shape_cast %swap3A_256 : vector<1x16xf32> to vector<16xf32>
        %swap3A_258 = vector.shape_cast %get3A_251 : vector<16xf32> to vector<1x16xf32>
        tpu.vector_store %arg12[%swap3A_254, %swap3A_255], %swap3A_258 {strides = array<i32>} : memref<64x100xf32, #tpu.memory_space<vmem>>, vector<1x16xf32>,
        %add3A_259 = arith.constant 0 : i32
        %add3A_260 = arith.addi %mul3A_208, %add3A_259 : i32
        %get3A_261 = arith.index_cast %add3A_260 : i32 to index
        %get3A_262 = arith.constant 64 : index
        %get3A_263 = tpu.vector_load %arg7[%get3A_261, %get3A_262] {strides = array<i32>} : memref<64x128xf32, #tpu.memory_space<vmem>>, vector<1x16xf32>,
        %get3A_264 = vector.shape_cast %get3A_263 : vector<1x16xf32> to vector<16xf32>
        %add3A_265 = arith.constant 0 : i32
        %add3A_266 = arith.addi %mul3A_208, %add3A_265 : i32
        %swap3A_267 = arith.index_cast %add3A_266 : i32 to index
        %swap3A_268 = arith.constant 64 : index
        %swap3A_269 = tpu.vector_load %arg12[%swap3A_267, %swap3A_268] {strides = array<i32>} : memref<64x100xf32, #tpu.memory_space<vmem>>, vector<1x16xf32>,
        %swap3A_270 = vector.shape_cast %swap3A_269 : vector<1x16xf32> to vector<16xf32>
        %swap3A_271 = vector.shape_cast %get3A_264 : vector<16xf32> to vector<1x16xf32>
        tpu.vector_store %arg12[%swap3A_267, %swap3A_268], %swap3A_271 {strides = array<i32>} : memref<64x100xf32, #tpu.memory_space<vmem>>, vector<1x16xf32>,
        %add3A_272 = arith.constant 0 : i32
        %add3A_273 = arith.addi %mul3A_208, %add3A_272 : i32
        %get3A_274 = arith.index_cast %add3A_273 : i32 to index
        %get3A_275 = arith.constant 80 : index
        %get3A_276 = tpu.vector_load %arg7[%get3A_274, %get3A_275] {strides = array<i32>} : memref<64x128xf32, #tpu.memory_space<vmem>>, vector<1x16xf32>,
        %get3A_277 = vector.shape_cast %get3A_276 : vector<1x16xf32> to vector<16xf32>
        %add3A_278 = arith.constant 0 : i32
        %add3A_279 = arith.addi %mul3A_208, %add3A_278 : i32
        %swap3A_280 = arith.index_cast %add3A_279 : i32 to index
        %swap3A_281 = arith.constant 80 : index
        %swap3A_282 = tpu.vector_load %arg12[%swap3A_280, %swap3A_281] {strides = array<i32>} : memref<64x100xf32, #tpu.memory_space<vmem>>, vector<1x16xf32>,
        %swap3A_283 = vector.shape_cast %swap3A_282 : vector<1x16xf32> to vector<16xf32>
        %swap3A_284 = vector.shape_cast %get3A_277 : vector<16xf32> to vector<1x16xf32>
        tpu.vector_store %arg12[%swap3A_280, %swap3A_281], %swap3A_284 {strides = array<i32>} : memref<64x100xf32, #tpu.memory_space<vmem>>, vector<1x16xf32>,
        %add3A_285 = arith.constant 0 : i32
        %add3A_286 = arith.addi %mul3A_208, %add3A_285 : i32
        %get3A_287 = arith.index_cast %add3A_286 : i32 to index
        %get3A_288 = arith.constant 84 : index
        %get3A_289 = tpu.vector_load %arg7[%get3A_287, %get3A_288] {strides = array<i32>} : memref<64x128xf32, #tpu.memory_space<vmem>>, vector<1x16xf32>,
        %get3A_290 = vector.shape_cast %get3A_289 : vector<1x16xf32> to vector<16xf32>
        %add3A_291 = arith.constant 0 : i32
        %add3A_292 = arith.addi %mul3A_208, %add3A_291 : i32
        %swap3A_293 = arith.index_cast %add3A_292 : i32 to index
        %swap3A_294 = arith.constant 84 : index
        %swap3A_295 = tpu.vector_load %arg12[%swap3A_293, %swap3A_294] {strides = array<i32>} : memref<64x100xf32, #tpu.memory_space<vmem>>, vector<1x16xf32>,
        %swap3A_296 = vector.shape_cast %swap3A_295 : vector<1x16xf32> to vector<16xf32>
        %swap3A_297 = vector.shape_cast %get3A_290 : vector<16xf32> to vector<1x16xf32>
        tpu.vector_store %arg12[%swap3A_293, %swap3A_294], %swap3A_297 {strides = array<i32>} : memref<64x100xf32, #tpu.memory_space<vmem>>, vector<1x16xf32>,
        %add3A_298 = arith.constant 1 : i32
        %add3A_299 = arith.addi %mul3A_208, %add3A_298 : i32
        %get3A_300 = arith.index_cast %add3A_299 : i32 to index
        %get3A_301 = arith.constant 0 : index
        %get3A_302 = tpu.vector_load %arg7[%get3A_300, %get3A_301] {strides = array<i32>} : memref<64x128xf32, #tpu.memory_space<vmem>>, vector<1x16xf32>,
        %get3A_303 = vector.shape_cast %get3A_302 : vector<1x16xf32> to vector<16xf32>
        %add3A_304 = arith.constant 1 : i32
        %add3A_305 = arith.addi %mul3A_208, %add3A_304 : i32
        %swap3A_306 = arith.index_cast %add3A_305 : i32 to index
        %swap3A_307 = arith.constant 0 : index
        %swap3A_308 = tpu.vector_load %arg12[%swap3A_306, %swap3A_307] {strides = array<i32>} : memref<64x100xf32, #tpu.memory_space<vmem>>, vector<1x16xf32>,
        %swap3A_309 = vector.shape_cast %swap3A_308 : vector<1x16xf32> to vector<16xf32>
        %swap3A_310 = vector.shape_cast %get3A_303 : vector<16xf32> to vector<1x16xf32>
        tpu.vector_store %arg12[%swap3A_306, %swap3A_307], %swap3A_310 {strides = array<i32>} : memref<64x100xf32, #tpu.memory_space<vmem>>, vector<1x16xf32>,
        %add3A_311 = arith.constant 1 : i32
        %add3A_312 = arith.addi %mul3A_208, %add3A_311 : i32
        %get3A_313 = arith.index_cast %add3A_312 : i32 to index
        %get3A_314 = arith.constant 16 : index
        %get3A_315 = tpu.vector_load %arg7[%get3A_313, %get3A_314] {strides = array<i32>} : memref<64x128xf32, #tpu.memory_space<vmem>>, vector<1x16xf32>,
        %get3A_316 = vector.shape_cast %get3A_315 : vector<1x16xf32> to vector<16xf32>
        %add3A_317 = arith.constant 1 : i32
        %add3A_318 = arith.addi %mul3A_208, %add3A_317 : i32
        %swap3A_319 = arith.index_cast %add3A_318 : i32 to index
        %swap3A_320 = arith.constant 16 : index
        %swap3A_321 = tpu.vector_load %arg12[%swap3A_319, %swap3A_320] {strides = array<i32>} : memref<64x100xf32, #tpu.memory_space<vmem>>, vector<1x16xf32>,
        %swap3A_322 = vector.shape_cast %swap3A_321 : vector<1x16xf32> to vector<16xf32>
        %swap3A_323 = vector.shape_cast %get3A_316 : vector<16xf32> to vector<1x16xf32>
        tpu.vector_store %arg12[%swap3A_319, %swap3A_320], %swap3A_323 {strides = array<i32>} : memref<64x100xf32, #tpu.memory_space<vmem>>, vector<1x16xf32>,
        %add3A_324 = arith.constant 1 : i32
        %add3A_325 = arith.addi %mul3A_208, %add3A_324 : i32
        %get3A_326 = arith.index_cast %add3A_325 : i32 to index
        %get3A_327 = arith.constant 32 : index
        %get3A_328 = tpu.vector_load %arg7[%get3A_326, %get3A_327] {strides = array<i32>} : memref<64x128xf32, #tpu.memory_space<vmem>>, vector<1x16xf32>,
        %get3A_329 = vector.shape_cast %get3A_328 : vector<1x16xf32> to vector<16xf32>
        %add3A_330 = arith.constant 1 : i32
        %add3A_331 = arith.addi %mul3A_208, %add3A_330 : i32
        %swap3A_332 = arith.index_cast %add3A_331 : i32 to index
        %swap3A_333 = arith.constant 32 : index
        %swap3A_334 = tpu.vector_load %arg12[%swap3A_332, %swap3A_333] {strides = array<i32>} : memref<64x100xf32, #tpu.memory_space<vmem>>, vector<1x16xf32>,
        %swap3A_335 = vector.shape_cast %swap3A_334 : vector<1x16xf32> to vector<16xf32>
        %swap3A_336 = vector.shape_cast %get3A_329 : vector<16xf32> to vector<1x16xf32>
        tpu.vector_store %arg12[%swap3A_332, %swap3A_333], %swap3A_336 {strides = array<i32>} : memref<64x100xf32, #tpu.memory_space<vmem>>, vector<1x16xf32>,
        %add3A_337 = arith.constant 1 : i32
        %add3A_338 = arith.addi %mul3A_208, %add3A_337 : i32
        %get3A_339 = arith.index_cast %add3A_338 : i32 to index
        %get3A_340 = arith.constant 48 : index
        %get3A_341 = tpu.vector_load %arg7[%get3A_339, %get3A_340] {strides = array<i32>} : memref<64x128xf32, #tpu.memory_space<vmem>>, vector<1x16xf32>,
        %get3A_342 = vector.shape_cast %get3A_341 : vector<1x16xf32> to vector<16xf32>
        %add3A_343 = arith.constant 1 : i32
        %add3A_344 = arith.addi %mul3A_208, %add3A_343 : i32
        %swap3A_345 = arith.index_cast %add3A_344 : i32 to index
        %swap3A_346 = arith.constant 48 : index
        %swap3A_347 = tpu.vector_load %arg12[%swap3A_345, %swap3A_346] {strides = array<i32>} : memref<64x100xf32, #tpu.memory_space<vmem>>, vector<1x16xf32>,
        %swap3A_348 = vector.shape_cast %swap3A_347 : vector<1x16xf32> to vector<16xf32>
        %swap3A_349 = vector.shape_cast %get3A_342 : vector<16xf32> to vector<1x16xf32>
        tpu.vector_store %arg12[%swap3A_345, %swap3A_346], %swap3A_349 {strides = array<i32>} : memref<64x100xf32, #tpu.memory_space<vmem>>, vector<1x16xf32>,
        %add3A_350 = arith.constant 1 : i32
        %add3A_351 = arith.addi %mul3A_208, %add3A_350 : i32
        %get3A_352 = arith.index_cast %add3A_351 : i32 to index
        %get3A_353 = arith.constant 64 : index
        %get3A_354 = tpu.vector_load %arg7[%get3A_352, %get3A_353] {strides = array<i32>} : memref<64x128xf32, #tpu.memory_space<vmem>>, vector<1x16xf32>,
        %get3A_355 = vector.shape_cast %get3A_354 : vector<1x16xf32> to vector<16xf32>
        %add3A_356 = arith.constant 1 : i32
        %add3A_357 = arith.addi %mul3A_208, %add3A_356 : i32
        %swap3A_358 = arith.index_cast %add3A_357 : i32 to index
        %swap3A_359 = arith.constant 64 : index
        %swap3A_360 = tpu.vector_load %arg12[%swap3A_358, %swap3A_359] {strides = array<i32>} : memref<64x100xf32, #tpu.memory_space<vmem>>, vector<1x16xf32>,
        %swap3A_361 = vector.shape_cast %swap3A_360 : vector<1x16xf32> to vector<16xf32>
        %swap3A_362 = vector.shape_cast %get3A_355 : vector<16xf32> to vector<1x16xf32>
        tpu.vector_store %arg12[%swap3A_358, %swap3A_359], %swap3A_362 {strides = array<i32>} : memref<64x100xf32, #tpu.memory_space<vmem>>, vector<1x16xf32>,
        %add3A_363 = arith.constant 1 : i32
        %add3A_364 = arith.addi %mul3A_208, %add3A_363 : i32
        %get3A_365 = arith.index_cast %add3A_364 : i32 to index
        %get3A_366 = arith.constant 80 : index
        %get3A_367 = tpu.vector_load %arg7[%get3A_365, %get3A_366] {strides = array<i32>} : memref<64x128xf32, #tpu.memory_space<vmem>>, vector<1x16xf32>,
        %get3A_368 = vector.shape_cast %get3A_367 : vector<1x16xf32> to vector<16xf32>
        %add3A_369 = arith.constant 1 : i32
        %add3A_370 = arith.addi %mul3A_208, %add3A_369 : i32
        %swap3A_371 = arith.index_cast %add3A_370 : i32 to index
        %swap3A_372 = arith.constant 80 : index
        %swap3A_373 = tpu.vector_load %arg12[%swap3A_371, %swap3A_372] {strides = array<i32>} : memref<64x100xf32, #tpu.memory_space<vmem>>, vector<1x16xf32>,
        %swap3A_374 = vector.shape_cast %swap3A_373 : vector<1x16xf32> to vector<16xf32>
        %swap3A_375 = vector.shape_cast %get3A_368 : vector<16xf32> to vector<1x16xf32>
        tpu.vector_store %arg12[%swap3A_371, %swap3A_372], %swap3A_375 {strides = array<i32>} : memref<64x100xf32, #tpu.memory_space<vmem>>, vector<1x16xf32>,
        %add3A_376 = arith.constant 1 : i32
        %add3A_377 = arith.addi %mul3A_208, %add3A_376 : i32
        %get3A_378 = arith.index_cast %add3A_377 : i32 to index
        %get3A_379 = arith.constant 84 : index
        %get3A_380 = tpu.vector_load %arg7[%get3A_378, %get3A_379] {strides = array<i32>} : memref<64x128xf32, #tpu.memory_space<vmem>>, vector<1x16xf32>,
        %get3A_381 = vector.shape_cast %get3A_380 : vector<1x16xf32> to vector<16xf32>
        %add3A_382 = arith.constant 1 : i32
        %add3A_383 = arith.addi %mul3A_208, %add3A_382 : i32
        %swap3A_384 = arith.index_cast %add3A_383 : i32 to index
        %swap3A_385 = arith.constant 84 : index
        %swap3A_386 = tpu.vector_load %arg12[%swap3A_384, %swap3A_385] {strides = array<i32>} : memref<64x100xf32, #tpu.memory_space<vmem>>, vector<1x16xf32>,
        %swap3A_387 = vector.shape_cast %swap3A_386 : vector<1x16xf32> to vector<16xf32>
        %swap3A_388 = vector.shape_cast %get3A_381 : vector<16xf32> to vector<1x16xf32>
        tpu.vector_store %arg12[%swap3A_384, %swap3A_385], %swap3A_388 {strides = array<i32>} : memref<64x100xf32, #tpu.memory_space<vmem>>, vector<1x16xf32>,
        %add3A_389 = arith.constant 2 : i32
        %add3A_390 = arith.addi %mul3A_208, %add3A_389 : i32
        %get3A_391 = arith.index_cast %add3A_390 : i32 to index
        %get3A_392 = arith.constant 0 : index
        %get3A_393 = tpu.vector_load %arg7[%get3A_391, %get3A_392] {strides = array<i32>} : memref<64x128xf32, #tpu.memory_space<vmem>>, vector<1x16xf32>,
        %get3A_394 = vector.shape_cast %get3A_393 : vector<1x16xf32> to vector<16xf32>
        %add3A_395 = arith.constant 2 : i32
        %add3A_396 = arith.addi %mul3A_208, %add3A_395 : i32
        %swap3A_397 = arith.index_cast %add3A_396 : i32 to index
        %swap3A_398 = arith.constant 0 : index
        %swap3A_399 = tpu.vector_load %arg12[%swap3A_397, %swap3A_398] {strides = array<i32>} : memref<64x100xf32, #tpu.memory_space<vmem>>, vector<1x16xf32>,
        %swap3A_400 = vector.shape_cast %swap3A_399 : vector<1x16xf32> to vector<16xf32>
        %swap3A_401 = vector.shape_cast %get3A_394 : vector<16xf32> to vector<1x16xf32>
        tpu.vector_store %arg12[%swap3A_397, %swap3A_398], %swap3A_401 {strides = array<i32>} : memref<64x100xf32, #tpu.memory_space<vmem>>, vector<1x16xf32>,
        %add3A_402 = arith.constant 2 : i32
        %add3A_403 = arith.addi %mul3A_208, %add3A_402 : i32
        %get3A_404 = arith.index_cast %add3A_403 : i32 to index
        %get3A_405 = arith.constant 16 : index
        %get3A_406 = tpu.vector_load %arg7[%get3A_404, %get3A_405] {strides = array<i32>} : memref<64x128xf32, #tpu.memory_space<vmem>>, vector<1x16xf32>,
        %get3A_407 = vector.shape_cast %get3A_406 : vector<1x16xf32> to vector<16xf32>
        %add3A_408 = arith.constant 2 : i32
        %add3A_409 = arith.addi %mul3A_208, %add3A_408 : i32
        %swap3A_410 = arith.index_cast %add3A_409 : i32 to index
        %swap3A_411 = arith.constant 16 : index
        %swap3A_412 = tpu.vector_load %arg12[%swap3A_410, %swap3A_411] {strides = array<i32>} : memref<64x100xf32, #tpu.memory_space<vmem>>, vector<1x16xf32>,
        %swap3A_413 = vector.shape_cast %swap3A_412 : vector<1x16xf32> to vector<16xf32>
        %swap3A_414 = vector.shape_cast %get3A_407 : vector<16xf32> to vector<1x16xf32>
        tpu.vector_store %arg12[%swap3A_410, %swap3A_411], %swap3A_414 {strides = array<i32>} : memref<64x100xf32, #tpu.memory_space<vmem>>, vector<1x16xf32>,
        %add3A_415 = arith.constant 2 : i32
        %add3A_416 = arith.addi %mul3A_208, %add3A_415 : i32
        %get3A_417 = arith.index_cast %add3A_416 : i32 to index
        %get3A_418 = arith.constant 32 : index
        %get3A_419 = tpu.vector_load %arg7[%get3A_417, %get3A_418] {strides = array<i32>} : memref<64x128xf32, #tpu.memory_space<vmem>>, vector<1x16xf32>,
        %get3A_420 = vector.shape_cast %get3A_419 : vector<1x16xf32> to vector<16xf32>
        %add3A_421 = arith.constant 2 : i32
        %add3A_422 = arith.addi %mul3A_208, %add3A_421 : i32
        %swap3A_423 = arith.index_cast %add3A_422 : i32 to index
        %swap3A_424 = arith.constant 32 : index
        %swap3A_425 = tpu.vector_load %arg12[%swap3A_423, %swap3A_424] {strides = array<i32>} : memref<64x100xf32, #tpu.memory_space<vmem>>, vector<1x16xf32>,
        %swap3A_426 = vector.shape_cast %swap3A_425 : vector<1x16xf32> to vector<16xf32>
        %swap3A_427 = vector.shape_cast %get3A_420 : vector<16xf32> to vector<1x16xf32>
        tpu.vector_store %arg12[%swap3A_423, %swap3A_424], %swap3A_427 {strides = array<i32>} : memref<64x100xf32, #tpu.memory_space<vmem>>, vector<1x16xf32>,
        %add3A_428 = arith.constant 2 : i32
        %add3A_429 = arith.addi %mul3A_208, %add3A_428 : i32
        %get3A_430 = arith.index_cast %add3A_429 : i32 to index
        %get3A_431 = arith.constant 48 : index
        %get3A_432 = tpu.vector_load %arg7[%get3A_430, %get3A_431] {strides = array<i32>} : memref<64x128xf32, #tpu.memory_space<vmem>>, vector<1x16xf32>,
        %get3A_433 = vector.shape_cast %get3A_432 : vector<1x16xf32> to vector<16xf32>
        %add3A_434 = arith.constant 2 : i32
        %add3A_435 = arith.addi %mul3A_208, %add3A_434 : i32
        %swap3A_436 = arith.index_cast %add3A_435 : i32 to index
        %swap3A_437 = arith.constant 48 : index
        %swap3A_438 = tpu.vector_load %arg12[%swap3A_436, %swap3A_437] {strides = array<i32>} : memref<64x100xf32, #tpu.memory_space<vmem>>, vector<1x16xf32>,
        %swap3A_439 = vector.shape_cast %swap3A_438 : vector<1x16xf32> to vector<16xf32>
        %swap3A_440 = vector.shape_cast %get3A_433 : vector<16xf32> to vector<1x16xf32>
        tpu.vector_store %arg12[%swap3A_436, %swap3A_437], %swap3A_440 {strides = array<i32>} : memref<64x100xf32, #tpu.memory_space<vmem>>, vector<1x16xf32>,
        %add3A_441 = arith.constant 2 : i32
        %add3A_442 = arith.addi %mul3A_208, %add3A_441 : i32
        %get3A_443 = arith.index_cast %add3A_442 : i32 to index
        %get3A_444 = arith.constant 64 : index
        %get3A_445 = tpu.vector_load %arg7[%get3A_443, %get3A_444] {strides = array<i32>} : memref<64x128xf32, #tpu.memory_space<vmem>>, vector<1x16xf32>,
        %get3A_446 = vector.shape_cast %get3A_445 : vector<1x16xf32> to vector<16xf32>
        %add3A_447 = arith.constant 2 : i32
        %add3A_448 = arith.addi %mul3A_208, %add3A_447 : i32
        %swap3A_449 = arith.index_cast %add3A_448 : i32 to index
        %swap3A_450 = arith.constant 64 : index
        %swap3A_451 = tpu.vector_load %arg12[%swap3A_449, %swap3A_450] {strides = array<i32>} : memref<64x100xf32, #tpu.memory_space<vmem>>, vector<1x16xf32>,
        %swap3A_452 = vector.shape_cast %swap3A_451 : vector<1x16xf32> to vector<16xf32>
        %swap3A_453 = vector.shape_cast %get3A_446 : vector<16xf32> to vector<1x16xf32>
        tpu.vector_store %arg12[%swap3A_449, %swap3A_450], %swap3A_453 {strides = array<i32>} : memref<64x100xf32, #tpu.memory_space<vmem>>, vector<1x16xf32>,
        %add3A_454 = arith.constant 2 : i32
        %add3A_455 = arith.addi %mul3A_208, %add3A_454 : i32
        %get3A_456 = arith.index_cast %add3A_455 : i32 to index
        %get3A_457 = arith.constant 80 : index
        %get3A_458 = tpu.vector_load %arg7[%get3A_456, %get3A_457] {strides = array<i32>} : memref<64x128xf32, #tpu.memory_space<vmem>>, vector<1x16xf32>,
        %get3A_459 = vector.shape_cast %get3A_458 : vector<1x16xf32> to vector<16xf32>
        %add3A_460 = arith.constant 2 : i32
        %add3A_461 = arith.addi %mul3A_208, %add3A_460 : i32
        %swap3A_462 = arith.index_cast %add3A_461 : i32 to index
        %swap3A_463 = arith.constant 80 : index
        %swap3A_464 = tpu.vector_load %arg12[%swap3A_462, %swap3A_463] {strides = array<i32>} : memref<64x100xf32, #tpu.memory_space<vmem>>, vector<1x16xf32>,
        %swap3A_465 = vector.shape_cast %swap3A_464 : vector<1x16xf32> to vector<16xf32>
        %swap3A_466 = vector.shape_cast %get3A_459 : vector<16xf32> to vector<1x16xf32>
        tpu.vector_store %arg12[%swap3A_462, %swap3A_463], %swap3A_466 {strides = array<i32>} : memref<64x100xf32, #tpu.memory_space<vmem>>, vector<1x16xf32>,
        %add3A_467 = arith.constant 2 : i32
        %add3A_468 = arith.addi %mul3A_208, %add3A_467 : i32
        %get3A_469 = arith.index_cast %add3A_468 : i32 to index
        %get3A_470 = arith.constant 84 : index
        %get3A_471 = tpu.vector_load %arg7[%get3A_469, %get3A_470] {strides = array<i32>} : memref<64x128xf32, #tpu.memory_space<vmem>>, vector<1x16xf32>,
        %get3A_472 = vector.shape_cast %get3A_471 : vector<1x16xf32> to vector<16xf32>
        %add3A_473 = arith.constant 2 : i32
        %add3A_474 = arith.addi %mul3A_208, %add3A_473 : i32
        %swap3A_475 = arith.index_cast %add3A_474 : i32 to index
        %swap3A_476 = arith.constant 84 : index
        %swap3A_477 = tpu.vector_load %arg12[%swap3A_475, %swap3A_476] {strides = array<i32>} : memref<64x100xf32, #tpu.memory_space<vmem>>, vector<1x16xf32>,
        %swap3A_478 = vector.shape_cast %swap3A_477 : vector<1x16xf32> to vector<16xf32>
        %swap3A_479 = vector.shape_cast %get3A_472 : vector<16xf32> to vector<1x16xf32>
        tpu.vector_store %arg12[%swap3A_475, %swap3A_476], %swap3A_479 {strides = array<i32>} : memref<64x100xf32, #tpu.memory_space<vmem>>, vector<1x16xf32>,
        %add3A_480 = arith.constant 3 : i32
        %add3A_481 = arith.addi %mul3A_208, %add3A_480 : i32
        %get3A_482 = arith.index_cast %add3A_481 : i32 to index
        %get3A_483 = arith.constant 0 : index
        %get3A_484 = tpu.vector_load %arg7[%get3A_482, %get3A_483] {strides = array<i32>} : memref<64x128xf32, #tpu.memory_space<vmem>>, vector<1x16xf32>,
        %get3A_485 = vector.shape_cast %get3A_484 : vector<1x16xf32> to vector<16xf32>
        %add3A_486 = arith.constant 3 : i32
        %add3A_487 = arith.addi %mul3A_208, %add3A_486 : i32
        %swap3A_488 = arith.index_cast %add3A_487 : i32 to index
        %swap3A_489 = arith.constant 0 : index
        %swap3A_490 = tpu.vector_load %arg12[%swap3A_488, %swap3A_489] {strides = array<i32>} : memref<64x100xf32, #tpu.memory_space<vmem>>, vector<1x16xf32>,
        %swap3A_491 = vector.shape_cast %swap3A_490 : vector<1x16xf32> to vector<16xf32>
        %swap3A_492 = vector.shape_cast %get3A_485 : vector<16xf32> to vector<1x16xf32>
        tpu.vector_store %arg12[%swap3A_488, %swap3A_489], %swap3A_492 {strides = array<i32>} : memref<64x100xf32, #tpu.memory_space<vmem>>, vector<1x16xf32>,
        %add3A_493 = arith.constant 3 : i32
        %add3A_494 = arith.addi %mul3A_208, %add3A_493 : i32
        %get3A_495 = arith.index_cast %add3A_494 : i32 to index
        %get3A_496 = arith.constant 16 : index
        %get3A_497 = tpu.vector_load %arg7[%get3A_495, %get3A_496] {strides = array<i32>} : memref<64x128xf32, #tpu.memory_space<vmem>>, vector<1x16xf32>,
        %get3A_498 = vector.shape_cast %get3A_497 : vector<1x16xf32> to vector<16xf32>
        %add3A_499 = arith.constant 3 : i32
        %add3A_500 = arith.addi %mul3A_208, %add3A_499 : i32
        %swap3A_501 = arith.index_cast %add3A_500 : i32 to index
        %swap3A_502 = arith.constant 16 : index
        %swap3A_503 = tpu.vector_load %arg12[%swap3A_501, %swap3A_502] {strides = array<i32>} : memref<64x100xf32, #tpu.memory_space<vmem>>, vector<1x16xf32>,
        %swap3A_504 = vector.shape_cast %swap3A_503 : vector<1x16xf32> to vector<16xf32>
        %swap3A_505 = vector.shape_cast %get3A_498 : vector<16xf32> to vector<1x16xf32>
        tpu.vector_store %arg12[%swap3A_501, %swap3A_502], %swap3A_505 {strides = array<i32>} : memref<64x100xf32, #tpu.memory_space<vmem>>, vector<1x16xf32>,
        %add3A_506 = arith.constant 3 : i32
        %add3A_507 = arith.addi %mul3A_208, %add3A_506 : i32
        %get3A_508 = arith.index_cast %add3A_507 : i32 to index
        %get3A_509 = arith.constant 32 : index
        %get3A_510 = tpu.vector_load %arg7[%get3A_508, %get3A_509] {strides = array<i32>} : memref<64x128xf32, #tpu.memory_space<vmem>>, vector<1x16xf32>,
        %get3A_511 = vector.shape_cast %get3A_510 : vector<1x16xf32> to vector<16xf32>
        %add3A_512 = arith.constant 3 : i32
        %add3A_513 = arith.addi %mul3A_208, %add3A_512 : i32
        %swap3A_514 = arith.index_cast %add3A_513 : i32 to index
        %swap3A_515 = arith.constant 32 : index
        %swap3A_516 = tpu.vector_load %arg12[%swap3A_514, %swap3A_515] {strides = array<i32>} : memref<64x100xf32, #tpu.memory_space<vmem>>, vector<1x16xf32>,
        %swap3A_517 = vector.shape_cast %swap3A_516 : vector<1x16xf32> to vector<16xf32>
        %swap3A_518 = vector.shape_cast %get3A_511 : vector<16xf32> to vector<1x16xf32>
        tpu.vector_store %arg12[%swap3A_514, %swap3A_515], %swap3A_518 {strides = array<i32>} : memref<64x100xf32, #tpu.memory_space<vmem>>, vector<1x16xf32>,
        %add3A_519 = arith.constant 3 : i32
        %add3A_520 = arith.addi %mul3A_208, %add3A_519 : i32
        %get3A_521 = arith.index_cast %add3A_520 : i32 to index
        %get3A_522 = arith.constant 48 : index
        %get3A_523 = tpu.vector_load %arg7[%get3A_521, %get3A_522] {strides = array<i32>} : memref<64x128xf32, #tpu.memory_space<vmem>>, vector<1x16xf32>,
        %get3A_524 = vector.shape_cast %get3A_523 : vector<1x16xf32> to vector<16xf32>
        %add3A_525 = arith.constant 3 : i32
        %add3A_526 = arith.addi %mul3A_208, %add3A_525 : i32
        %swap3A_527 = arith.index_cast %add3A_526 : i32 to index
        %swap3A_528 = arith.constant 48 : index
        %swap3A_529 = tpu.vector_load %arg12[%swap3A_527, %swap3A_528] {strides = array<i32>} : memref<64x100xf32, #tpu.memory_space<vmem>>, vector<1x16xf32>,
        %swap3A_530 = vector.shape_cast %swap3A_529 : vector<1x16xf32> to vector<16xf32>
        %swap3A_531 = vector.shape_cast %get3A_524 : vector<16xf32> to vector<1x16xf32>
        tpu.vector_store %arg12[%swap3A_527, %swap3A_528], %swap3A_531 {strides = array<i32>} : memref<64x100xf32, #tpu.memory_space<vmem>>, vector<1x16xf32>,
        %add3A_532 = arith.constant 3 : i32
        %add3A_533 = arith.addi %mul3A_208, %add3A_532 : i32
        %get3A_534 = arith.index_cast %add3A_533 : i32 to index
        %get3A_535 = arith.constant 64 : index
        %get3A_536 = tpu.vector_load %arg7[%get3A_534, %get3A_535] {strides = array<i32>} : memref<64x128xf32, #tpu.memory_space<vmem>>, vector<1x16xf32>,
        %get3A_537 = vector.shape_cast %get3A_536 : vector<1x16xf32> to vector<16xf32>
        %add3A_538 = arith.constant 3 : i32
        %add3A_539 = arith.addi %mul3A_208, %add3A_538 : i32
        %swap3A_540 = arith.index_cast %add3A_539 : i32 to index
        %swap3A_541 = arith.constant 64 : index
        %swap3A_542 = tpu.vector_load %arg12[%swap3A_540, %swap3A_541] {strides = array<i32>} : memref<64x100xf32, #tpu.memory_space<vmem>>, vector<1x16xf32>,
        %swap3A_543 = vector.shape_cast %swap3A_542 : vector<1x16xf32> to vector<16xf32>
        %swap3A_544 = vector.shape_cast %get3A_537 : vector<16xf32> to vector<1x16xf32>
        tpu.vector_store %arg12[%swap3A_540, %swap3A_541], %swap3A_544 {strides = array<i32>} : memref<64x100xf32, #tpu.memory_space<vmem>>, vector<1x16xf32>,
        %add3A_545 = arith.constant 3 : i32
        %add3A_546 = arith.addi %mul3A_208, %add3A_545 : i32
        %get3A_547 = arith.index_cast %add3A_546 : i32 to index
        %get3A_548 = arith.constant 80 : index
        %get3A_549 = tpu.vector_load %arg7[%get3A_547, %get3A_548] {strides = array<i32>} : memref<64x128xf32, #tpu.memory_space<vmem>>, vector<1x16xf32>,
        %get3A_550 = vector.shape_cast %get3A_549 : vector<1x16xf32> to vector<16xf32>
        %add3A_551 = arith.constant 3 : i32
        %add3A_552 = arith.addi %mul3A_208, %add3A_551 : i32
        %swap3A_553 = arith.index_cast %add3A_552 : i32 to index
        %swap3A_554 = arith.constant 80 : index
        %swap3A_555 = tpu.vector_load %arg12[%swap3A_553, %swap3A_554] {strides = array<i32>} : memref<64x100xf32, #tpu.memory_space<vmem>>, vector<1x16xf32>,
        %swap3A_556 = vector.shape_cast %swap3A_555 : vector<1x16xf32> to vector<16xf32>
        %swap3A_557 = vector.shape_cast %get3A_550 : vector<16xf32> to vector<1x16xf32>
        tpu.vector_store %arg12[%swap3A_553, %swap3A_554], %swap3A_557 {strides = array<i32>} : memref<64x100xf32, #tpu.memory_space<vmem>>, vector<1x16xf32>,
        %add3A_558 = arith.constant 3 : i32
        %add3A_559 = arith.addi %mul3A_208, %add3A_558 : i32
        %get3A_560 = arith.index_cast %add3A_559 : i32 to index
        %get3A_561 = arith.constant 84 : index
        %get3A_562 = tpu.vector_load %arg7[%get3A_560, %get3A_561] {strides = array<i32>} : memref<64x128xf32, #tpu.memory_space<vmem>>, vector<1x16xf32>,
        %get3A_563 = vector.shape_cast %get3A_562 : vector<1x16xf32> to vector<16xf32>
        %add3A_564 = arith.constant 3 : i32
        %add3A_565 = arith.addi %mul3A_208, %add3A_564 : i32
        %swap3A_566 = arith.index_cast %add3A_565 : i32 to index
        %swap3A_567 = arith.constant 84 : index
        %swap3A_568 = tpu.vector_load %arg12[%swap3A_566, %swap3A_567] {strides = array<i32>} : memref<64x100xf32, #tpu.memory_space<vmem>>, vector<1x16xf32>,
        %swap3A_569 = vector.shape_cast %swap3A_568 : vector<1x16xf32> to vector<16xf32>
        %swap3A_570 = vector.shape_cast %get3A_563 : vector<16xf32> to vector<1x16xf32>
        tpu.vector_store %arg12[%swap3A_566, %swap3A_567], %swap3A_570 {strides = array<i32>} : memref<64x100xf32, #tpu.memory_space<vmem>>, vector<1x16xf32>,
      }
      %scan3A_127 = arith.constant 16 : i32
      %add3A_128 = arith.constant 1 : i32
      %add3A_129 = arith.addi %mul3A_29, %add3A_128 : i32
      %mul3A_130 = arith.constant 64 : i32
      %mul3A_131 = arith.muli %add3A_129, %mul3A_130 : i32
      %add3A_132 = arith.addi %mul3A_2, %mul3A_131 : i32
      %dma_start3A_133 = arith.constant 0 : i32
      %dma_start3A_134 = tpu.memref_slice %arg4[%add3A_132, %dma_start3A_133] : memref<819200x100xf32, #tpu.memory_space<hbm>> -> memref<64x100xf32, #tpu.memory_space<hbm>>
      %dma_start3A_135 = arith.constant 0 : i32
      %dma_start3A_136 = tpu.memref_slice %arg4[%add3A_132, %dma_start3A_135] : memref<819200x100xf32, #tpu.memory_space<hbm>> -> memref<64x100xf32, #tpu.memory_space<hbm>>
      tpu.enqueue_dma source(%arg12 : memref<64x100xf32, #tpu.memory_space<vmem>>) target(%dma_start3A_136 : memref<64x100xf32, #tpu.memory_space<hbm>>) target_semaphore(%arg22 : memref<!tpu.dma_semaphore, #tpu.memory_space<semaphore_mem>>)
      %add3A_137 = arith.constant 2 : i32
      %add3A_138 = arith.addi %mul3A_29, %add3A_137 : i32
      %mul3A_139 = arith.constant 64 : i32
      %mul3A_140 = arith.muli %add3A_138, %mul3A_139 : i32
      %dma_wait3A_141 = tpu.memref_slice %arg5[%mul3A_140] : memref<25600xi32, #tpu.memory_space<vmem>> -> memref<64xi32, #tpu.memory_space<vmem>>
      %dma_wait3A_142 = arith.constant 0 : i32
      %dma_wait3A_143 = arith.constant 0 : i32
      %dma_wait3A_144 = tpu.memref_slice %arg2[%dma_wait3A_142, %dma_wait3A_143] : memref<100002x128xf32, #tpu.memory_space<hbm>> -> memref<100002x128xf32, #tpu.memory_space<hbm>>
      tpu.wait_indirect_dma semaphore(%arg18 : memref<!tpu.dma_semaphore, #tpu.memory_space<semaphore_mem>>) src(%dma_wait3A_144 : memref<100002x128xf32, #tpu.memory_space<hbm>>) dst(%arg8 : memref<64x128xf32, #tpu.memory_space<vmem>>)
      %scan3A_145 = arith.constant 0 : i32
      %scan3A_146 = arith.constant 0 : i32
      %scan3A_147 = arith.constant 16 : i32
      %scan3A_148 = arith.addi %scan3A_146, %scan3A_147 : i32
      %scan3A_149 = arith.constant 1 : i32
      scf.for %scan3A_206 = %scan3A_146 to %scan3A_148 step %scan3A_149  : i32 {
        %mul3A_207 = arith.constant 4 : i32
        %mul3A_208 = arith.muli %scan3A_206, %mul3A_207 : i32
        %add3A_209 = arith.constant 0 : i32
        %add3A_210 = arith.addi %mul3A_208, %add3A_209 : i32
        %get3A = arith.index_cast %add3A_210 : i32 to index
        %get3A_211 = arith.constant 0 : index
        %get3A_212 = tpu.vector_load %arg8[%get3A, %get3A_211] {strides = array<i32>} : memref<64x128xf32, #tpu.memory_space<vmem>>, vector<1x16xf32>,
        %get3A_213 = vector.shape_cast %get3A_212 : vector<1x16xf32> to vector<16xf32>
        %add3A_214 = arith.constant 0 : i32
        %add3A_215 = arith.addi %mul3A_208, %add3A_214 : i32
        %swap3A = arith.index_cast %add3A_215 : i32 to index
        %swap3A_216 = arith.constant 0 : index
        %swap3A_217 = tpu.vector_load %arg13[%swap3A, %swap3A_216] {strides = array<i32>} : memref<64x100xf32, #tpu.memory_space<vmem>>, vector<1x16xf32>,
        %swap3A_218 = vector.shape_cast %swap3A_217 : vector<1x16xf32> to vector<16xf32>
        %swap3A_219 = vector.shape_cast %get3A_213 : vector<16xf32> to vector<1x16xf32>
        tpu.vector_store %arg13[%swap3A, %swap3A_216], %swap3A_219 {strides = array<i32>} : memref<64x100xf32, #tpu.memory_space<vmem>>, vector<1x16xf32>,
        %add3A_220 = arith.constant 0 : i32
        %add3A_221 = arith.addi %mul3A_208, %add3A_220 : i32
        %get3A_222 = arith.index_cast %add3A_221 : i32 to index
        %get3A_223 = arith.constant 16 : index
        %get3A_224 = tpu.vector_load %arg8[%get3A_222, %get3A_223] {strides = array<i32>} : memref<64x128xf32, #tpu.memory_space<vmem>>, vector<1x16xf32>,
        %get3A_225 = vector.shape_cast %get3A_224 : vector<1x16xf32> to vector<16xf32>
        %add3A_226 = arith.constant 0 : i32
        %add3A_227 = arith.addi %mul3A_208, %add3A_226 : i32
        %swap3A_228 = arith.index_cast %add3A_227 : i32 to index
        %swap3A_229 = arith.constant 16 : index
        %swap3A_230 = tpu.vector_load %arg13[%swap3A_228, %swap3A_229] {strides = array<i32>} : memref<64x100xf32, #tpu.memory_space<vmem>>, vector<1x16xf32>,
        %swap3A_231 = vector.shape_cast %swap3A_230 : vector<1x16xf32> to vector<16xf32>
        %swap3A_232 = vector.shape_cast %get3A_225 : vector<16xf32> to vector<1x16xf32>
        tpu.vector_store %arg13[%swap3A_228, %swap3A_229], %swap3A_232 {strides = array<i32>} : memref<64x100xf32, #tpu.memory_space<vmem>>, vector<1x16xf32>,
        %add3A_233 = arith.constant 0 : i32
        %add3A_234 = arith.addi %mul3A_208, %add3A_233 : i32
        %get3A_235 = arith.index_cast %add3A_234 : i32 to index
        %get3A_236 = arith.constant 32 : index
        %get3A_237 = tpu.vector_load %arg8[%get3A_235, %get3A_236] {strides = array<i32>} : memref<64x128xf32, #tpu.memory_space<vmem>>, vector<1x16xf32>,
        %get3A_238 = vector.shape_cast %get3A_237 : vector<1x16xf32> to vector<16xf32>
        %add3A_239 = arith.constant 0 : i32
        %add3A_240 = arith.addi %mul3A_208, %add3A_239 : i32
        %swap3A_241 = arith.index_cast %add3A_240 : i32 to index
        %swap3A_242 = arith.constant 32 : index
        %swap3A_243 = tpu.vector_load %arg13[%swap3A_241, %swap3A_242] {strides = array<i32>} : memref<64x100xf32, #tpu.memory_space<vmem>>, vector<1x16xf32>,
        %swap3A_244 = vector.shape_cast %swap3A_243 : vector<1x16xf32> to vector<16xf32>
        %swap3A_245 = vector.shape_cast %get3A_238 : vector<16xf32> to vector<1x16xf32>
        tpu.vector_store %arg13[%swap3A_241, %swap3A_242], %swap3A_245 {strides = array<i32>} : memref<64x100xf32, #tpu.memory_space<vmem>>, vector<1x16xf32>,
        %add3A_246 = arith.constant 0 : i32
        %add3A_247 = arith.addi %mul3A_208, %add3A_246 : i32
        %get3A_248 = arith.index_cast %add3A_247 : i32 to index
        %get3A_249 = arith.constant 48 : index
        %get3A_250 = tpu.vector_load %arg8[%get3A_248, %get3A_249] {strides = array<i32>} : memref<64x128xf32, #tpu.memory_space<vmem>>, vector<1x16xf32>,
        %get3A_251 = vector.shape_cast %get3A_250 : vector<1x16xf32> to vector<16xf32>
        %add3A_252 = arith.constant 0 : i32
        %add3A_253 = arith.addi %mul3A_208, %add3A_252 : i32
        %swap3A_254 = arith.index_cast %add3A_253 : i32 to index
        %swap3A_255 = arith.constant 48 : index
        %swap3A_256 = tpu.vector_load %arg13[%swap3A_254, %swap3A_255] {strides = array<i32>} : memref<64x100xf32, #tpu.memory_space<vmem>>, vector<1x16xf32>,
        %swap3A_257 = vector.shape_cast %swap3A_256 : vector<1x16xf32> to vector<16xf32>
        %swap3A_258 = vector.shape_cast %get3A_251 : vector<16xf32> to vector<1x16xf32>
        tpu.vector_store %arg13[%swap3A_254, %swap3A_255], %swap3A_258 {strides = array<i32>} : memref<64x100xf32, #tpu.memory_space<vmem>>, vector<1x16xf32>,
        %add3A_259 = arith.constant 0 : i32
        %add3A_260 = arith.addi %mul3A_208, %add3A_259 : i32
        %get3A_261 = arith.index_cast %add3A_260 : i32 to index
        %get3A_262 = arith.constant 64 : index
        %get3A_263 = tpu.vector_load %arg8[%get3A_261, %get3A_262] {strides = array<i32>} : memref<64x128xf32, #tpu.memory_space<vmem>>, vector<1x16xf32>,
        %get3A_264 = vector.shape_cast %get3A_263 : vector<1x16xf32> to vector<16xf32>
        %add3A_265 = arith.constant 0 : i32
        %add3A_266 = arith.addi %mul3A_208, %add3A_265 : i32
        %swap3A_267 = arith.index_cast %add3A_266 : i32 to index
        %swap3A_268 = arith.constant 64 : index
        %swap3A_269 = tpu.vector_load %arg13[%swap3A_267, %swap3A_268] {strides = array<i32>} : memref<64x100xf32, #tpu.memory_space<vmem>>, vector<1x16xf32>,
        %swap3A_270 = vector.shape_cast %swap3A_269 : vector<1x16xf32> to vector<16xf32>
        %swap3A_271 = vector.shape_cast %get3A_264 : vector<16xf32> to vector<1x16xf32>
        tpu.vector_store %arg13[%swap3A_267, %swap3A_268], %swap3A_271 {strides = array<i32>} : memref<64x100xf32, #tpu.memory_space<vmem>>, vector<1x16xf32>,
        %add3A_272 = arith.constant 0 : i32
        %add3A_273 = arith.addi %mul3A_208, %add3A_272 : i32
        %get3A_274 = arith.index_cast %add3A_273 : i32 to index
        %get3A_275 = arith.constant 80 : index
        %get3A_276 = tpu.vector_load %arg8[%get3A_274, %get3A_275] {strides = array<i32>} : memref<64x128xf32, #tpu.memory_space<vmem>>, vector<1x16xf32>,
        %get3A_277 = vector.shape_cast %get3A_276 : vector<1x16xf32> to vector<16xf32>
        %add3A_278 = arith.constant 0 : i32
        %add3A_279 = arith.addi %mul3A_208, %add3A_278 : i32
        %swap3A_280 = arith.index_cast %add3A_279 : i32 to index
        %swap3A_281 = arith.constant 80 : index
        %swap3A_282 = tpu.vector_load %arg13[%swap3A_280, %swap3A_281] {strides = array<i32>} : memref<64x100xf32, #tpu.memory_space<vmem>>, vector<1x16xf32>,
        %swap3A_283 = vector.shape_cast %swap3A_282 : vector<1x16xf32> to vector<16xf32>
        %swap3A_284 = vector.shape_cast %get3A_277 : vector<16xf32> to vector<1x16xf32>
        tpu.vector_store %arg13[%swap3A_280, %swap3A_281], %swap3A_284 {strides = array<i32>} : memref<64x100xf32, #tpu.memory_space<vmem>>, vector<1x16xf32>,
        %add3A_285 = arith.constant 0 : i32
        %add3A_286 = arith.addi %mul3A_208, %add3A_285 : i32
        %get3A_287 = arith.index_cast %add3A_286 : i32 to index
        %get3A_288 = arith.constant 84 : index
        %get3A_289 = tpu.vector_load %arg8[%get3A_287, %get3A_288] {strides = array<i32>} : memref<64x128xf32, #tpu.memory_space<vmem>>, vector<1x16xf32>,
        %get3A_290 = vector.shape_cast %get3A_289 : vector<1x16xf32> to vector<16xf32>
        %add3A_291 = arith.constant 0 : i32
        %add3A_292 = arith.addi %mul3A_208, %add3A_291 : i32
        %swap3A_293 = arith.index_cast %add3A_292 : i32 to index
        %swap3A_294 = arith.constant 84 : index
        %swap3A_295 = tpu.vector_load %arg13[%swap3A_293, %swap3A_294] {strides = array<i32>} : memref<64x100xf32, #tpu.memory_space<vmem>>, vector<1x16xf32>,
        %swap3A_296 = vector.shape_cast %swap3A_295 : vector<1x16xf32> to vector<16xf32>
        %swap3A_297 = vector.shape_cast %get3A_290 : vector<16xf32> to vector<1x16xf32>
        tpu.vector_store %arg13[%swap3A_293, %swap3A_294], %swap3A_297 {strides = array<i32>} : memref<64x100xf32, #tpu.memory_space<vmem>>, vector<1x16xf32>,
        %add3A_298 = arith.constant 1 : i32
        %add3A_299 = arith.addi %mul3A_208, %add3A_298 : i32
        %get3A_300 = arith.index_cast %add3A_299 : i32 to index
        %get3A_301 = arith.constant 0 : index
        %get3A_302 = tpu.vector_load %arg8[%get3A_300, %get3A_301] {strides = array<i32>} : memref<64x128xf32, #tpu.memory_space<vmem>>, vector<1x16xf32>,
        %get3A_303 = vector.shape_cast %get3A_302 : vector<1x16xf32> to vector<16xf32>
        %add3A_304 = arith.constant 1 : i32
        %add3A_305 = arith.addi %mul3A_208, %add3A_304 : i32
        %swap3A_306 = arith.index_cast %add3A_305 : i32 to index
        %swap3A_307 = arith.constant 0 : index
        %swap3A_308 = tpu.vector_load %arg13[%swap3A_306, %swap3A_307] {strides = array<i32>} : memref<64x100xf32, #tpu.memory_space<vmem>>, vector<1x16xf32>,
        %swap3A_309 = vector.shape_cast %swap3A_308 : vector<1x16xf32> to vector<16xf32>
        %swap3A_310 = vector.shape_cast %get3A_303 : vector<16xf32> to vector<1x16xf32>
        tpu.vector_store %arg13[%swap3A_306, %swap3A_307], %swap3A_310 {strides = array<i32>} : memref<64x100xf32, #tpu.memory_space<vmem>>, vector<1x16xf32>,
        %add3A_311 = arith.constant 1 : i32
        %add3A_312 = arith.addi %mul3A_208, %add3A_311 : i32
        %get3A_313 = arith.index_cast %add3A_312 : i32 to index
        %get3A_314 = arith.constant 16 : index
        %get3A_315 = tpu.vector_load %arg8[%get3A_313, %get3A_314] {strides = array<i32>} : memref<64x128xf32, #tpu.memory_space<vmem>>, vector<1x16xf32>,
        %get3A_316 = vector.shape_cast %get3A_315 : vector<1x16xf32> to vector<16xf32>
        %add3A_317 = arith.constant 1 : i32
        %add3A_318 = arith.addi %mul3A_208, %add3A_317 : i32
        %swap3A_319 = arith.index_cast %add3A_318 : i32 to index
        %swap3A_320 = arith.constant 16 : index
        %swap3A_321 = tpu.vector_load %arg13[%swap3A_319, %swap3A_320] {strides = array<i32>} : memref<64x100xf32, #tpu.memory_space<vmem>>, vector<1x16xf32>,
        %swap3A_322 = vector.shape_cast %swap3A_321 : vector<1x16xf32> to vector<16xf32>
        %swap3A_323 = vector.shape_cast %get3A_316 : vector<16xf32> to vector<1x16xf32>
        tpu.vector_store %arg13[%swap3A_319, %swap3A_320], %swap3A_323 {strides = array<i32>} : memref<64x100xf32, #tpu.memory_space<vmem>>, vector<1x16xf32>,
        %add3A_324 = arith.constant 1 : i32
        %add3A_325 = arith.addi %mul3A_208, %add3A_324 : i32
        %get3A_326 = arith.index_cast %add3A_325 : i32 to index
        %get3A_327 = arith.constant 32 : index
        %get3A_328 = tpu.vector_load %arg8[%get3A_326, %get3A_327] {strides = array<i32>} : memref<64x128xf32, #tpu.memory_space<vmem>>, vector<1x16xf32>,
        %get3A_329 = vector.shape_cast %get3A_328 : vector<1x16xf32> to vector<16xf32>
        %add3A_330 = arith.constant 1 : i32
        %add3A_331 = arith.addi %mul3A_208, %add3A_330 : i32
        %swap3A_332 = arith.index_cast %add3A_331 : i32 to index
        %swap3A_333 = arith.constant 32 : index
        %swap3A_334 = tpu.vector_load %arg13[%swap3A_332, %swap3A_333] {strides = array<i32>} : memref<64x100xf32, #tpu.memory_space<vmem>>, vector<1x16xf32>,
        %swap3A_335 = vector.shape_cast %swap3A_334 : vector<1x16xf32> to vector<16xf32>
        %swap3A_336 = vector.shape_cast %get3A_329 : vector<16xf32> to vector<1x16xf32>
        tpu.vector_store %arg13[%swap3A_332, %swap3A_333], %swap3A_336 {strides = array<i32>} : memref<64x100xf32, #tpu.memory_space<vmem>>, vector<1x16xf32>,
        %add3A_337 = arith.constant 1 : i32
        %add3A_338 = arith.addi %mul3A_208, %add3A_337 : i32
        %get3A_339 = arith.index_cast %add3A_338 : i32 to index
        %get3A_340 = arith.constant 48 : index
        %get3A_341 = tpu.vector_load %arg8[%get3A_339, %get3A_340] {strides = array<i32>} : memref<64x128xf32, #tpu.memory_space<vmem>>, vector<1x16xf32>,
        %get3A_342 = vector.shape_cast %get3A_341 : vector<1x16xf32> to vector<16xf32>
        %add3A_343 = arith.constant 1 : i32
        %add3A_344 = arith.addi %mul3A_208, %add3A_343 : i32
        %swap3A_345 = arith.index_cast %add3A_344 : i32 to index
        %swap3A_346 = arith.constant 48 : index
        %swap3A_347 = tpu.vector_load %arg13[%swap3A_345, %swap3A_346] {strides = array<i32>} : memref<64x100xf32, #tpu.memory_space<vmem>>, vector<1x16xf32>,
        %swap3A_348 = vector.shape_cast %swap3A_347 : vector<1x16xf32> to vector<16xf32>
        %swap3A_349 = vector.shape_cast %get3A_342 : vector<16xf32> to vector<1x16xf32>
        tpu.vector_store %arg13[%swap3A_345, %swap3A_346], %swap3A_349 {strides = array<i32>} : memref<64x100xf32, #tpu.memory_space<vmem>>, vector<1x16xf32>,
        %add3A_350 = arith.constant 1 : i32
        %add3A_351 = arith.addi %mul3A_208, %add3A_350 : i32
        %get3A_352 = arith.index_cast %add3A_351 : i32 to index
        %get3A_353 = arith.constant 64 : index
        %get3A_354 = tpu.vector_load %arg8[%get3A_352, %get3A_353] {strides = array<i32>} : memref<64x128xf32, #tpu.memory_space<vmem>>, vector<1x16xf32>,
        %get3A_355 = vector.shape_cast %get3A_354 : vector<1x16xf32> to vector<16xf32>
        %add3A_356 = arith.constant 1 : i32
        %add3A_357 = arith.addi %mul3A_208, %add3A_356 : i32
        %swap3A_358 = arith.index_cast %add3A_357 : i32 to index
        %swap3A_359 = arith.constant 64 : index
        %swap3A_360 = tpu.vector_load %arg13[%swap3A_358, %swap3A_359] {strides = array<i32>} : memref<64x100xf32, #tpu.memory_space<vmem>>, vector<1x16xf32>,
        %swap3A_361 = vector.shape_cast %swap3A_360 : vector<1x16xf32> to vector<16xf32>
        %swap3A_362 = vector.shape_cast %get3A_355 : vector<16xf32> to vector<1x16xf32>
        tpu.vector_store %arg13[%swap3A_358, %swap3A_359], %swap3A_362 {strides = array<i32>} : memref<64x100xf32, #tpu.memory_space<vmem>>, vector<1x16xf32>,
        %add3A_363 = arith.constant 1 : i32
        %add3A_364 = arith.addi %mul3A_208, %add3A_363 : i32
        %get3A_365 = arith.index_cast %add3A_364 : i32 to index
        %get3A_366 = arith.constant 80 : index
        %get3A_367 = tpu.vector_load %arg8[%get3A_365, %get3A_366] {strides = array<i32>} : memref<64x128xf32, #tpu.memory_space<vmem>>, vector<1x16xf32>,
        %get3A_368 = vector.shape_cast %get3A_367 : vector<1x16xf32> to vector<16xf32>
        %add3A_369 = arith.constant 1 : i32
        %add3A_370 = arith.addi %mul3A_208, %add3A_369 : i32
        %swap3A_371 = arith.index_cast %add3A_370 : i32 to index
        %swap3A_372 = arith.constant 80 : index
        %swap3A_373 = tpu.vector_load %arg13[%swap3A_371, %swap3A_372] {strides = array<i32>} : memref<64x100xf32, #tpu.memory_space<vmem>>, vector<1x16xf32>,
        %swap3A_374 = vector.shape_cast %swap3A_373 : vector<1x16xf32> to vector<16xf32>
        %swap3A_375 = vector.shape_cast %get3A_368 : vector<16xf32> to vector<1x16xf32>
        tpu.vector_store %arg13[%swap3A_371, %swap3A_372], %swap3A_375 {strides = array<i32>} : memref<64x100xf32, #tpu.memory_space<vmem>>, vector<1x16xf32>,
        %add3A_376 = arith.constant 1 : i32
        %add3A_377 = arith.addi %mul3A_208, %add3A_376 : i32
        %get3A_378 = arith.index_cast %add3A_377 : i32 to index
        %get3A_379 = arith.constant 84 : index
        %get3A_380 = tpu.vector_load %arg8[%get3A_378, %get3A_379] {strides = array<i32>} : memref<64x128xf32, #tpu.memory_space<vmem>>, vector<1x16xf32>,
        %get3A_381 = vector.shape_cast %get3A_380 : vector<1x16xf32> to vector<16xf32>
        %add3A_382 = arith.constant 1 : i32
        %add3A_383 = arith.addi %mul3A_208, %add3A_382 : i32
        %swap3A_384 = arith.index_cast %add3A_383 : i32 to index
        %swap3A_385 = arith.constant 84 : index
        %swap3A_386 = tpu.vector_load %arg13[%swap3A_384, %swap3A_385] {strides = array<i32>} : memref<64x100xf32, #tpu.memory_space<vmem>>, vector<1x16xf32>,
        %swap3A_387 = vector.shape_cast %swap3A_386 : vector<1x16xf32> to vector<16xf32>
        %swap3A_388 = vector.shape_cast %get3A_381 : vector<16xf32> to vector<1x16xf32>
        tpu.vector_store %arg13[%swap3A_384, %swap3A_385], %swap3A_388 {strides = array<i32>} : memref<64x100xf32, #tpu.memory_space<vmem>>, vector<1x16xf32>,
        %add3A_389 = arith.constant 2 : i32
        %add3A_390 = arith.addi %mul3A_208, %add3A_389 : i32
        %get3A_391 = arith.index_cast %add3A_390 : i32 to index
        %get3A_392 = arith.constant 0 : index
        %get3A_393 = tpu.vector_load %arg8[%get3A_391, %get3A_392] {strides = array<i32>} : memref<64x128xf32, #tpu.memory_space<vmem>>, vector<1x16xf32>,
        %get3A_394 = vector.shape_cast %get3A_393 : vector<1x16xf32> to vector<16xf32>
        %add3A_395 = arith.constant 2 : i32
        %add3A_396 = arith.addi %mul3A_208, %add3A_395 : i32
        %swap3A_397 = arith.index_cast %add3A_396 : i32 to index
        %swap3A_398 = arith.constant 0 : index
        %swap3A_399 = tpu.vector_load %arg13[%swap3A_397, %swap3A_398] {strides = array<i32>} : memref<64x100xf32, #tpu.memory_space<vmem>>, vector<1x16xf32>,
        %swap3A_400 = vector.shape_cast %swap3A_399 : vector<1x16xf32> to vector<16xf32>
        %swap3A_401 = vector.shape_cast %get3A_394 : vector<16xf32> to vector<1x16xf32>
        tpu.vector_store %arg13[%swap3A_397, %swap3A_398], %swap3A_401 {strides = array<i32>} : memref<64x100xf32, #tpu.memory_space<vmem>>, vector<1x16xf32>,
        %add3A_402 = arith.constant 2 : i32
        %add3A_403 = arith.addi %mul3A_208, %add3A_402 : i32
        %get3A_404 = arith.index_cast %add3A_403 : i32 to index
        %get3A_405 = arith.constant 16 : index
        %get3A_406 = tpu.vector_load %arg8[%get3A_404, %get3A_405] {strides = array<i32>} : memref<64x128xf32, #tpu.memory_space<vmem>>, vector<1x16xf32>,
        %get3A_407 = vector.shape_cast %get3A_406 : vector<1x16xf32> to vector<16xf32>
        %add3A_408 = arith.constant 2 : i32
        %add3A_409 = arith.addi %mul3A_208, %add3A_408 : i32
        %swap3A_410 = arith.index_cast %add3A_409 : i32 to index
        %swap3A_411 = arith.constant 16 : index
        %swap3A_412 = tpu.vector_load %arg13[%swap3A_410, %swap3A_411] {strides = array<i32>} : memref<64x100xf32, #tpu.memory_space<vmem>>, vector<1x16xf32>,
        %swap3A_413 = vector.shape_cast %swap3A_412 : vector<1x16xf32> to vector<16xf32>
        %swap3A_414 = vector.shape_cast %get3A_407 : vector<16xf32> to vector<1x16xf32>
        tpu.vector_store %arg13[%swap3A_410, %swap3A_411], %swap3A_414 {strides = array<i32>} : memref<64x100xf32, #tpu.memory_space<vmem>>, vector<1x16xf32>,
        %add3A_415 = arith.constant 2 : i32
        %add3A_416 = arith.addi %mul3A_208, %add3A_415 : i32
        %get3A_417 = arith.index_cast %add3A_416 : i32 to index
        %get3A_418 = arith.constant 32 : index
        %get3A_419 = tpu.vector_load %arg8[%get3A_417, %get3A_418] {strides = array<i32>} : memref<64x128xf32, #tpu.memory_space<vmem>>, vector<1x16xf32>,
        %get3A_420 = vector.shape_cast %get3A_419 : vector<1x16xf32> to vector<16xf32>
        %add3A_421 = arith.constant 2 : i32
        %add3A_422 = arith.addi %mul3A_208, %add3A_421 : i32
        %swap3A_423 = arith.index_cast %add3A_422 : i32 to index
        %swap3A_424 = arith.constant 32 : index
        %swap3A_425 = tpu.vector_load %arg13[%swap3A_423, %swap3A_424] {strides = array<i32>} : memref<64x100xf32, #tpu.memory_space<vmem>>, vector<1x16xf32>,
        %swap3A_426 = vector.shape_cast %swap3A_425 : vector<1x16xf32> to vector<16xf32>
        %swap3A_427 = vector.shape_cast %get3A_420 : vector<16xf32> to vector<1x16xf32>
        tpu.vector_store %arg13[%swap3A_423, %swap3A_424], %swap3A_427 {strides = array<i32>} : memref<64x100xf32, #tpu.memory_space<vmem>>, vector<1x16xf32>,
        %add3A_428 = arith.constant 2 : i32
        %add3A_429 = arith.addi %mul3A_208, %add3A_428 : i32
        %get3A_430 = arith.index_cast %add3A_429 : i32 to index
        %get3A_431 = arith.constant 48 : index
        %get3A_432 = tpu.vector_load %arg8[%get3A_430, %get3A_431] {strides = array<i32>} : memref<64x128xf32, #tpu.memory_space<vmem>>, vector<1x16xf32>,
        %get3A_433 = vector.shape_cast %get3A_432 : vector<1x16xf32> to vector<16xf32>
        %add3A_434 = arith.constant 2 : i32
        %add3A_435 = arith.addi %mul3A_208, %add3A_434 : i32
        %swap3A_436 = arith.index_cast %add3A_435 : i32 to index
        %swap3A_437 = arith.constant 48 : index
        %swap3A_438 = tpu.vector_load %arg13[%swap3A_436, %swap3A_437] {strides = array<i32>} : memref<64x100xf32, #tpu.memory_space<vmem>>, vector<1x16xf32>,
        %swap3A_439 = vector.shape_cast %swap3A_438 : vector<1x16xf32> to vector<16xf32>
        %swap3A_440 = vector.shape_cast %get3A_433 : vector<16xf32> to vector<1x16xf32>
        tpu.vector_store %arg13[%swap3A_436, %swap3A_437], %swap3A_440 {strides = array<i32>} : memref<64x100xf32, #tpu.memory_space<vmem>>, vector<1x16xf32>,
        %add3A_441 = arith.constant 2 : i32
        %add3A_442 = arith.addi %mul3A_208, %add3A_441 : i32
        %get3A_443 = arith.index_cast %add3A_442 : i32 to index
        %get3A_444 = arith.constant 64 : index
        %get3A_445 = tpu.vector_load %arg8[%get3A_443, %get3A_444] {strides = array<i32>} : memref<64x128xf32, #tpu.memory_space<vmem>>, vector<1x16xf32>,
        %get3A_446 = vector.shape_cast %get3A_445 : vector<1x16xf32> to vector<16xf32>
        %add3A_447 = arith.constant 2 : i32
        %add3A_448 = arith.addi %mul3A_208, %add3A_447 : i32
        %swap3A_449 = arith.index_cast %add3A_448 : i32 to index
        %swap3A_450 = arith.constant 64 : index
        %swap3A_451 = tpu.vector_load %arg13[%swap3A_449, %swap3A_450] {strides = array<i32>} : memref<64x100xf32, #tpu.memory_space<vmem>>, vector<1x16xf32>,
        %swap3A_452 = vector.shape_cast %swap3A_451 : vector<1x16xf32> to vector<16xf32>
        %swap3A_453 = vector.shape_cast %get3A_446 : vector<16xf32> to vector<1x16xf32>
        tpu.vector_store %arg13[%swap3A_449, %swap3A_450], %swap3A_453 {strides = array<i32>} : memref<64x100xf32, #tpu.memory_space<vmem>>, vector<1x16xf32>,
        %add3A_454 = arith.constant 2 : i32
        %add3A_455 = arith.addi %mul3A_208, %add3A_454 : i32
        %get3A_456 = arith.index_cast %add3A_455 : i32 to index
        %get3A_457 = arith.constant 80 : index
        %get3A_458 = tpu.vector_load %arg8[%get3A_456, %get3A_457] {strides = array<i32>} : memref<64x128xf32, #tpu.memory_space<vmem>>, vector<1x16xf32>,
        %get3A_459 = vector.shape_cast %get3A_458 : vector<1x16xf32> to vector<16xf32>
        %add3A_460 = arith.constant 2 : i32
        %add3A_461 = arith.addi %mul3A_208, %add3A_460 : i32
        %swap3A_462 = arith.index_cast %add3A_461 : i32 to index
        %swap3A_463 = arith.constant 80 : index
        %swap3A_464 = tpu.vector_load %arg13[%swap3A_462, %swap3A_463] {strides = array<i32>} : memref<64x100xf32, #tpu.memory_space<vmem>>, vector<1x16xf32>,
        %swap3A_465 = vector.shape_cast %swap3A_464 : vector<1x16xf32> to vector<16xf32>
        %swap3A_466 = vector.shape_cast %get3A_459 : vector<16xf32> to vector<1x16xf32>
        tpu.vector_store %arg13[%swap3A_462, %swap3A_463], %swap3A_466 {strides = array<i32>} : memref<64x100xf32, #tpu.memory_space<vmem>>, vector<1x16xf32>,
        %add3A_467 = arith.constant 2 : i32
        %add3A_468 = arith.addi %mul3A_208, %add3A_467 : i32
        %get3A_469 = arith.index_cast %add3A_468 : i32 to index
        %get3A_470 = arith.constant 84 : index
        %get3A_471 = tpu.vector_load %arg8[%get3A_469, %get3A_470] {strides = array<i32>} : memref<64x128xf32, #tpu.memory_space<vmem>>, vector<1x16xf32>,
        %get3A_472 = vector.shape_cast %get3A_471 : vector<1x16xf32> to vector<16xf32>
        %add3A_473 = arith.constant 2 : i32
        %add3A_474 = arith.addi %mul3A_208, %add3A_473 : i32
        %swap3A_475 = arith.index_cast %add3A_474 : i32 to index
        %swap3A_476 = arith.constant 84 : index
        %swap3A_477 = tpu.vector_load %arg13[%swap3A_475, %swap3A_476] {strides = array<i32>} : memref<64x100xf32, #tpu.memory_space<vmem>>, vector<1x16xf32>,
        %swap3A_478 = vector.shape_cast %swap3A_477 : vector<1x16xf32> to vector<16xf32>
        %swap3A_479 = vector.shape_cast %get3A_472 : vector<16xf32> to vector<1x16xf32>
        tpu.vector_store %arg13[%swap3A_475, %swap3A_476], %swap3A_479 {strides = array<i32>} : memref<64x100xf32, #tpu.memory_space<vmem>>, vector<1x16xf32>,
        %add3A_480 = arith.constant 3 : i32
        %add3A_481 = arith.addi %mul3A_208, %add3A_480 : i32
        %get3A_482 = arith.index_cast %add3A_481 : i32 to index
        %get3A_483 = arith.constant 0 : index
        %get3A_484 = tpu.vector_load %arg8[%get3A_482, %get3A_483] {strides = array<i32>} : memref<64x128xf32, #tpu.memory_space<vmem>>, vector<1x16xf32>,
        %get3A_485 = vector.shape_cast %get3A_484 : vector<1x16xf32> to vector<16xf32>
        %add3A_486 = arith.constant 3 : i32
        %add3A_487 = arith.addi %mul3A_208, %add3A_486 : i32
        %swap3A_488 = arith.index_cast %add3A_487 : i32 to index
        %swap3A_489 = arith.constant 0 : index
        %swap3A_490 = tpu.vector_load %arg13[%swap3A_488, %swap3A_489] {strides = array<i32>} : memref<64x100xf32, #tpu.memory_space<vmem>>, vector<1x16xf32>,
        %swap3A_491 = vector.shape_cast %swap3A_490 : vector<1x16xf32> to vector<16xf32>
        %swap3A_492 = vector.shape_cast %get3A_485 : vector<16xf32> to vector<1x16xf32>
        tpu.vector_store %arg13[%swap3A_488, %swap3A_489], %swap3A_492 {strides = array<i32>} : memref<64x100xf32, #tpu.memory_space<vmem>>, vector<1x16xf32>,
        %add3A_493 = arith.constant 3 : i32
        %add3A_494 = arith.addi %mul3A_208, %add3A_493 : i32
        %get3A_495 = arith.index_cast %add3A_494 : i32 to index
        %get3A_496 = arith.constant 16 : index
        %get3A_497 = tpu.vector_load %arg8[%get3A_495, %get3A_496] {strides = array<i32>} : memref<64x128xf32, #tpu.memory_space<vmem>>, vector<1x16xf32>,
        %get3A_498 = vector.shape_cast %get3A_497 : vector<1x16xf32> to vector<16xf32>
        %add3A_499 = arith.constant 3 : i32
        %add3A_500 = arith.addi %mul3A_208, %add3A_499 : i32
        %swap3A_501 = arith.index_cast %add3A_500 : i32 to index
        %swap3A_502 = arith.constant 16 : index
        %swap3A_503 = tpu.vector_load %arg13[%swap3A_501, %swap3A_502] {strides = array<i32>} : memref<64x100xf32, #tpu.memory_space<vmem>>, vector<1x16xf32>,
        %swap3A_504 = vector.shape_cast %swap3A_503 : vector<1x16xf32> to vector<16xf32>
        %swap3A_505 = vector.shape_cast %get3A_498 : vector<16xf32> to vector<1x16xf32>
        tpu.vector_store %arg13[%swap3A_501, %swap3A_502], %swap3A_505 {strides = array<i32>} : memref<64x100xf32, #tpu.memory_space<vmem>>, vector<1x16xf32>,
        %add3A_506 = arith.constant 3 : i32
        %add3A_507 = arith.addi %mul3A_208, %add3A_506 : i32
        %get3A_508 = arith.index_cast %add3A_507 : i32 to index
        %get3A_509 = arith.constant 32 : index
        %get3A_510 = tpu.vector_load %arg8[%get3A_508, %get3A_509] {strides = array<i32>} : memref<64x128xf32, #tpu.memory_space<vmem>>, vector<1x16xf32>,
        %get3A_511 = vector.shape_cast %get3A_510 : vector<1x16xf32> to vector<16xf32>
        %add3A_512 = arith.constant 3 : i32
        %add3A_513 = arith.addi %mul3A_208, %add3A_512 : i32
        %swap3A_514 = arith.index_cast %add3A_513 : i32 to index
        %swap3A_515 = arith.constant 32 : index
        %swap3A_516 = tpu.vector_load %arg13[%swap3A_514, %swap3A_515] {strides = array<i32>} : memref<64x100xf32, #tpu.memory_space<vmem>>, vector<1x16xf32>,
        %swap3A_517 = vector.shape_cast %swap3A_516 : vector<1x16xf32> to vector<16xf32>
        %swap3A_518 = vector.shape_cast %get3A_511 : vector<16xf32> to vector<1x16xf32>
        tpu.vector_store %arg13[%swap3A_514, %swap3A_515], %swap3A_518 {strides = array<i32>} : memref<64x100xf32, #tpu.memory_space<vmem>>, vector<1x16xf32>,
        %add3A_519 = arith.constant 3 : i32
        %add3A_520 = arith.addi %mul3A_208, %add3A_519 : i32
        %get3A_521 = arith.index_cast %add3A_520 : i32 to index
        %get3A_522 = arith.constant 48 : index
        %get3A_523 = tpu.vector_load %arg8[%get3A_521, %get3A_522] {strides = array<i32>} : memref<64x128xf32, #tpu.memory_space<vmem>>, vector<1x16xf32>,
        %get3A_524 = vector.shape_cast %get3A_523 : vector<1x16xf32> to vector<16xf32>
        %add3A_525 = arith.constant 3 : i32
        %add3A_526 = arith.addi %mul3A_208, %add3A_525 : i32
        %swap3A_527 = arith.index_cast %add3A_526 : i32 to index
        %swap3A_528 = arith.constant 48 : index
        %swap3A_529 = tpu.vector_load %arg13[%swap3A_527, %swap3A_528] {strides = array<i32>} : memref<64x100xf32, #tpu.memory_space<vmem>>, vector<1x16xf32>,
        %swap3A_530 = vector.shape_cast %swap3A_529 : vector<1x16xf32> to vector<16xf32>
        %swap3A_531 = vector.shape_cast %get3A_524 : vector<16xf32> to vector<1x16xf32>
        tpu.vector_store %arg13[%swap3A_527, %swap3A_528], %swap3A_531 {strides = array<i32>} : memref<64x100xf32, #tpu.memory_space<vmem>>, vector<1x16xf32>,
        %add3A_532 = arith.constant 3 : i32
        %add3A_533 = arith.addi %mul3A_208, %add3A_532 : i32
        %get3A_534 = arith.index_cast %add3A_533 : i32 to index
        %get3A_535 = arith.constant 64 : index
        %get3A_536 = tpu.vector_load %arg8[%get3A_534, %get3A_535] {strides = array<i32>} : memref<64x128xf32, #tpu.memory_space<vmem>>, vector<1x16xf32>,
        %get3A_537 = vector.shape_cast %get3A_536 : vector<1x16xf32> to vector<16xf32>
        %add3A_538 = arith.constant 3 : i32
        %add3A_539 = arith.addi %mul3A_208, %add3A_538 : i32
        %swap3A_540 = arith.index_cast %add3A_539 : i32 to index
        %swap3A_541 = arith.constant 64 : index
        %swap3A_542 = tpu.vector_load %arg13[%swap3A_540, %swap3A_541] {strides = array<i32>} : memref<64x100xf32, #tpu.memory_space<vmem>>, vector<1x16xf32>,
        %swap3A_543 = vector.shape_cast %swap3A_542 : vector<1x16xf32> to vector<16xf32>
        %swap3A_544 = vector.shape_cast %get3A_537 : vector<16xf32> to vector<1x16xf32>
        tpu.vector_store %arg13[%swap3A_540, %swap3A_541], %swap3A_544 {strides = array<i32>} : memref<64x100xf32, #tpu.memory_space<vmem>>, vector<1x16xf32>,
        %add3A_545 = arith.constant 3 : i32
        %add3A_546 = arith.addi %mul3A_208, %add3A_545 : i32
        %get3A_547 = arith.index_cast %add3A_546 : i32 to index
        %get3A_548 = arith.constant 80 : index
        %get3A_549 = tpu.vector_load %arg8[%get3A_547, %get3A_548] {strides = array<i32>} : memref<64x128xf32, #tpu.memory_space<vmem>>, vector<1x16xf32>,
        %get3A_550 = vector.shape_cast %get3A_549 : vector<1x16xf32> to vector<16xf32>
        %add3A_551 = arith.constant 3 : i32
        %add3A_552 = arith.addi %mul3A_208, %add3A_551 : i32
        %swap3A_553 = arith.index_cast %add3A_552 : i32 to index
        %swap3A_554 = arith.constant 80 : index
        %swap3A_555 = tpu.vector_load %arg13[%swap3A_553, %swap3A_554] {strides = array<i32>} : memref<64x100xf32, #tpu.memory_space<vmem>>, vector<1x16xf32>,
        %swap3A_556 = vector.shape_cast %swap3A_555 : vector<1x16xf32> to vector<16xf32>
        %swap3A_557 = vector.shape_cast %get3A_550 : vector<16xf32> to vector<1x16xf32>
        tpu.vector_store %arg13[%swap3A_553, %swap3A_554], %swap3A_557 {strides = array<i32>} : memref<64x100xf32, #tpu.memory_space<vmem>>, vector<1x16xf32>,
        %add3A_558 = arith.constant 3 : i32
        %add3A_559 = arith.addi %mul3A_208, %add3A_558 : i32
        %get3A_560 = arith.index_cast %add3A_559 : i32 to index
        %get3A_561 = arith.constant 84 : index
        %get3A_562 = tpu.vector_load %arg8[%get3A_560, %get3A_561] {strides = array<i32>} : memref<64x128xf32, #tpu.memory_space<vmem>>, vector<1x16xf32>,
        %get3A_563 = vector.shape_cast %get3A_562 : vector<1x16xf32> to vector<16xf32>
        %add3A_564 = arith.constant 3 : i32
        %add3A_565 = arith.addi %mul3A_208, %add3A_564 : i32
        %swap3A_566 = arith.index_cast %add3A_565 : i32 to index
        %swap3A_567 = arith.constant 84 : index
        %swap3A_568 = tpu.vector_load %arg13[%swap3A_566, %swap3A_567] {strides = array<i32>} : memref<64x100xf32, #tpu.memory_space<vmem>>, vector<1x16xf32>,
        %swap3A_569 = vector.shape_cast %swap3A_568 : vector<1x16xf32> to vector<16xf32>
        %swap3A_570 = vector.shape_cast %get3A_563 : vector<16xf32> to vector<1x16xf32>
        tpu.vector_store %arg13[%swap3A_566, %swap3A_567], %swap3A_570 {strides = array<i32>} : memref<64x100xf32, #tpu.memory_space<vmem>>, vector<1x16xf32>,
      }
      %scan3A_150 = arith.constant 16 : i32
      %add3A_151 = arith.constant 2 : i32
      %add3A_152 = arith.addi %mul3A_29, %add3A_151 : i32
      %mul3A_153 = arith.constant 64 : i32
      %mul3A_154 = arith.muli %add3A_152, %mul3A_153 : i32
      %add3A_155 = arith.addi %mul3A_2, %mul3A_154 : i32
      %dma_start3A_156 = arith.constant 0 : i32
      %dma_start3A_157 = tpu.memref_slice %arg4[%add3A_155, %dma_start3A_156] : memref<819200x100xf32, #tpu.memory_space<hbm>> -> memref<64x100xf32, #tpu.memory_space<hbm>>
      %dma_start3A_158 = arith.constant 0 : i32
      %dma_start3A_159 = tpu.memref_slice %arg4[%add3A_155, %dma_start3A_158] : memref<819200x100xf32, #tpu.memory_space<hbm>> -> memref<64x100xf32, #tpu.memory_space<hbm>>
      tpu.enqueue_dma source(%arg13 : memref<64x100xf32, #tpu.memory_space<vmem>>) target(%dma_start3A_159 : memref<64x100xf32, #tpu.memory_space<hbm>>) target_semaphore(%arg23 : memref<!tpu.dma_semaphore, #tpu.memory_space<semaphore_mem>>)
      %add3A_160 = arith.constant 3 : i32
      %add3A_161 = arith.addi %mul3A_29, %add3A_160 : i32
      %mul3A_162 = arith.constant 64 : i32
      %mul3A_163 = arith.muli %add3A_161, %mul3A_162 : i32
      %dma_wait3A_164 = tpu.memref_slice %arg5[%mul3A_163] : memref<25600xi32, #tpu.memory_space<vmem>> -> memref<64xi32, #tpu.memory_space<vmem>>
      %dma_wait3A_165 = arith.constant 0 : i32
      %dma_wait3A_166 = arith.constant 0 : i32
      %dma_wait3A_167 = tpu.memref_slice %arg2[%dma_wait3A_165, %dma_wait3A_166] : memref<100002x128xf32, #tpu.memory_space<hbm>> -> memref<100002x128xf32, #tpu.memory_space<hbm>>
      tpu.wait_indirect_dma semaphore(%arg19 : memref<!tpu.dma_semaphore, #tpu.memory_space<semaphore_mem>>) src(%dma_wait3A_167 : memref<100002x128xf32, #tpu.memory_space<hbm>>) dst(%arg9 : memref<64x128xf32, #tpu.memory_space<vmem>>)
      %scan3A_168 = arith.constant 0 : i32
      %scan3A_169 = arith.constant 0 : i32
      %scan3A_170 = arith.constant 16 : i32
      %scan3A_171 = arith.addi %scan3A_169, %scan3A_170 : i32
      %scan3A_172 = arith.constant 1 : i32
      scf.for %scan3A_206 = %scan3A_169 to %scan3A_171 step %scan3A_172  : i32 {
        %mul3A_207 = arith.constant 4 : i32
        %mul3A_208 = arith.muli %scan3A_206, %mul3A_207 : i32
        %add3A_209 = arith.constant 0 : i32
        %add3A_210 = arith.addi %mul3A_208, %add3A_209 : i32
        %get3A = arith.index_cast %add3A_210 : i32 to index
        %get3A_211 = arith.constant 0 : index
        %get3A_212 = tpu.vector_load %arg9[%get3A, %get3A_211] {strides = array<i32>} : memref<64x128xf32, #tpu.memory_space<vmem>>, vector<1x16xf32>,
        %get3A_213 = vector.shape_cast %get3A_212 : vector<1x16xf32> to vector<16xf32>
        %add3A_214 = arith.constant 0 : i32
        %add3A_215 = arith.addi %mul3A_208, %add3A_214 : i32
        %swap3A = arith.index_cast %add3A_215 : i32 to index
        %swap3A_216 = arith.constant 0 : index
        %swap3A_217 = tpu.vector_load %arg14[%swap3A, %swap3A_216] {strides = array<i32>} : memref<64x100xf32, #tpu.memory_space<vmem>>, vector<1x16xf32>,
        %swap3A_218 = vector.shape_cast %swap3A_217 : vector<1x16xf32> to vector<16xf32>
        %swap3A_219 = vector.shape_cast %get3A_213 : vector<16xf32> to vector<1x16xf32>
        tpu.vector_store %arg14[%swap3A, %swap3A_216], %swap3A_219 {strides = array<i32>} : memref<64x100xf32, #tpu.memory_space<vmem>>, vector<1x16xf32>,
        %add3A_220 = arith.constant 0 : i32
        %add3A_221 = arith.addi %mul3A_208, %add3A_220 : i32
        %get3A_222 = arith.index_cast %add3A_221 : i32 to index
        %get3A_223 = arith.constant 16 : index
        %get3A_224 = tpu.vector_load %arg9[%get3A_222, %get3A_223] {strides = array<i32>} : memref<64x128xf32, #tpu.memory_space<vmem>>, vector<1x16xf32>,
        %get3A_225 = vector.shape_cast %get3A_224 : vector<1x16xf32> to vector<16xf32>
        %add3A_226 = arith.constant 0 : i32
        %add3A_227 = arith.addi %mul3A_208, %add3A_226 : i32
        %swap3A_228 = arith.index_cast %add3A_227 : i32 to index
        %swap3A_229 = arith.constant 16 : index
        %swap3A_230 = tpu.vector_load %arg14[%swap3A_228, %swap3A_229] {strides = array<i32>} : memref<64x100xf32, #tpu.memory_space<vmem>>, vector<1x16xf32>,
        %swap3A_231 = vector.shape_cast %swap3A_230 : vector<1x16xf32> to vector<16xf32>
        %swap3A_232 = vector.shape_cast %get3A_225 : vector<16xf32> to vector<1x16xf32>
        tpu.vector_store %arg14[%swap3A_228, %swap3A_229], %swap3A_232 {strides = array<i32>} : memref<64x100xf32, #tpu.memory_space<vmem>>, vector<1x16xf32>,
        %add3A_233 = arith.constant 0 : i32
        %add3A_234 = arith.addi %mul3A_208, %add3A_233 : i32
        %get3A_235 = arith.index_cast %add3A_234 : i32 to index
        %get3A_236 = arith.constant 32 : index
        %get3A_237 = tpu.vector_load %arg9[%get3A_235, %get3A_236] {strides = array<i32>} : memref<64x128xf32, #tpu.memory_space<vmem>>, vector<1x16xf32>,
        %get3A_238 = vector.shape_cast %get3A_237 : vector<1x16xf32> to vector<16xf32>
        %add3A_239 = arith.constant 0 : i32
        %add3A_240 = arith.addi %mul3A_208, %add3A_239 : i32
        %swap3A_241 = arith.index_cast %add3A_240 : i32 to index
        %swap3A_242 = arith.constant 32 : index
        %swap3A_243 = tpu.vector_load %arg14[%swap3A_241, %swap3A_242] {strides = array<i32>} : memref<64x100xf32, #tpu.memory_space<vmem>>, vector<1x16xf32>,
        %swap3A_244 = vector.shape_cast %swap3A_243 : vector<1x16xf32> to vector<16xf32>
        %swap3A_245 = vector.shape_cast %get3A_238 : vector<16xf32> to vector<1x16xf32>
        tpu.vector_store %arg14[%swap3A_241, %swap3A_242], %swap3A_245 {strides = array<i32>} : memref<64x100xf32, #tpu.memory_space<vmem>>, vector<1x16xf32>,
        %add3A_246 = arith.constant 0 : i32
        %add3A_247 = arith.addi %mul3A_208, %add3A_246 : i32
        %get3A_248 = arith.index_cast %add3A_247 : i32 to index
        %get3A_249 = arith.constant 48 : index
        %get3A_250 = tpu.vector_load %arg9[%get3A_248, %get3A_249] {strides = array<i32>} : memref<64x128xf32, #tpu.memory_space<vmem>>, vector<1x16xf32>,
        %get3A_251 = vector.shape_cast %get3A_250 : vector<1x16xf32> to vector<16xf32>
        %add3A_252 = arith.constant 0 : i32
        %add3A_253 = arith.addi %mul3A_208, %add3A_252 : i32
        %swap3A_254 = arith.index_cast %add3A_253 : i32 to index
        %swap3A_255 = arith.constant 48 : index
        %swap3A_256 = tpu.vector_load %arg14[%swap3A_254, %swap3A_255] {strides = array<i32>} : memref<64x100xf32, #tpu.memory_space<vmem>>, vector<1x16xf32>,
        %swap3A_257 = vector.shape_cast %swap3A_256 : vector<1x16xf32> to vector<16xf32>
        %swap3A_258 = vector.shape_cast %get3A_251 : vector<16xf32> to vector<1x16xf32>
        tpu.vector_store %arg14[%swap3A_254, %swap3A_255], %swap3A_258 {strides = array<i32>} : memref<64x100xf32, #tpu.memory_space<vmem>>, vector<1x16xf32>,
        %add3A_259 = arith.constant 0 : i32
        %add3A_260 = arith.addi %mul3A_208, %add3A_259 : i32
        %get3A_261 = arith.index_cast %add3A_260 : i32 to index
        %get3A_262 = arith.constant 64 : index
        %get3A_263 = tpu.vector_load %arg9[%get3A_261, %get3A_262] {strides = array<i32>} : memref<64x128xf32, #tpu.memory_space<vmem>>, vector<1x16xf32>,
        %get3A_264 = vector.shape_cast %get3A_263 : vector<1x16xf32> to vector<16xf32>
        %add3A_265 = arith.constant 0 : i32
        %add3A_266 = arith.addi %mul3A_208, %add3A_265 : i32
        %swap3A_267 = arith.index_cast %add3A_266 : i32 to index
        %swap3A_268 = arith.constant 64 : index
        %swap3A_269 = tpu.vector_load %arg14[%swap3A_267, %swap3A_268] {strides = array<i32>} : memref<64x100xf32, #tpu.memory_space<vmem>>, vector<1x16xf32>,
        %swap3A_270 = vector.shape_cast %swap3A_269 : vector<1x16xf32> to vector<16xf32>
        %swap3A_271 = vector.shape_cast %get3A_264 : vector<16xf32> to vector<1x16xf32>
        tpu.vector_store %arg14[%swap3A_267, %swap3A_268], %swap3A_271 {strides = array<i32>} : memref<64x100xf32, #tpu.memory_space<vmem>>, vector<1x16xf32>,
        %add3A_272 = arith.constant 0 : i32
        %add3A_273 = arith.addi %mul3A_208, %add3A_272 : i32
        %get3A_274 = arith.index_cast %add3A_273 : i32 to index
        %get3A_275 = arith.constant 80 : index
        %get3A_276 = tpu.vector_load %arg9[%get3A_274, %get3A_275] {strides = array<i32>} : memref<64x128xf32, #tpu.memory_space<vmem>>, vector<1x16xf32>,
        %get3A_277 = vector.shape_cast %get3A_276 : vector<1x16xf32> to vector<16xf32>
        %add3A_278 = arith.constant 0 : i32
        %add3A_279 = arith.addi %mul3A_208, %add3A_278 : i32
        %swap3A_280 = arith.index_cast %add3A_279 : i32 to index
        %swap3A_281 = arith.constant 80 : index
        %swap3A_282 = tpu.vector_load %arg14[%swap3A_280, %swap3A_281] {strides = array<i32>} : memref<64x100xf32, #tpu.memory_space<vmem>>, vector<1x16xf32>,
        %swap3A_283 = vector.shape_cast %swap3A_282 : vector<1x16xf32> to vector<16xf32>
        %swap3A_284 = vector.shape_cast %get3A_277 : vector<16xf32> to vector<1x16xf32>
        tpu.vector_store %arg14[%swap3A_280, %swap3A_281], %swap3A_284 {strides = array<i32>} : memref<64x100xf32, #tpu.memory_space<vmem>>, vector<1x16xf32>,
        %add3A_285 = arith.constant 0 : i32
        %add3A_286 = arith.addi %mul3A_208, %add3A_285 : i32
        %get3A_287 = arith.index_cast %add3A_286 : i32 to index
        %get3A_288 = arith.constant 84 : index
        %get3A_289 = tpu.vector_load %arg9[%get3A_287, %get3A_288] {strides = array<i32>} : memref<64x128xf32, #tpu.memory_space<vmem>>, vector<1x16xf32>,
        %get3A_290 = vector.shape_cast %get3A_289 : vector<1x16xf32> to vector<16xf32>
        %add3A_291 = arith.constant 0 : i32
        %add3A_292 = arith.addi %mul3A_208, %add3A_291 : i32
        %swap3A_293 = arith.index_cast %add3A_292 : i32 to index
        %swap3A_294 = arith.constant 84 : index
        %swap3A_295 = tpu.vector_load %arg14[%swap3A_293, %swap3A_294] {strides = array<i32>} : memref<64x100xf32, #tpu.memory_space<vmem>>, vector<1x16xf32>,
        %swap3A_296 = vector.shape_cast %swap3A_295 : vector<1x16xf32> to vector<16xf32>
        %swap3A_297 = vector.shape_cast %get3A_290 : vector<16xf32> to vector<1x16xf32>
        tpu.vector_store %arg14[%swap3A_293, %swap3A_294], %swap3A_297 {strides = array<i32>} : memref<64x100xf32, #tpu.memory_space<vmem>>, vector<1x16xf32>,
        %add3A_298 = arith.constant 1 : i32
        %add3A_299 = arith.addi %mul3A_208, %add3A_298 : i32
        %get3A_300 = arith.index_cast %add3A_299 : i32 to index
        %get3A_301 = arith.constant 0 : index
        %get3A_302 = tpu.vector_load %arg9[%get3A_300, %get3A_301] {strides = array<i32>} : memref<64x128xf32, #tpu.memory_space<vmem>>, vector<1x16xf32>,
        %get3A_303 = vector.shape_cast %get3A_302 : vector<1x16xf32> to vector<16xf32>
        %add3A_304 = arith.constant 1 : i32
        %add3A_305 = arith.addi %mul3A_208, %add3A_304 : i32
        %swap3A_306 = arith.index_cast %add3A_305 : i32 to index
        %swap3A_307 = arith.constant 0 : index
        %swap3A_308 = tpu.vector_load %arg14[%swap3A_306, %swap3A_307] {strides = array<i32>} : memref<64x100xf32, #tpu.memory_space<vmem>>, vector<1x16xf32>,
        %swap3A_309 = vector.shape_cast %swap3A_308 : vector<1x16xf32> to vector<16xf32>
        %swap3A_310 = vector.shape_cast %get3A_303 : vector<16xf32> to vector<1x16xf32>
        tpu.vector_store %arg14[%swap3A_306, %swap3A_307], %swap3A_310 {strides = array<i32>} : memref<64x100xf32, #tpu.memory_space<vmem>>, vector<1x16xf32>,
        %add3A_311 = arith.constant 1 : i32
        %add3A_312 = arith.addi %mul3A_208, %add3A_311 : i32
        %get3A_313 = arith.index_cast %add3A_312 : i32 to index
        %get3A_314 = arith.constant 16 : index
        %get3A_315 = tpu.vector_load %arg9[%get3A_313, %get3A_314] {strides = array<i32>} : memref<64x128xf32, #tpu.memory_space<vmem>>, vector<1x16xf32>,
        %get3A_316 = vector.shape_cast %get3A_315 : vector<1x16xf32> to vector<16xf32>
        %add3A_317 = arith.constant 1 : i32
        %add3A_318 = arith.addi %mul3A_208, %add3A_317 : i32
        %swap3A_319 = arith.index_cast %add3A_318 : i32 to index
        %swap3A_320 = arith.constant 16 : index
        %swap3A_321 = tpu.vector_load %arg14[%swap3A_319, %swap3A_320] {strides = array<i32>} : memref<64x100xf32, #tpu.memory_space<vmem>>, vector<1x16xf32>,
        %swap3A_322 = vector.shape_cast %swap3A_321 : vector<1x16xf32> to vector<16xf32>
        %swap3A_323 = vector.shape_cast %get3A_316 : vector<16xf32> to vector<1x16xf32>
        tpu.vector_store %arg14[%swap3A_319, %swap3A_320], %swap3A_323 {strides = array<i32>} : memref<64x100xf32, #tpu.memory_space<vmem>>, vector<1x16xf32>,
        %add3A_324 = arith.constant 1 : i32
        %add3A_325 = arith.addi %mul3A_208, %add3A_324 : i32
        %get3A_326 = arith.index_cast %add3A_325 : i32 to index
        %get3A_327 = arith.constant 32 : index
        %get3A_328 = tpu.vector_load %arg9[%get3A_326, %get3A_327] {strides = array<i32>} : memref<64x128xf32, #tpu.memory_space<vmem>>, vector<1x16xf32>,
        %get3A_329 = vector.shape_cast %get3A_328 : vector<1x16xf32> to vector<16xf32>
        %add3A_330 = arith.constant 1 : i32
        %add3A_331 = arith.addi %mul3A_208, %add3A_330 : i32
        %swap3A_332 = arith.index_cast %add3A_331 : i32 to index
        %swap3A_333 = arith.constant 32 : index
        %swap3A_334 = tpu.vector_load %arg14[%swap3A_332, %swap3A_333] {strides = array<i32>} : memref<64x100xf32, #tpu.memory_space<vmem>>, vector<1x16xf32>,
        %swap3A_335 = vector.shape_cast %swap3A_334 : vector<1x16xf32> to vector<16xf32>
        %swap3A_336 = vector.shape_cast %get3A_329 : vector<16xf32> to vector<1x16xf32>
        tpu.vector_store %arg14[%swap3A_332, %swap3A_333], %swap3A_336 {strides = array<i32>} : memref<64x100xf32, #tpu.memory_space<vmem>>, vector<1x16xf32>,
        %add3A_337 = arith.constant 1 : i32
        %add3A_338 = arith.addi %mul3A_208, %add3A_337 : i32
        %get3A_339 = arith.index_cast %add3A_338 : i32 to index
        %get3A_340 = arith.constant 48 : index
        %get3A_341 = tpu.vector_load %arg9[%get3A_339, %get3A_340] {strides = array<i32>} : memref<64x128xf32, #tpu.memory_space<vmem>>, vector<1x16xf32>,
        %get3A_342 = vector.shape_cast %get3A_341 : vector<1x16xf32> to vector<16xf32>
        %add3A_343 = arith.constant 1 : i32
        %add3A_344 = arith.addi %mul3A_208, %add3A_343 : i32
        %swap3A_345 = arith.index_cast %add3A_344 : i32 to index
        %swap3A_346 = arith.constant 48 : index
        %swap3A_347 = tpu.vector_load %arg14[%swap3A_345, %swap3A_346] {strides = array<i32>} : memref<64x100xf32, #tpu.memory_space<vmem>>, vector<1x16xf32>,
        %swap3A_348 = vector.shape_cast %swap3A_347 : vector<1x16xf32> to vector<16xf32>
        %swap3A_349 = vector.shape_cast %get3A_342 : vector<16xf32> to vector<1x16xf32>
        tpu.vector_store %arg14[%swap3A_345, %swap3A_346], %swap3A_349 {strides = array<i32>} : memref<64x100xf32, #tpu.memory_space<vmem>>, vector<1x16xf32>,
        %add3A_350 = arith.constant 1 : i32
        %add3A_351 = arith.addi %mul3A_208, %add3A_350 : i32
        %get3A_352 = arith.index_cast %add3A_351 : i32 to index
        %get3A_353 = arith.constant 64 : index
        %get3A_354 = tpu.vector_load %arg9[%get3A_352, %get3A_353] {strides = array<i32>} : memref<64x128xf32, #tpu.memory_space<vmem>>, vector<1x16xf32>,
        %get3A_355 = vector.shape_cast %get3A_354 : vector<1x16xf32> to vector<16xf32>
        %add3A_356 = arith.constant 1 : i32
        %add3A_357 = arith.addi %mul3A_208, %add3A_356 : i32
        %swap3A_358 = arith.index_cast %add3A_357 : i32 to index
        %swap3A_359 = arith.constant 64 : index
        %swap3A_360 = tpu.vector_load %arg14[%swap3A_358, %swap3A_359] {strides = array<i32>} : memref<64x100xf32, #tpu.memory_space<vmem>>, vector<1x16xf32>,
        %swap3A_361 = vector.shape_cast %swap3A_360 : vector<1x16xf32> to vector<16xf32>
        %swap3A_362 = vector.shape_cast %get3A_355 : vector<16xf32> to vector<1x16xf32>
        tpu.vector_store %arg14[%swap3A_358, %swap3A_359], %swap3A_362 {strides = array<i32>} : memref<64x100xf32, #tpu.memory_space<vmem>>, vector<1x16xf32>,
        %add3A_363 = arith.constant 1 : i32
        %add3A_364 = arith.addi %mul3A_208, %add3A_363 : i32
        %get3A_365 = arith.index_cast %add3A_364 : i32 to index
        %get3A_366 = arith.constant 80 : index
        %get3A_367 = tpu.vector_load %arg9[%get3A_365, %get3A_366] {strides = array<i32>} : memref<64x128xf32, #tpu.memory_space<vmem>>, vector<1x16xf32>,
        %get3A_368 = vector.shape_cast %get3A_367 : vector<1x16xf32> to vector<16xf32>
        %add3A_369 = arith.constant 1 : i32
        %add3A_370 = arith.addi %mul3A_208, %add3A_369 : i32
        %swap3A_371 = arith.index_cast %add3A_370 : i32 to index
        %swap3A_372 = arith.constant 80 : index
        %swap3A_373 = tpu.vector_load %arg14[%swap3A_371, %swap3A_372] {strides = array<i32>} : memref<64x100xf32, #tpu.memory_space<vmem>>, vector<1x16xf32>,
        %swap3A_374 = vector.shape_cast %swap3A_373 : vector<1x16xf32> to vector<16xf32>
        %swap3A_375 = vector.shape_cast %get3A_368 : vector<16xf32> to vector<1x16xf32>
        tpu.vector_store %arg14[%swap3A_371, %swap3A_372], %swap3A_375 {strides = array<i32>} : memref<64x100xf32, #tpu.memory_space<vmem>>, vector<1x16xf32>,
        %add3A_376 = arith.constant 1 : i32
        %add3A_377 = arith.addi %mul3A_208, %add3A_376 : i32
        %get3A_378 = arith.index_cast %add3A_377 : i32 to index
        %get3A_379 = arith.constant 84 : index
        %get3A_380 = tpu.vector_load %arg9[%get3A_378, %get3A_379] {strides = array<i32>} : memref<64x128xf32, #tpu.memory_space<vmem>>, vector<1x16xf32>,
        %get3A_381 = vector.shape_cast %get3A_380 : vector<1x16xf32> to vector<16xf32>
        %add3A_382 = arith.constant 1 : i32
        %add3A_383 = arith.addi %mul3A_208, %add3A_382 : i32
        %swap3A_384 = arith.index_cast %add3A_383 : i32 to index
        %swap3A_385 = arith.constant 84 : index
        %swap3A_386 = tpu.vector_load %arg14[%swap3A_384, %swap3A_385] {strides = array<i32>} : memref<64x100xf32, #tpu.memory_space<vmem>>, vector<1x16xf32>,
        %swap3A_387 = vector.shape_cast %swap3A_386 : vector<1x16xf32> to vector<16xf32>
        %swap3A_388 = vector.shape_cast %get3A_381 : vector<16xf32> to vector<1x16xf32>
        tpu.vector_store %arg14[%swap3A_384, %swap3A_385], %swap3A_388 {strides = array<i32>} : memref<64x100xf32, #tpu.memory_space<vmem>>, vector<1x16xf32>,
        %add3A_389 = arith.constant 2 : i32
        %add3A_390 = arith.addi %mul3A_208, %add3A_389 : i32
        %get3A_391 = arith.index_cast %add3A_390 : i32 to index
        %get3A_392 = arith.constant 0 : index
        %get3A_393 = tpu.vector_load %arg9[%get3A_391, %get3A_392] {strides = array<i32>} : memref<64x128xf32, #tpu.memory_space<vmem>>, vector<1x16xf32>,
        %get3A_394 = vector.shape_cast %get3A_393 : vector<1x16xf32> to vector<16xf32>
        %add3A_395 = arith.constant 2 : i32
        %add3A_396 = arith.addi %mul3A_208, %add3A_395 : i32
        %swap3A_397 = arith.index_cast %add3A_396 : i32 to index
        %swap3A_398 = arith.constant 0 : index
        %swap3A_399 = tpu.vector_load %arg14[%swap3A_397, %swap3A_398] {strides = array<i32>} : memref<64x100xf32, #tpu.memory_space<vmem>>, vector<1x16xf32>,
        %swap3A_400 = vector.shape_cast %swap3A_399 : vector<1x16xf32> to vector<16xf32>
        %swap3A_401 = vector.shape_cast %get3A_394 : vector<16xf32> to vector<1x16xf32>
        tpu.vector_store %arg14[%swap3A_397, %swap3A_398], %swap3A_401 {strides = array<i32>} : memref<64x100xf32, #tpu.memory_space<vmem>>, vector<1x16xf32>,
        %add3A_402 = arith.constant 2 : i32
        %add3A_403 = arith.addi %mul3A_208, %add3A_402 : i32
        %get3A_404 = arith.index_cast %add3A_403 : i32 to index
        %get3A_405 = arith.constant 16 : index
        %get3A_406 = tpu.vector_load %arg9[%get3A_404, %get3A_405] {strides = array<i32>} : memref<64x128xf32, #tpu.memory_space<vmem>>, vector<1x16xf32>,
        %get3A_407 = vector.shape_cast %get3A_406 : vector<1x16xf32> to vector<16xf32>
        %add3A_408 = arith.constant 2 : i32
        %add3A_409 = arith.addi %mul3A_208, %add3A_408 : i32
        %swap3A_410 = arith.index_cast %add3A_409 : i32 to index
        %swap3A_411 = arith.constant 16 : index
        %swap3A_412 = tpu.vector_load %arg14[%swap3A_410, %swap3A_411] {strides = array<i32>} : memref<64x100xf32, #tpu.memory_space<vmem>>, vector<1x16xf32>,
        %swap3A_413 = vector.shape_cast %swap3A_412 : vector<1x16xf32> to vector<16xf32>
        %swap3A_414 = vector.shape_cast %get3A_407 : vector<16xf32> to vector<1x16xf32>
        tpu.vector_store %arg14[%swap3A_410, %swap3A_411], %swap3A_414 {strides = array<i32>} : memref<64x100xf32, #tpu.memory_space<vmem>>, vector<1x16xf32>,
        %add3A_415 = arith.constant 2 : i32
        %add3A_416 = arith.addi %mul3A_208, %add3A_415 : i32
        %get3A_417 = arith.index_cast %add3A_416 : i32 to index
        %get3A_418 = arith.constant 32 : index
        %get3A_419 = tpu.vector_load %arg9[%get3A_417, %get3A_418] {strides = array<i32>} : memref<64x128xf32, #tpu.memory_space<vmem>>, vector<1x16xf32>,
        %get3A_420 = vector.shape_cast %get3A_419 : vector<1x16xf32> to vector<16xf32>
        %add3A_421 = arith.constant 2 : i32
        %add3A_422 = arith.addi %mul3A_208, %add3A_421 : i32
        %swap3A_423 = arith.index_cast %add3A_422 : i32 to index
        %swap3A_424 = arith.constant 32 : index
        %swap3A_425 = tpu.vector_load %arg14[%swap3A_423, %swap3A_424] {strides = array<i32>} : memref<64x100xf32, #tpu.memory_space<vmem>>, vector<1x16xf32>,
        %swap3A_426 = vector.shape_cast %swap3A_425 : vector<1x16xf32> to vector<16xf32>
        %swap3A_427 = vector.shape_cast %get3A_420 : vector<16xf32> to vector<1x16xf32>
        tpu.vector_store %arg14[%swap3A_423, %swap3A_424], %swap3A_427 {strides = array<i32>} : memref<64x100xf32, #tpu.memory_space<vmem>>, vector<1x16xf32>,
        %add3A_428 = arith.constant 2 : i32
        %add3A_429 = arith.addi %mul3A_208, %add3A_428 : i32
        %get3A_430 = arith.index_cast %add3A_429 : i32 to index
        %get3A_431 = arith.constant 48 : index
        %get3A_432 = tpu.vector_load %arg9[%get3A_430, %get3A_431] {strides = array<i32>} : memref<64x128xf32, #tpu.memory_space<vmem>>, vector<1x16xf32>,
        %get3A_433 = vector.shape_cast %get3A_432 : vector<1x16xf32> to vector<16xf32>
        %add3A_434 = arith.constant 2 : i32
        %add3A_435 = arith.addi %mul3A_208, %add3A_434 : i32
        %swap3A_436 = arith.index_cast %add3A_435 : i32 to index
        %swap3A_437 = arith.constant 48 : index
        %swap3A_438 = tpu.vector_load %arg14[%swap3A_436, %swap3A_437] {strides = array<i32>} : memref<64x100xf32, #tpu.memory_space<vmem>>, vector<1x16xf32>,
        %swap3A_439 = vector.shape_cast %swap3A_438 : vector<1x16xf32> to vector<16xf32>
        %swap3A_440 = vector.shape_cast %get3A_433 : vector<16xf32> to vector<1x16xf32>
        tpu.vector_store %arg14[%swap3A_436, %swap3A_437], %swap3A_440 {strides = array<i32>} : memref<64x100xf32, #tpu.memory_space<vmem>>, vector<1x16xf32>,
        %add3A_441 = arith.constant 2 : i32
        %add3A_442 = arith.addi %mul3A_208, %add3A_441 : i32
        %get3A_443 = arith.index_cast %add3A_442 : i32 to index
        %get3A_444 = arith.constant 64 : index
        %get3A_445 = tpu.vector_load %arg9[%get3A_443, %get3A_444] {strides = array<i32>} : memref<64x128xf32, #tpu.memory_space<vmem>>, vector<1x16xf32>,
        %get3A_446 = vector.shape_cast %get3A_445 : vector<1x16xf32> to vector<16xf32>
        %add3A_447 = arith.constant 2 : i32
        %add3A_448 = arith.addi %mul3A_208, %add3A_447 : i32
        %swap3A_449 = arith.index_cast %add3A_448 : i32 to index
        %swap3A_450 = arith.constant 64 : index
        %swap3A_451 = tpu.vector_load %arg14[%swap3A_449, %swap3A_450] {strides = array<i32>} : memref<64x100xf32, #tpu.memory_space<vmem>>, vector<1x16xf32>,
        %swap3A_452 = vector.shape_cast %swap3A_451 : vector<1x16xf32> to vector<16xf32>
        %swap3A_453 = vector.shape_cast %get3A_446 : vector<16xf32> to vector<1x16xf32>
        tpu.vector_store %arg14[%swap3A_449, %swap3A_450], %swap3A_453 {strides = array<i32>} : memref<64x100xf32, #tpu.memory_space<vmem>>, vector<1x16xf32>,
        %add3A_454 = arith.constant 2 : i32
        %add3A_455 = arith.addi %mul3A_208, %add3A_454 : i32
        %get3A_456 = arith.index_cast %add3A_455 : i32 to index
        %get3A_457 = arith.constant 80 : index
        %get3A_458 = tpu.vector_load %arg9[%get3A_456, %get3A_457] {strides = array<i32>} : memref<64x128xf32, #tpu.memory_space<vmem>>, vector<1x16xf32>,
        %get3A_459 = vector.shape_cast %get3A_458 : vector<1x16xf32> to vector<16xf32>
        %add3A_460 = arith.constant 2 : i32
        %add3A_461 = arith.addi %mul3A_208, %add3A_460 : i32
        %swap3A_462 = arith.index_cast %add3A_461 : i32 to index
        %swap3A_463 = arith.constant 80 : index
        %swap3A_464 = tpu.vector_load %arg14[%swap3A_462, %swap3A_463] {strides = array<i32>} : memref<64x100xf32, #tpu.memory_space<vmem>>, vector<1x16xf32>,
        %swap3A_465 = vector.shape_cast %swap3A_464 : vector<1x16xf32> to vector<16xf32>
        %swap3A_466 = vector.shape_cast %get3A_459 : vector<16xf32> to vector<1x16xf32>
        tpu.vector_store %arg14[%swap3A_462, %swap3A_463], %swap3A_466 {strides = array<i32>} : memref<64x100xf32, #tpu.memory_space<vmem>>, vector<1x16xf32>,
        %add3A_467 = arith.constant 2 : i32
        %add3A_468 = arith.addi %mul3A_208, %add3A_467 : i32
        %get3A_469 = arith.index_cast %add3A_468 : i32 to index
        %get3A_470 = arith.constant 84 : index
        %get3A_471 = tpu.vector_load %arg9[%get3A_469, %get3A_470] {strides = array<i32>} : memref<64x128xf32, #tpu.memory_space<vmem>>, vector<1x16xf32>,
        %get3A_472 = vector.shape_cast %get3A_471 : vector<1x16xf32> to vector<16xf32>
        %add3A_473 = arith.constant 2 : i32
        %add3A_474 = arith.addi %mul3A_208, %add3A_473 : i32
        %swap3A_475 = arith.index_cast %add3A_474 : i32 to index
        %swap3A_476 = arith.constant 84 : index
        %swap3A_477 = tpu.vector_load %arg14[%swap3A_475, %swap3A_476] {strides = array<i32>} : memref<64x100xf32, #tpu.memory_space<vmem>>, vector<1x16xf32>,
        %swap3A_478 = vector.shape_cast %swap3A_477 : vector<1x16xf32> to vector<16xf32>
        %swap3A_479 = vector.shape_cast %get3A_472 : vector<16xf32> to vector<1x16xf32>
        tpu.vector_store %arg14[%swap3A_475, %swap3A_476], %swap3A_479 {strides = array<i32>} : memref<64x100xf32, #tpu.memory_space<vmem>>, vector<1x16xf32>,
        %add3A_480 = arith.constant 3 : i32
        %add3A_481 = arith.addi %mul3A_208, %add3A_480 : i32
        %get3A_482 = arith.index_cast %add3A_481 : i32 to index
        %get3A_483 = arith.constant 0 : index
        %get3A_484 = tpu.vector_load %arg9[%get3A_482, %get3A_483] {strides = array<i32>} : memref<64x128xf32, #tpu.memory_space<vmem>>, vector<1x16xf32>,
        %get3A_485 = vector.shape_cast %get3A_484 : vector<1x16xf32> to vector<16xf32>
        %add3A_486 = arith.constant 3 : i32
        %add3A_487 = arith.addi %mul3A_208, %add3A_486 : i32
        %swap3A_488 = arith.index_cast %add3A_487 : i32 to index
        %swap3A_489 = arith.constant 0 : index
        %swap3A_490 = tpu.vector_load %arg14[%swap3A_488, %swap3A_489] {strides = array<i32>} : memref<64x100xf32, #tpu.memory_space<vmem>>, vector<1x16xf32>,
        %swap3A_491 = vector.shape_cast %swap3A_490 : vector<1x16xf32> to vector<16xf32>
        %swap3A_492 = vector.shape_cast %get3A_485 : vector<16xf32> to vector<1x16xf32>
        tpu.vector_store %arg14[%swap3A_488, %swap3A_489], %swap3A_492 {strides = array<i32>} : memref<64x100xf32, #tpu.memory_space<vmem>>, vector<1x16xf32>,
        %add3A_493 = arith.constant 3 : i32
        %add3A_494 = arith.addi %mul3A_208, %add3A_493 : i32
        %get3A_495 = arith.index_cast %add3A_494 : i32 to index
        %get3A_496 = arith.constant 16 : index
        %get3A_497 = tpu.vector_load %arg9[%get3A_495, %get3A_496] {strides = array<i32>} : memref<64x128xf32, #tpu.memory_space<vmem>>, vector<1x16xf32>,
        %get3A_498 = vector.shape_cast %get3A_497 : vector<1x16xf32> to vector<16xf32>
        %add3A_499 = arith.constant 3 : i32
        %add3A_500 = arith.addi %mul3A_208, %add3A_499 : i32
        %swap3A_501 = arith.index_cast %add3A_500 : i32 to index
        %swap3A_502 = arith.constant 16 : index
        %swap3A_503 = tpu.vector_load %arg14[%swap3A_501, %swap3A_502] {strides = array<i32>} : memref<64x100xf32, #tpu.memory_space<vmem>>, vector<1x16xf32>,
        %swap3A_504 = vector.shape_cast %swap3A_503 : vector<1x16xf32> to vector<16xf32>
        %swap3A_505 = vector.shape_cast %get3A_498 : vector<16xf32> to vector<1x16xf32>
        tpu.vector_store %arg14[%swap3A_501, %swap3A_502], %swap3A_505 {strides = array<i32>} : memref<64x100xf32, #tpu.memory_space<vmem>>, vector<1x16xf32>,
        %add3A_506 = arith.constant 3 : i32
        %add3A_507 = arith.addi %mul3A_208, %add3A_506 : i32
        %get3A_508 = arith.index_cast %add3A_507 : i32 to index
        %get3A_509 = arith.constant 32 : index
        %get3A_510 = tpu.vector_load %arg9[%get3A_508, %get3A_509] {strides = array<i32>} : memref<64x128xf32, #tpu.memory_space<vmem>>, vector<1x16xf32>,
        %get3A_511 = vector.shape_cast %get3A_510 : vector<1x16xf32> to vector<16xf32>
        %add3A_512 = arith.constant 3 : i32
        %add3A_513 = arith.addi %mul3A_208, %add3A_512 : i32
        %swap3A_514 = arith.index_cast %add3A_513 : i32 to index
        %swap3A_515 = arith.constant 32 : index
        %swap3A_516 = tpu.vector_load %arg14[%swap3A_514, %swap3A_515] {strides = array<i32>} : memref<64x100xf32, #tpu.memory_space<vmem>>, vector<1x16xf32>,
        %swap3A_517 = vector.shape_cast %swap3A_516 : vector<1x16xf32> to vector<16xf32>
        %swap3A_518 = vector.shape_cast %get3A_511 : vector<16xf32> to vector<1x16xf32>
        tpu.vector_store %arg14[%swap3A_514, %swap3A_515], %swap3A_518 {strides = array<i32>} : memref<64x100xf32, #tpu.memory_space<vmem>>, vector<1x16xf32>,
        %add3A_519 = arith.constant 3 : i32
        %add3A_520 = arith.addi %mul3A_208, %add3A_519 : i32
        %get3A_521 = arith.index_cast %add3A_520 : i32 to index
        %get3A_522 = arith.constant 48 : index
        %get3A_523 = tpu.vector_load %arg9[%get3A_521, %get3A_522] {strides = array<i32>} : memref<64x128xf32, #tpu.memory_space<vmem>>, vector<1x16xf32>,
        %get3A_524 = vector.shape_cast %get3A_523 : vector<1x16xf32> to vector<16xf32>
        %add3A_525 = arith.constant 3 : i32
        %add3A_526 = arith.addi %mul3A_208, %add3A_525 : i32
        %swap3A_527 = arith.index_cast %add3A_526 : i32 to index
        %swap3A_528 = arith.constant 48 : index
        %swap3A_529 = tpu.vector_load %arg14[%swap3A_527, %swap3A_528] {strides = array<i32>} : memref<64x100xf32, #tpu.memory_space<vmem>>, vector<1x16xf32>,
        %swap3A_530 = vector.shape_cast %swap3A_529 : vector<1x16xf32> to vector<16xf32>
        %swap3A_531 = vector.shape_cast %get3A_524 : vector<16xf32> to vector<1x16xf32>
        tpu.vector_store %arg14[%swap3A_527, %swap3A_528], %swap3A_531 {strides = array<i32>} : memref<64x100xf32, #tpu.memory_space<vmem>>, vector<1x16xf32>,
        %add3A_532 = arith.constant 3 : i32
        %add3A_533 = arith.addi %mul3A_208, %add3A_532 : i32
        %get3A_534 = arith.index_cast %add3A_533 : i32 to index
        %get3A_535 = arith.constant 64 : index
        %get3A_536 = tpu.vector_load %arg9[%get3A_534, %get3A_535] {strides = array<i32>} : memref<64x128xf32, #tpu.memory_space<vmem>>, vector<1x16xf32>,
        %get3A_537 = vector.shape_cast %get3A_536 : vector<1x16xf32> to vector<16xf32>
        %add3A_538 = arith.constant 3 : i32
        %add3A_539 = arith.addi %mul3A_208, %add3A_538 : i32
        %swap3A_540 = arith.index_cast %add3A_539 : i32 to index
        %swap3A_541 = arith.constant 64 : index
        %swap3A_542 = tpu.vector_load %arg14[%swap3A_540, %swap3A_541] {strides = array<i32>} : memref<64x100xf32, #tpu.memory_space<vmem>>, vector<1x16xf32>,
        %swap3A_543 = vector.shape_cast %swap3A_542 : vector<1x16xf32> to vector<16xf32>
        %swap3A_544 = vector.shape_cast %get3A_537 : vector<16xf32> to vector<1x16xf32>
        tpu.vector_store %arg14[%swap3A_540, %swap3A_541], %swap3A_544 {strides = array<i32>} : memref<64x100xf32, #tpu.memory_space<vmem>>, vector<1x16xf32>,
        %add3A_545 = arith.constant 3 : i32
        %add3A_546 = arith.addi %mul3A_208, %add3A_545 : i32
        %get3A_547 = arith.index_cast %add3A_546 : i32 to index
        %get3A_548 = arith.constant 80 : index
        %get3A_549 = tpu.vector_load %arg9[%get3A_547, %get3A_548] {strides = array<i32>} : memref<64x128xf32, #tpu.memory_space<vmem>>, vector<1x16xf32>,
        %get3A_550 = vector.shape_cast %get3A_549 : vector<1x16xf32> to vector<16xf32>
        %add3A_551 = arith.constant 3 : i32
        %add3A_552 = arith.addi %mul3A_208, %add3A_551 : i32
        %swap3A_553 = arith.index_cast %add3A_552 : i32 to index
        %swap3A_554 = arith.constant 80 : index
        %swap3A_555 = tpu.vector_load %arg14[%swap3A_553, %swap3A_554] {strides = array<i32>} : memref<64x100xf32, #tpu.memory_space<vmem>>, vector<1x16xf32>,
        %swap3A_556 = vector.shape_cast %swap3A_555 : vector<1x16xf32> to vector<16xf32>
        %swap3A_557 = vector.shape_cast %get3A_550 : vector<16xf32> to vector<1x16xf32>
        tpu.vector_store %arg14[%swap3A_553, %swap3A_554], %swap3A_557 {strides = array<i32>} : memref<64x100xf32, #tpu.memory_space<vmem>>, vector<1x16xf32>,
        %add3A_558 = arith.constant 3 : i32
        %add3A_559 = arith.addi %mul3A_208, %add3A_558 : i32
        %get3A_560 = arith.index_cast %add3A_559 : i32 to index
        %get3A_561 = arith.constant 84 : index
        %get3A_562 = tpu.vector_load %arg9[%get3A_560, %get3A_561] {strides = array<i32>} : memref<64x128xf32, #tpu.memory_space<vmem>>, vector<1x16xf32>,
        %get3A_563 = vector.shape_cast %get3A_562 : vector<1x16xf32> to vector<16xf32>
        %add3A_564 = arith.constant 3 : i32
        %add3A_565 = arith.addi %mul3A_208, %add3A_564 : i32
        %swap3A_566 = arith.index_cast %add3A_565 : i32 to index
        %swap3A_567 = arith.constant 84 : index
        %swap3A_568 = tpu.vector_load %arg14[%swap3A_566, %swap3A_567] {strides = array<i32>} : memref<64x100xf32, #tpu.memory_space<vmem>>, vector<1x16xf32>,
        %swap3A_569 = vector.shape_cast %swap3A_568 : vector<1x16xf32> to vector<16xf32>
        %swap3A_570 = vector.shape_cast %get3A_563 : vector<16xf32> to vector<1x16xf32>
        tpu.vector_store %arg14[%swap3A_566, %swap3A_567], %swap3A_570 {strides = array<i32>} : memref<64x100xf32, #tpu.memory_space<vmem>>, vector<1x16xf32>,
      }
      %scan3A_173 = arith.constant 16 : i32
      %add3A_174 = arith.constant 3 : i32
      %add3A_175 = arith.addi %mul3A_29, %add3A_174 : i32
      %mul3A_176 = arith.constant 64 : i32
      %mul3A_177 = arith.muli %add3A_175, %mul3A_176 : i32
      %add3A_178 = arith.addi %mul3A_2, %mul3A_177 : i32
      %dma_start3A_179 = arith.constant 0 : i32
      %dma_start3A_180 = tpu.memref_slice %arg4[%add3A_178, %dma_start3A_179] : memref<819200x100xf32, #tpu.memory_space<hbm>> -> memref<64x100xf32, #tpu.memory_space<hbm>>
      %dma_start3A_181 = arith.constant 0 : i32
      %dma_start3A_182 = tpu.memref_slice %arg4[%add3A_178, %dma_start3A_181] : memref<819200x100xf32, #tpu.memory_space<hbm>> -> memref<64x100xf32, #tpu.memory_space<hbm>>
      tpu.enqueue_dma source(%arg14 : memref<64x100xf32, #tpu.memory_space<vmem>>) target(%dma_start3A_182 : memref<64x100xf32, #tpu.memory_space<hbm>>) target_semaphore(%arg24 : memref<!tpu.dma_semaphore, #tpu.memory_space<semaphore_mem>>)
      %add3A_183 = arith.constant 4 : i32
      %add3A_184 = arith.addi %mul3A_29, %add3A_183 : i32
      %mul3A_185 = arith.constant 64 : i32
      %mul3A_186 = arith.muli %add3A_184, %mul3A_185 : i32
      %dma_wait3A_187 = tpu.memref_slice %arg5[%mul3A_186] : memref<25600xi32, #tpu.memory_space<vmem>> -> memref<64xi32, #tpu.memory_space<vmem>>
      %dma_wait3A_188 = arith.constant 0 : i32
      %dma_wait3A_189 = arith.constant 0 : i32
      %dma_wait3A_190 = tpu.memref_slice %arg2[%dma_wait3A_188, %dma_wait3A_189] : memref<100002x128xf32, #tpu.memory_space<hbm>> -> memref<100002x128xf32, #tpu.memory_space<hbm>>
      tpu.wait_indirect_dma semaphore(%arg20 : memref<!tpu.dma_semaphore, #tpu.memory_space<semaphore_mem>>) src(%dma_wait3A_190 : memref<100002x128xf32, #tpu.memory_space<hbm>>) dst(%arg10 : memref<64x128xf32, #tpu.memory_space<vmem>>)
      %scan3A_191 = arith.constant 0 : i32
      %scan3A_192 = arith.constant 0 : i32
      %scan3A_193 = arith.constant 16 : i32
      %scan3A_194 = arith.addi %scan3A_192, %scan3A_193 : i32
      %scan3A_195 = arith.constant 1 : i32
      scf.for %scan3A_206 = %scan3A_192 to %scan3A_194 step %scan3A_195  : i32 {
        %mul3A_207 = arith.constant 4 : i32
        %mul3A_208 = arith.muli %scan3A_206, %mul3A_207 : i32
        %add3A_209 = arith.constant 0 : i32
        %add3A_210 = arith.addi %mul3A_208, %add3A_209 : i32
        %get3A = arith.index_cast %add3A_210 : i32 to index
        %get3A_211 = arith.constant 0 : index
        %get3A_212 = tpu.vector_load %arg10[%get3A, %get3A_211] {strides = array<i32>} : memref<64x128xf32, #tpu.memory_space<vmem>>, vector<1x16xf32>,
        %get3A_213 = vector.shape_cast %get3A_212 : vector<1x16xf32> to vector<16xf32>
        %add3A_214 = arith.constant 0 : i32
        %add3A_215 = arith.addi %mul3A_208, %add3A_214 : i32
        %swap3A = arith.index_cast %add3A_215 : i32 to index
        %swap3A_216 = arith.constant 0 : index
        %swap3A_217 = tpu.vector_load %arg15[%swap3A, %swap3A_216] {strides = array<i32>} : memref<64x100xf32, #tpu.memory_space<vmem>>, vector<1x16xf32>,
        %swap3A_218 = vector.shape_cast %swap3A_217 : vector<1x16xf32> to vector<16xf32>
        %swap3A_219 = vector.shape_cast %get3A_213 : vector<16xf32> to vector<1x16xf32>
        tpu.vector_store %arg15[%swap3A, %swap3A_216], %swap3A_219 {strides = array<i32>} : memref<64x100xf32, #tpu.memory_space<vmem>>, vector<1x16xf32>,
        %add3A_220 = arith.constant 0 : i32
        %add3A_221 = arith.addi %mul3A_208, %add3A_220 : i32
        %get3A_222 = arith.index_cast %add3A_221 : i32 to index
        %get3A_223 = arith.constant 16 : index
        %get3A_224 = tpu.vector_load %arg10[%get3A_222, %get3A_223] {strides = array<i32>} : memref<64x128xf32, #tpu.memory_space<vmem>>, vector<1x16xf32>,
        %get3A_225 = vector.shape_cast %get3A_224 : vector<1x16xf32> to vector<16xf32>
        %add3A_226 = arith.constant 0 : i32
        %add3A_227 = arith.addi %mul3A_208, %add3A_226 : i32
        %swap3A_228 = arith.index_cast %add3A_227 : i32 to index
        %swap3A_229 = arith.constant 16 : index
        %swap3A_230 = tpu.vector_load %arg15[%swap3A_228, %swap3A_229] {strides = array<i32>} : memref<64x100xf32, #tpu.memory_space<vmem>>, vector<1x16xf32>,
        %swap3A_231 = vector.shape_cast %swap3A_230 : vector<1x16xf32> to vector<16xf32>
        %swap3A_232 = vector.shape_cast %get3A_225 : vector<16xf32> to vector<1x16xf32>
        tpu.vector_store %arg15[%swap3A_228, %swap3A_229], %swap3A_232 {strides = array<i32>} : memref<64x100xf32, #tpu.memory_space<vmem>>, vector<1x16xf32>,
        %add3A_233 = arith.constant 0 : i32
        %add3A_234 = arith.addi %mul3A_208, %add3A_233 : i32
        %get3A_235 = arith.index_cast %add3A_234 : i32 to index
        %get3A_236 = arith.constant 32 : index
        %get3A_237 = tpu.vector_load %arg10[%get3A_235, %get3A_236] {strides = array<i32>} : memref<64x128xf32, #tpu.memory_space<vmem>>, vector<1x16xf32>,
        %get3A_238 = vector.shape_cast %get3A_237 : vector<1x16xf32> to vector<16xf32>
        %add3A_239 = arith.constant 0 : i32
        %add3A_240 = arith.addi %mul3A_208, %add3A_239 : i32
        %swap3A_241 = arith.index_cast %add3A_240 : i32 to index
        %swap3A_242 = arith.constant 32 : index
        %swap3A_243 = tpu.vector_load %arg15[%swap3A_241, %swap3A_242] {strides = array<i32>} : memref<64x100xf32, #tpu.memory_space<vmem>>, vector<1x16xf32>,
        %swap3A_244 = vector.shape_cast %swap3A_243 : vector<1x16xf32> to vector<16xf32>
        %swap3A_245 = vector.shape_cast %get3A_238 : vector<16xf32> to vector<1x16xf32>
        tpu.vector_store %arg15[%swap3A_241, %swap3A_242], %swap3A_245 {strides = array<i32>} : memref<64x100xf32, #tpu.memory_space<vmem>>, vector<1x16xf32>,
        %add3A_246 = arith.constant 0 : i32
        %add3A_247 = arith.addi %mul3A_208, %add3A_246 : i32
        %get3A_248 = arith.index_cast %add3A_247 : i32 to index
        %get3A_249 = arith.constant 48 : index
        %get3A_250 = tpu.vector_load %arg10[%get3A_248, %get3A_249] {strides = array<i32>} : memref<64x128xf32, #tpu.memory_space<vmem>>, vector<1x16xf32>,
        %get3A_251 = vector.shape_cast %get3A_250 : vector<1x16xf32> to vector<16xf32>
        %add3A_252 = arith.constant 0 : i32
        %add3A_253 = arith.addi %mul3A_208, %add3A_252 : i32
        %swap3A_254 = arith.index_cast %add3A_253 : i32 to index
        %swap3A_255 = arith.constant 48 : index
        %swap3A_256 = tpu.vector_load %arg15[%swap3A_254, %swap3A_255] {strides = array<i32>} : memref<64x100xf32, #tpu.memory_space<vmem>>, vector<1x16xf32>,
        %swap3A_257 = vector.shape_cast %swap3A_256 : vector<1x16xf32> to vector<16xf32>
        %swap3A_258 = vector.shape_cast %get3A_251 : vector<16xf32> to vector<1x16xf32>
        tpu.vector_store %arg15[%swap3A_254, %swap3A_255], %swap3A_258 {strides = array<i32>} : memref<64x100xf32, #tpu.memory_space<vmem>>, vector<1x16xf32>,
        %add3A_259 = arith.constant 0 : i32
        %add3A_260 = arith.addi %mul3A_208, %add3A_259 : i32
        %get3A_261 = arith.index_cast %add3A_260 : i32 to index
        %get3A_262 = arith.constant 64 : index
        %get3A_263 = tpu.vector_load %arg10[%get3A_261, %get3A_262] {strides = array<i32>} : memref<64x128xf32, #tpu.memory_space<vmem>>, vector<1x16xf32>,
        %get3A_264 = vector.shape_cast %get3A_263 : vector<1x16xf32> to vector<16xf32>
        %add3A_265 = arith.constant 0 : i32
        %add3A_266 = arith.addi %mul3A_208, %add3A_265 : i32
        %swap3A_267 = arith.index_cast %add3A_266 : i32 to index
        %swap3A_268 = arith.constant 64 : index
        %swap3A_269 = tpu.vector_load %arg15[%swap3A_267, %swap3A_268] {strides = array<i32>} : memref<64x100xf32, #tpu.memory_space<vmem>>, vector<1x16xf32>,
        %swap3A_270 = vector.shape_cast %swap3A_269 : vector<1x16xf32> to vector<16xf32>
        %swap3A_271 = vector.shape_cast %get3A_264 : vector<16xf32> to vector<1x16xf32>
        tpu.vector_store %arg15[%swap3A_267, %swap3A_268], %swap3A_271 {strides = array<i32>} : memref<64x100xf32, #tpu.memory_space<vmem>>, vector<1x16xf32>,
        %add3A_272 = arith.constant 0 : i32
        %add3A_273 = arith.addi %mul3A_208, %add3A_272 : i32
        %get3A_274 = arith.index_cast %add3A_273 : i32 to index
        %get3A_275 = arith.constant 80 : index
        %get3A_276 = tpu.vector_load %arg10[%get3A_274, %get3A_275] {strides = array<i32>} : memref<64x128xf32, #tpu.memory_space<vmem>>, vector<1x16xf32>,
        %get3A_277 = vector.shape_cast %get3A_276 : vector<1x16xf32> to vector<16xf32>
        %add3A_278 = arith.constant 0 : i32
        %add3A_279 = arith.addi %mul3A_208, %add3A_278 : i32
        %swap3A_280 = arith.index_cast %add3A_279 : i32 to index
        %swap3A_281 = arith.constant 80 : index
        %swap3A_282 = tpu.vector_load %arg15[%swap3A_280, %swap3A_281] {strides = array<i32>} : memref<64x100xf32, #tpu.memory_space<vmem>>, vector<1x16xf32>,
        %swap3A_283 = vector.shape_cast %swap3A_282 : vector<1x16xf32> to vector<16xf32>
        %swap3A_284 = vector.shape_cast %get3A_277 : vector<16xf32> to vector<1x16xf32>
        tpu.vector_store %arg15[%swap3A_280, %swap3A_281], %swap3A_284 {strides = array<i32>} : memref<64x100xf32, #tpu.memory_space<vmem>>, vector<1x16xf32>,
        %add3A_285 = arith.constant 0 : i32
        %add3A_286 = arith.addi %mul3A_208, %add3A_285 : i32
        %get3A_287 = arith.index_cast %add3A_286 : i32 to index
        %get3A_288 = arith.constant 84 : index
        %get3A_289 = tpu.vector_load %arg10[%get3A_287, %get3A_288] {strides = array<i32>} : memref<64x128xf32, #tpu.memory_space<vmem>>, vector<1x16xf32>,
        %get3A_290 = vector.shape_cast %get3A_289 : vector<1x16xf32> to vector<16xf32>
        %add3A_291 = arith.constant 0 : i32
        %add3A_292 = arith.addi %mul3A_208, %add3A_291 : i32
        %swap3A_293 = arith.index_cast %add3A_292 : i32 to index
        %swap3A_294 = arith.constant 84 : index
        %swap3A_295 = tpu.vector_load %arg15[%swap3A_293, %swap3A_294] {strides = array<i32>} : memref<64x100xf32, #tpu.memory_space<vmem>>, vector<1x16xf32>,
        %swap3A_296 = vector.shape_cast %swap3A_295 : vector<1x16xf32> to vector<16xf32>
        %swap3A_297 = vector.shape_cast %get3A_290 : vector<16xf32> to vector<1x16xf32>
        tpu.vector_store %arg15[%swap3A_293, %swap3A_294], %swap3A_297 {strides = array<i32>} : memref<64x100xf32, #tpu.memory_space<vmem>>, vector<1x16xf32>,
        %add3A_298 = arith.constant 1 : i32
        %add3A_299 = arith.addi %mul3A_208, %add3A_298 : i32
        %get3A_300 = arith.index_cast %add3A_299 : i32 to index
        %get3A_301 = arith.constant 0 : index
        %get3A_302 = tpu.vector_load %arg10[%get3A_300, %get3A_301] {strides = array<i32>} : memref<64x128xf32, #tpu.memory_space<vmem>>, vector<1x16xf32>,
        %get3A_303 = vector.shape_cast %get3A_302 : vector<1x16xf32> to vector<16xf32>
        %add3A_304 = arith.constant 1 : i32
        %add3A_305 = arith.addi %mul3A_208, %add3A_304 : i32
        %swap3A_306 = arith.index_cast %add3A_305 : i32 to index
        %swap3A_307 = arith.constant 0 : index
        %swap3A_308 = tpu.vector_load %arg15[%swap3A_306, %swap3A_307] {strides = array<i32>} : memref<64x100xf32, #tpu.memory_space<vmem>>, vector<1x16xf32>,
        %swap3A_309 = vector.shape_cast %swap3A_308 : vector<1x16xf32> to vector<16xf32>
        %swap3A_310 = vector.shape_cast %get3A_303 : vector<16xf32> to vector<1x16xf32>
        tpu.vector_store %arg15[%swap3A_306, %swap3A_307], %swap3A_310 {strides = array<i32>} : memref<64x100xf32, #tpu.memory_space<vmem>>, vector<1x16xf32>,
        %add3A_311 = arith.constant 1 : i32
        %add3A_312 = arith.addi %mul3A_208, %add3A_311 : i32
        %get3A_313 = arith.index_cast %add3A_312 : i32 to index
        %get3A_314 = arith.constant 16 : index
        %get3A_315 = tpu.vector_load %arg10[%get3A_313, %get3A_314] {strides = array<i32>} : memref<64x128xf32, #tpu.memory_space<vmem>>, vector<1x16xf32>,
        %get3A_316 = vector.shape_cast %get3A_315 : vector<1x16xf32> to vector<16xf32>
        %add3A_317 = arith.constant 1 : i32
        %add3A_318 = arith.addi %mul3A_208, %add3A_317 : i32
        %swap3A_319 = arith.index_cast %add3A_318 : i32 to index
        %swap3A_320 = arith.constant 16 : index
        %swap3A_321 = tpu.vector_load %arg15[%swap3A_319, %swap3A_320] {strides = array<i32>} : memref<64x100xf32, #tpu.memory_space<vmem>>, vector<1x16xf32>,
        %swap3A_322 = vector.shape_cast %swap3A_321 : vector<1x16xf32> to vector<16xf32>
        %swap3A_323 = vector.shape_cast %get3A_316 : vector<16xf32> to vector<1x16xf32>
        tpu.vector_store %arg15[%swap3A_319, %swap3A_320], %swap3A_323 {strides = array<i32>} : memref<64x100xf32, #tpu.memory_space<vmem>>, vector<1x16xf32>,
        %add3A_324 = arith.constant 1 : i32
        %add3A_325 = arith.addi %mul3A_208, %add3A_324 : i32
        %get3A_326 = arith.index_cast %add3A_325 : i32 to index
        %get3A_327 = arith.constant 32 : index
        %get3A_328 = tpu.vector_load %arg10[%get3A_326, %get3A_327] {strides = array<i32>} : memref<64x128xf32, #tpu.memory_space<vmem>>, vector<1x16xf32>,
        %get3A_329 = vector.shape_cast %get3A_328 : vector<1x16xf32> to vector<16xf32>
        %add3A_330 = arith.constant 1 : i32
        %add3A_331 = arith.addi %mul3A_208, %add3A_330 : i32
        %swap3A_332 = arith.index_cast %add3A_331 : i32 to index
        %swap3A_333 = arith.constant 32 : index
        %swap3A_334 = tpu.vector_load %arg15[%swap3A_332, %swap3A_333] {strides = array<i32>} : memref<64x100xf32, #tpu.memory_space<vmem>>, vector<1x16xf32>,
        %swap3A_335 = vector.shape_cast %swap3A_334 : vector<1x16xf32> to vector<16xf32>
        %swap3A_336 = vector.shape_cast %get3A_329 : vector<16xf32> to vector<1x16xf32>
        tpu.vector_store %arg15[%swap3A_332, %swap3A_333], %swap3A_336 {strides = array<i32>} : memref<64x100xf32, #tpu.memory_space<vmem>>, vector<1x16xf32>,
        %add3A_337 = arith.constant 1 : i32
        %add3A_338 = arith.addi %mul3A_208, %add3A_337 : i32
        %get3A_339 = arith.index_cast %add3A_338 : i32 to index
        %get3A_340 = arith.constant 48 : index
        %get3A_341 = tpu.vector_load %arg10[%get3A_339, %get3A_340] {strides = array<i32>} : memref<64x128xf32, #tpu.memory_space<vmem>>, vector<1x16xf32>,
        %get3A_342 = vector.shape_cast %get3A_341 : vector<1x16xf32> to vector<16xf32>
        %add3A_343 = arith.constant 1 : i32
        %add3A_344 = arith.addi %mul3A_208, %add3A_343 : i32
        %swap3A_345 = arith.index_cast %add3A_344 : i32 to index
        %swap3A_346 = arith.constant 48 : index
        %swap3A_347 = tpu.vector_load %arg15[%swap3A_345, %swap3A_346] {strides = array<i32>} : memref<64x100xf32, #tpu.memory_space<vmem>>, vector<1x16xf32>,
        %swap3A_348 = vector.shape_cast %swap3A_347 : vector<1x16xf32> to vector<16xf32>
        %swap3A_349 = vector.shape_cast %get3A_342 : vector<16xf32> to vector<1x16xf32>
        tpu.vector_store %arg15[%swap3A_345, %swap3A_346], %swap3A_349 {strides = array<i32>} : memref<64x100xf32, #tpu.memory_space<vmem>>, vector<1x16xf32>,
        %add3A_350 = arith.constant 1 : i32
        %add3A_351 = arith.addi %mul3A_208, %add3A_350 : i32
        %get3A_352 = arith.index_cast %add3A_351 : i32 to index
        %get3A_353 = arith.constant 64 : index
        %get3A_354 = tpu.vector_load %arg10[%get3A_352, %get3A_353] {strides = array<i32>} : memref<64x128xf32, #tpu.memory_space<vmem>>, vector<1x16xf32>,
        %get3A_355 = vector.shape_cast %get3A_354 : vector<1x16xf32> to vector<16xf32>
        %add3A_356 = arith.constant 1 : i32
        %add3A_357 = arith.addi %mul3A_208, %add3A_356 : i32
        %swap3A_358 = arith.index_cast %add3A_357 : i32 to index
        %swap3A_359 = arith.constant 64 : index
        %swap3A_360 = tpu.vector_load %arg15[%swap3A_358, %swap3A_359] {strides = array<i32>} : memref<64x100xf32, #tpu.memory_space<vmem>>, vector<1x16xf32>,
        %swap3A_361 = vector.shape_cast %swap3A_360 : vector<1x16xf32> to vector<16xf32>
        %swap3A_362 = vector.shape_cast %get3A_355 : vector<16xf32> to vector<1x16xf32>
        tpu.vector_store %arg15[%swap3A_358, %swap3A_359], %swap3A_362 {strides = array<i32>} : memref<64x100xf32, #tpu.memory_space<vmem>>, vector<1x16xf32>,
        %add3A_363 = arith.constant 1 : i32
        %add3A_364 = arith.addi %mul3A_208, %add3A_363 : i32
        %get3A_365 = arith.index_cast %add3A_364 : i32 to index
        %get3A_366 = arith.constant 80 : index
        %get3A_367 = tpu.vector_load %arg10[%get3A_365, %get3A_366] {strides = array<i32>} : memref<64x128xf32, #tpu.memory_space<vmem>>, vector<1x16xf32>,
        %get3A_368 = vector.shape_cast %get3A_367 : vector<1x16xf32> to vector<16xf32>
        %add3A_369 = arith.constant 1 : i32
        %add3A_370 = arith.addi %mul3A_208, %add3A_369 : i32
        %swap3A_371 = arith.index_cast %add3A_370 : i32 to index
        %swap3A_372 = arith.constant 80 : index
        %swap3A_373 = tpu.vector_load %arg15[%swap3A_371, %swap3A_372] {strides = array<i32>} : memref<64x100xf32, #tpu.memory_space<vmem>>, vector<1x16xf32>,
        %swap3A_374 = vector.shape_cast %swap3A_373 : vector<1x16xf32> to vector<16xf32>
        %swap3A_375 = vector.shape_cast %get3A_368 : vector<16xf32> to vector<1x16xf32>
        tpu.vector_store %arg15[%swap3A_371, %swap3A_372], %swap3A_375 {strides = array<i32>} : memref<64x100xf32, #tpu.memory_space<vmem>>, vector<1x16xf32>,
        %add3A_376 = arith.constant 1 : i32
        %add3A_377 = arith.addi %mul3A_208, %add3A_376 : i32
        %get3A_378 = arith.index_cast %add3A_377 : i32 to index
        %get3A_379 = arith.constant 84 : index
        %get3A_380 = tpu.vector_load %arg10[%get3A_378, %get3A_379] {strides = array<i32>} : memref<64x128xf32, #tpu.memory_space<vmem>>, vector<1x16xf32>,
        %get3A_381 = vector.shape_cast %get3A_380 : vector<1x16xf32> to vector<16xf32>
        %add3A_382 = arith.constant 1 : i32
        %add3A_383 = arith.addi %mul3A_208, %add3A_382 : i32
        %swap3A_384 = arith.index_cast %add3A_383 : i32 to index
        %swap3A_385 = arith.constant 84 : index
        %swap3A_386 = tpu.vector_load %arg15[%swap3A_384, %swap3A_385] {strides = array<i32>} : memref<64x100xf32, #tpu.memory_space<vmem>>, vector<1x16xf32>,
        %swap3A_387 = vector.shape_cast %swap3A_386 : vector<1x16xf32> to vector<16xf32>
        %swap3A_388 = vector.shape_cast %get3A_381 : vector<16xf32> to vector<1x16xf32>
        tpu.vector_store %arg15[%swap3A_384, %swap3A_385], %swap3A_388 {strides = array<i32>} : memref<64x100xf32, #tpu.memory_space<vmem>>, vector<1x16xf32>,
        %add3A_389 = arith.constant 2 : i32
        %add3A_390 = arith.addi %mul3A_208, %add3A_389 : i32
        %get3A_391 = arith.index_cast %add3A_390 : i32 to index
        %get3A_392 = arith.constant 0 : index
        %get3A_393 = tpu.vector_load %arg10[%get3A_391, %get3A_392] {strides = array<i32>} : memref<64x128xf32, #tpu.memory_space<vmem>>, vector<1x16xf32>,
        %get3A_394 = vector.shape_cast %get3A_393 : vector<1x16xf32> to vector<16xf32>
        %add3A_395 = arith.constant 2 : i32
        %add3A_396 = arith.addi %mul3A_208, %add3A_395 : i32
        %swap3A_397 = arith.index_cast %add3A_396 : i32 to index
        %swap3A_398 = arith.constant 0 : index
        %swap3A_399 = tpu.vector_load %arg15[%swap3A_397, %swap3A_398] {strides = array<i32>} : memref<64x100xf32, #tpu.memory_space<vmem>>, vector<1x16xf32>,
        %swap3A_400 = vector.shape_cast %swap3A_399 : vector<1x16xf32> to vector<16xf32>
        %swap3A_401 = vector.shape_cast %get3A_394 : vector<16xf32> to vector<1x16xf32>
        tpu.vector_store %arg15[%swap3A_397, %swap3A_398], %swap3A_401 {strides = array<i32>} : memref<64x100xf32, #tpu.memory_space<vmem>>, vector<1x16xf32>,
        %add3A_402 = arith.constant 2 : i32
        %add3A_403 = arith.addi %mul3A_208, %add3A_402 : i32
        %get3A_404 = arith.index_cast %add3A_403 : i32 to index
        %get3A_405 = arith.constant 16 : index
        %get3A_406 = tpu.vector_load %arg10[%get3A_404, %get3A_405] {strides = array<i32>} : memref<64x128xf32, #tpu.memory_space<vmem>>, vector<1x16xf32>,
        %get3A_407 = vector.shape_cast %get3A_406 : vector<1x16xf32> to vector<16xf32>
        %add3A_408 = arith.constant 2 : i32
        %add3A_409 = arith.addi %mul3A_208, %add3A_408 : i32
        %swap3A_410 = arith.index_cast %add3A_409 : i32 to index
        %swap3A_411 = arith.constant 16 : index
        %swap3A_412 = tpu.vector_load %arg15[%swap3A_410, %swap3A_411] {strides = array<i32>} : memref<64x100xf32, #tpu.memory_space<vmem>>, vector<1x16xf32>,
        %swap3A_413 = vector.shape_cast %swap3A_412 : vector<1x16xf32> to vector<16xf32>
        %swap3A_414 = vector.shape_cast %get3A_407 : vector<16xf32> to vector<1x16xf32>
        tpu.vector_store %arg15[%swap3A_410, %swap3A_411], %swap3A_414 {strides = array<i32>} : memref<64x100xf32, #tpu.memory_space<vmem>>, vector<1x16xf32>,
        %add3A_415 = arith.constant 2 : i32
        %add3A_416 = arith.addi %mul3A_208, %add3A_415 : i32
        %get3A_417 = arith.index_cast %add3A_416 : i32 to index
        %get3A_418 = arith.constant 32 : index
        %get3A_419 = tpu.vector_load %arg10[%get3A_417, %get3A_418] {strides = array<i32>} : memref<64x128xf32, #tpu.memory_space<vmem>>, vector<1x16xf32>,
        %get3A_420 = vector.shape_cast %get3A_419 : vector<1x16xf32> to vector<16xf32>
        %add3A_421 = arith.constant 2 : i32
        %add3A_422 = arith.addi %mul3A_208, %add3A_421 : i32
        %swap3A_423 = arith.index_cast %add3A_422 : i32 to index
        %swap3A_424 = arith.constant 32 : index
        %swap3A_425 = tpu.vector_load %arg15[%swap3A_423, %swap3A_424] {strides = array<i32>} : memref<64x100xf32, #tpu.memory_space<vmem>>, vector<1x16xf32>,
        %swap3A_426 = vector.shape_cast %swap3A_425 : vector<1x16xf32> to vector<16xf32>
        %swap3A_427 = vector.shape_cast %get3A_420 : vector<16xf32> to vector<1x16xf32>
        tpu.vector_store %arg15[%swap3A_423, %swap3A_424], %swap3A_427 {strides = array<i32>} : memref<64x100xf32, #tpu.memory_space<vmem>>, vector<1x16xf32>,
        %add3A_428 = arith.constant 2 : i32
        %add3A_429 = arith.addi %mul3A_208, %add3A_428 : i32
        %get3A_430 = arith.index_cast %add3A_429 : i32 to index
        %get3A_431 = arith.constant 48 : index
        %get3A_432 = tpu.vector_load %arg10[%get3A_430, %get3A_431] {strides = array<i32>} : memref<64x128xf32, #tpu.memory_space<vmem>>, vector<1x16xf32>,
        %get3A_433 = vector.shape_cast %get3A_432 : vector<1x16xf32> to vector<16xf32>
        %add3A_434 = arith.constant 2 : i32
        %add3A_435 = arith.addi %mul3A_208, %add3A_434 : i32
        %swap3A_436 = arith.index_cast %add3A_435 : i32 to index
        %swap3A_437 = arith.constant 48 : index
        %swap3A_438 = tpu.vector_load %arg15[%swap3A_436, %swap3A_437] {strides = array<i32>} : memref<64x100xf32, #tpu.memory_space<vmem>>, vector<1x16xf32>,
        %swap3A_439 = vector.shape_cast %swap3A_438 : vector<1x16xf32> to vector<16xf32>
        %swap3A_440 = vector.shape_cast %get3A_433 : vector<16xf32> to vector<1x16xf32>
        tpu.vector_store %arg15[%swap3A_436, %swap3A_437], %swap3A_440 {strides = array<i32>} : memref<64x100xf32, #tpu.memory_space<vmem>>, vector<1x16xf32>,
        %add3A_441 = arith.constant 2 : i32
        %add3A_442 = arith.addi %mul3A_208, %add3A_441 : i32
        %get3A_443 = arith.index_cast %add3A_442 : i32 to index
        %get3A_444 = arith.constant 64 : index
        %get3A_445 = tpu.vector_load %arg10[%get3A_443, %get3A_444] {strides = array<i32>} : memref<64x128xf32, #tpu.memory_space<vmem>>, vector<1x16xf32>,
        %get3A_446 = vector.shape_cast %get3A_445 : vector<1x16xf32> to vector<16xf32>
        %add3A_447 = arith.constant 2 : i32
        %add3A_448 = arith.addi %mul3A_208, %add3A_447 : i32
        %swap3A_449 = arith.index_cast %add3A_448 : i32 to index
        %swap3A_450 = arith.constant 64 : index
        %swap3A_451 = tpu.vector_load %arg15[%swap3A_449, %swap3A_450] {strides = array<i32>} : memref<64x100xf32, #tpu.memory_space<vmem>>, vector<1x16xf32>,
        %swap3A_452 = vector.shape_cast %swap3A_451 : vector<1x16xf32> to vector<16xf32>
        %swap3A_453 = vector.shape_cast %get3A_446 : vector<16xf32> to vector<1x16xf32>
        tpu.vector_store %arg15[%swap3A_449, %swap3A_450], %swap3A_453 {strides = array<i32>} : memref<64x100xf32, #tpu.memory_space<vmem>>, vector<1x16xf32>,
        %add3A_454 = arith.constant 2 : i32
        %add3A_455 = arith.addi %mul3A_208, %add3A_454 : i32
        %get3A_456 = arith.index_cast %add3A_455 : i32 to index
        %get3A_457 = arith.constant 80 : index
        %get3A_458 = tpu.vector_load %arg10[%get3A_456, %get3A_457] {strides = array<i32>} : memref<64x128xf32, #tpu.memory_space<vmem>>, vector<1x16xf32>,
        %get3A_459 = vector.shape_cast %get3A_458 : vector<1x16xf32> to vector<16xf32>
        %add3A_460 = arith.constant 2 : i32
        %add3A_461 = arith.addi %mul3A_208, %add3A_460 : i32
        %swap3A_462 = arith.index_cast %add3A_461 : i32 to index
        %swap3A_463 = arith.constant 80 : index
        %swap3A_464 = tpu.vector_load %arg15[%swap3A_462, %swap3A_463] {strides = array<i32>} : memref<64x100xf32, #tpu.memory_space<vmem>>, vector<1x16xf32>,
        %swap3A_465 = vector.shape_cast %swap3A_464 : vector<1x16xf32> to vector<16xf32>
        %swap3A_466 = vector.shape_cast %get3A_459 : vector<16xf32> to vector<1x16xf32>
        tpu.vector_store %arg15[%swap3A_462, %swap3A_463], %swap3A_466 {strides = array<i32>} : memref<64x100xf32, #tpu.memory_space<vmem>>, vector<1x16xf32>,
        %add3A_467 = arith.constant 2 : i32
        %add3A_468 = arith.addi %mul3A_208, %add3A_467 : i32
        %get3A_469 = arith.index_cast %add3A_468 : i32 to index
        %get3A_470 = arith.constant 84 : index
        %get3A_471 = tpu.vector_load %arg10[%get3A_469, %get3A_470] {strides = array<i32>} : memref<64x128xf32, #tpu.memory_space<vmem>>, vector<1x16xf32>,
        %get3A_472 = vector.shape_cast %get3A_471 : vector<1x16xf32> to vector<16xf32>
        %add3A_473 = arith.constant 2 : i32
        %add3A_474 = arith.addi %mul3A_208, %add3A_473 : i32
        %swap3A_475 = arith.index_cast %add3A_474 : i32 to index
        %swap3A_476 = arith.constant 84 : index
        %swap3A_477 = tpu.vector_load %arg15[%swap3A_475, %swap3A_476] {strides = array<i32>} : memref<64x100xf32, #tpu.memory_space<vmem>>, vector<1x16xf32>,
        %swap3A_478 = vector.shape_cast %swap3A_477 : vector<1x16xf32> to vector<16xf32>
        %swap3A_479 = vector.shape_cast %get3A_472 : vector<16xf32> to vector<1x16xf32>
        tpu.vector_store %arg15[%swap3A_475, %swap3A_476], %swap3A_479 {strides = array<i32>} : memref<64x100xf32, #tpu.memory_space<vmem>>, vector<1x16xf32>,
        %add3A_480 = arith.constant 3 : i32
        %add3A_481 = arith.addi %mul3A_208, %add3A_480 : i32
        %get3A_482 = arith.index_cast %add3A_481 : i32 to index
        %get3A_483 = arith.constant 0 : index
        %get3A_484 = tpu.vector_load %arg10[%get3A_482, %get3A_483] {strides = array<i32>} : memref<64x128xf32, #tpu.memory_space<vmem>>, vector<1x16xf32>,
        %get3A_485 = vector.shape_cast %get3A_484 : vector<1x16xf32> to vector<16xf32>
        %add3A_486 = arith.constant 3 : i32
        %add3A_487 = arith.addi %mul3A_208, %add3A_486 : i32
        %swap3A_488 = arith.index_cast %add3A_487 : i32 to index
        %swap3A_489 = arith.constant 0 : index
        %swap3A_490 = tpu.vector_load %arg15[%swap3A_488, %swap3A_489] {strides = array<i32>} : memref<64x100xf32, #tpu.memory_space<vmem>>, vector<1x16xf32>,
        %swap3A_491 = vector.shape_cast %swap3A_490 : vector<1x16xf32> to vector<16xf32>
        %swap3A_492 = vector.shape_cast %get3A_485 : vector<16xf32> to vector<1x16xf32>
        tpu.vector_store %arg15[%swap3A_488, %swap3A_489], %swap3A_492 {strides = array<i32>} : memref<64x100xf32, #tpu.memory_space<vmem>>, vector<1x16xf32>,
        %add3A_493 = arith.constant 3 : i32
        %add3A_494 = arith.addi %mul3A_208, %add3A_493 : i32
        %get3A_495 = arith.index_cast %add3A_494 : i32 to index
        %get3A_496 = arith.constant 16 : index
        %get3A_497 = tpu.vector_load %arg10[%get3A_495, %get3A_496] {strides = array<i32>} : memref<64x128xf32, #tpu.memory_space<vmem>>, vector<1x16xf32>,
        %get3A_498 = vector.shape_cast %get3A_497 : vector<1x16xf32> to vector<16xf32>
        %add3A_499 = arith.constant 3 : i32
        %add3A_500 = arith.addi %mul3A_208, %add3A_499 : i32
        %swap3A_501 = arith.index_cast %add3A_500 : i32 to index
        %swap3A_502 = arith.constant 16 : index
        %swap3A_503 = tpu.vector_load %arg15[%swap3A_501, %swap3A_502] {strides = array<i32>} : memref<64x100xf32, #tpu.memory_space<vmem>>, vector<1x16xf32>,
        %swap3A_504 = vector.shape_cast %swap3A_503 : vector<1x16xf32> to vector<16xf32>
        %swap3A_505 = vector.shape_cast %get3A_498 : vector<16xf32> to vector<1x16xf32>
        tpu.vector_store %arg15[%swap3A_501, %swap3A_502], %swap3A_505 {strides = array<i32>} : memref<64x100xf32, #tpu.memory_space<vmem>>, vector<1x16xf32>,
        %add3A_506 = arith.constant 3 : i32
        %add3A_507 = arith.addi %mul3A_208, %add3A_506 : i32
        %get3A_508 = arith.index_cast %add3A_507 : i32 to index
        %get3A_509 = arith.constant 32 : index
        %get3A_510 = tpu.vector_load %arg10[%get3A_508, %get3A_509] {strides = array<i32>} : memref<64x128xf32, #tpu.memory_space<vmem>>, vector<1x16xf32>,
        %get3A_511 = vector.shape_cast %get3A_510 : vector<1x16xf32> to vector<16xf32>
        %add3A_512 = arith.constant 3 : i32
        %add3A_513 = arith.addi %mul3A_208, %add3A_512 : i32
        %swap3A_514 = arith.index_cast %add3A_513 : i32 to index
        %swap3A_515 = arith.constant 32 : index
        %swap3A_516 = tpu.vector_load %arg15[%swap3A_514, %swap3A_515] {strides = array<i32>} : memref<64x100xf32, #tpu.memory_space<vmem>>, vector<1x16xf32>,
        %swap3A_517 = vector.shape_cast %swap3A_516 : vector<1x16xf32> to vector<16xf32>
        %swap3A_518 = vector.shape_cast %get3A_511 : vector<16xf32> to vector<1x16xf32>
        tpu.vector_store %arg15[%swap3A_514, %swap3A_515], %swap3A_518 {strides = array<i32>} : memref<64x100xf32, #tpu.memory_space<vmem>>, vector<1x16xf32>,
        %add3A_519 = arith.constant 3 : i32
        %add3A_520 = arith.addi %mul3A_208, %add3A_519 : i32
        %get3A_521 = arith.index_cast %add3A_520 : i32 to index
        %get3A_522 = arith.constant 48 : index
        %get3A_523 = tpu.vector_load %arg10[%get3A_521, %get3A_522] {strides = array<i32>} : memref<64x128xf32, #tpu.memory_space<vmem>>, vector<1x16xf32>,
        %get3A_524 = vector.shape_cast %get3A_523 : vector<1x16xf32> to vector<16xf32>
        %add3A_525 = arith.constant 3 : i32
        %add3A_526 = arith.addi %mul3A_208, %add3A_525 : i32
        %swap3A_527 = arith.index_cast %add3A_526 : i32 to index
        %swap3A_528 = arith.constant 48 : index
        %swap3A_529 = tpu.vector_load %arg15[%swap3A_527, %swap3A_528] {strides = array<i32>} : memref<64x100xf32, #tpu.memory_space<vmem>>, vector<1x16xf32>,
        %swap3A_530 = vector.shape_cast %swap3A_529 : vector<1x16xf32> to vector<16xf32>
        %swap3A_531 = vector.shape_cast %get3A_524 : vector<16xf32> to vector<1x16xf32>
        tpu.vector_store %arg15[%swap3A_527, %swap3A_528], %swap3A_531 {strides = array<i32>} : memref<64x100xf32, #tpu.memory_space<vmem>>, vector<1x16xf32>,
        %add3A_532 = arith.constant 3 : i32
        %add3A_533 = arith.addi %mul3A_208, %add3A_532 : i32
        %get3A_534 = arith.index_cast %add3A_533 : i32 to index
        %get3A_535 = arith.constant 64 : index
        %get3A_536 = tpu.vector_load %arg10[%get3A_534, %get3A_535] {strides = array<i32>} : memref<64x128xf32, #tpu.memory_space<vmem>>, vector<1x16xf32>,
        %get3A_537 = vector.shape_cast %get3A_536 : vector<1x16xf32> to vector<16xf32>
        %add3A_538 = arith.constant 3 : i32
        %add3A_539 = arith.addi %mul3A_208, %add3A_538 : i32
        %swap3A_540 = arith.index_cast %add3A_539 : i32 to index
        %swap3A_541 = arith.constant 64 : index
        %swap3A_542 = tpu.vector_load %arg15[%swap3A_540, %swap3A_541] {strides = array<i32>} : memref<64x100xf32, #tpu.memory_space<vmem>>, vector<1x16xf32>,
        %swap3A_543 = vector.shape_cast %swap3A_542 : vector<1x16xf32> to vector<16xf32>
        %swap3A_544 = vector.shape_cast %get3A_537 : vector<16xf32> to vector<1x16xf32>
        tpu.vector_store %arg15[%swap3A_540, %swap3A_541], %swap3A_544 {strides = array<i32>} : memref<64x100xf32, #tpu.memory_space<vmem>>, vector<1x16xf32>,
        %add3A_545 = arith.constant 3 : i32
        %add3A_546 = arith.addi %mul3A_208, %add3A_545 : i32
        %get3A_547 = arith.index_cast %add3A_546 : i32 to index
        %get3A_548 = arith.constant 80 : index
        %get3A_549 = tpu.vector_load %arg10[%get3A_547, %get3A_548] {strides = array<i32>} : memref<64x128xf32, #tpu.memory_space<vmem>>, vector<1x16xf32>,
        %get3A_550 = vector.shape_cast %get3A_549 : vector<1x16xf32> to vector<16xf32>
        %add3A_551 = arith.constant 3 : i32
        %add3A_552 = arith.addi %mul3A_208, %add3A_551 : i32
        %swap3A_553 = arith.index_cast %add3A_552 : i32 to index
        %swap3A_554 = arith.constant 80 : index
        %swap3A_555 = tpu.vector_load %arg15[%swap3A_553, %swap3A_554] {strides = array<i32>} : memref<64x100xf32, #tpu.memory_space<vmem>>, vector<1x16xf32>,
        %swap3A_556 = vector.shape_cast %swap3A_555 : vector<1x16xf32> to vector<16xf32>
        %swap3A_557 = vector.shape_cast %get3A_550 : vector<16xf32> to vector<1x16xf32>
        tpu.vector_store %arg15[%swap3A_553, %swap3A_554], %swap3A_557 {strides = array<i32>} : memref<64x100xf32, #tpu.memory_space<vmem>>, vector<1x16xf32>,
        %add3A_558 = arith.constant 3 : i32
        %add3A_559 = arith.addi %mul3A_208, %add3A_558 : i32
        %get3A_560 = arith.index_cast %add3A_559 : i32 to index
        %get3A_561 = arith.constant 84 : index
        %get3A_562 = tpu.vector_load %arg10[%get3A_560, %get3A_561] {strides = array<i32>} : memref<64x128xf32, #tpu.memory_space<vmem>>, vector<1x16xf32>,
        %get3A_563 = vector.shape_cast %get3A_562 : vector<1x16xf32> to vector<16xf32>
        %add3A_564 = arith.constant 3 : i32
        %add3A_565 = arith.addi %mul3A_208, %add3A_564 : i32
        %swap3A_566 = arith.index_cast %add3A_565 : i32 to index
        %swap3A_567 = arith.constant 84 : index
        %swap3A_568 = tpu.vector_load %arg15[%swap3A_566, %swap3A_567] {strides = array<i32>} : memref<64x100xf32, #tpu.memory_space<vmem>>, vector<1x16xf32>,
        %swap3A_569 = vector.shape_cast %swap3A_568 : vector<1x16xf32> to vector<16xf32>
        %swap3A_570 = vector.shape_cast %get3A_563 : vector<16xf32> to vector<1x16xf32>
        tpu.vector_store %arg15[%swap3A_566, %swap3A_567], %swap3A_570 {strides = array<i32>} : memref<64x100xf32, #tpu.memory_space<vmem>>, vector<1x16xf32>,
      }
      %scan3A_196 = arith.constant 16 : i32
      %add3A_197 = arith.constant 4 : i32
      %add3A_198 = arith.addi %mul3A_29, %add3A_197 : i32
      %mul3A_199 = arith.constant 64 : i32
      %mul3A_200 = arith.muli %add3A_198, %mul3A_199 : i32
      %add3A_201 = arith.addi %mul3A_2, %mul3A_200 : i32
      %dma_start3A_202 = arith.constant 0 : i32
      %dma_start3A_203 = tpu.memref_slice %arg4[%add3A_201, %dma_start3A_202] : memref<819200x100xf32, #tpu.memory_space<hbm>> -> memref<64x100xf32, #tpu.memory_space<hbm>>
      %dma_start3A_204 = arith.constant 0 : i32
      %dma_start3A_205 = tpu.memref_slice %arg4[%add3A_201, %dma_start3A_204] : memref<819200x100xf32, #tpu.memory_space<hbm>> -> memref<64x100xf32, #tpu.memory_space<hbm>>
      tpu.enqueue_dma source(%arg15 : memref<64x100xf32, #tpu.memory_space<vmem>>) target(%dma_start3A_205 : memref<64x100xf32, #tpu.memory_space<hbm>>) target_semaphore(%arg25 : memref<!tpu.dma_semaphore, #tpu.memory_space<semaphore_mem>>)
    }
    %scan3A_7 = arith.constant 80 : i32
    %dma_wait3A = arith.constant 0 : i32
    %dma_wait3A_8 = tpu.memref_slice %arg4[%mul3A_2, %dma_wait3A] : memref<819200x100xf32, #tpu.memory_space<hbm>> -> memref<64x100xf32, #tpu.memory_space<hbm>>
    %dma_wait3A_9 = arith.constant 0 : i32
    %dma_wait3A_10 = tpu.memref_slice %arg4[%mul3A_2, %dma_wait3A_9] : memref<819200x100xf32, #tpu.memory_space<hbm>> -> memref<64x100xf32, #tpu.memory_space<hbm>>
    tpu.wait_dma2 semaphore(%arg21 : memref<!tpu.dma_semaphore, #tpu.memory_space<semaphore_mem>>) src(%arg11 : memref<64x100xf32, #tpu.memory_space<vmem>>) dst(%dma_wait3A_10 : memref<64x100xf32, #tpu.memory_space<hbm>>)
    %dma_wait3A_11 = arith.constant 0 : i32
    %dma_wait3A_12 = tpu.memref_slice %arg4[%mul3A_2, %dma_wait3A_11] : memref<819200x100xf32, #tpu.memory_space<hbm>> -> memref<64x100xf32, #tpu.memory_space<hbm>>
    %dma_wait3A_13 = arith.constant 0 : i32
    %dma_wait3A_14 = tpu.memref_slice %arg4[%mul3A_2, %dma_wait3A_13] : memref<819200x100xf32, #tpu.memory_space<hbm>> -> memref<64x100xf32, #tpu.memory_space<hbm>>
    tpu.wait_dma2 semaphore(%arg22 : memref<!tpu.dma_semaphore, #tpu.memory_space<semaphore_mem>>) src(%arg12 : memref<64x100xf32, #tpu.memory_space<vmem>>) dst(%dma_wait3A_14 : memref<64x100xf32, #tpu.memory_space<hbm>>)
    %dma_wait3A_15 = arith.constant 0 : i32
    %dma_wait3A_16 = tpu.memref_slice %arg4[%mul3A_2, %dma_wait3A_15] : memref<819200x100xf32, #tpu.memory_space<hbm>> -> memref<64x100xf32, #tpu.memory_space<hbm>>
    %dma_wait3A_17 = arith.constant 0 : i32
    %dma_wait3A_18 = tpu.memref_slice %arg4[%mul3A_2, %dma_wait3A_17] : memref<819200x100xf32, #tpu.memory_space<hbm>> -> memref<64x100xf32, #tpu.memory_space<hbm>>
    tpu.wait_dma2 semaphore(%arg23 : memref<!tpu.dma_semaphore, #tpu.memory_space<semaphore_mem>>) src(%arg13 : memref<64x100xf32, #tpu.memory_space<vmem>>) dst(%dma_wait3A_18 : memref<64x100xf32, #tpu.memory_space<hbm>>)
    %dma_wait3A_19 = arith.constant 0 : i32
    %dma_wait3A_20 = tpu.memref_slice %arg4[%mul3A_2, %dma_wait3A_19] : memref<819200x100xf32, #tpu.memory_space<hbm>> -> memref<64x100xf32, #tpu.memory_space<hbm>>
    %dma_wait3A_21 = arith.constant 0 : i32
    %dma_wait3A_22 = tpu.memref_slice %arg4[%mul3A_2, %dma_wait3A_21] : memref<819200x100xf32, #tpu.memory_space<hbm>> -> memref<64x100xf32, #tpu.memory_space<hbm>>
    tpu.wait_dma2 semaphore(%arg24 : memref<!tpu.dma_semaphore, #tpu.memory_space<semaphore_mem>>) src(%arg14 : memref<64x100xf32, #tpu.memory_space<vmem>>) dst(%dma_wait3A_22 : memref<64x100xf32, #tpu.memory_space<hbm>>)
    %dma_wait3A_23 = arith.constant 0 : i32
    %dma_wait3A_24 = tpu.memref_slice %arg4[%mul3A_2, %dma_wait3A_23] : memref<819200x100xf32, #tpu.memory_space<hbm>> -> memref<64x100xf32, #tpu.memory_space<hbm>>
    %dma_wait3A_25 = arith.constant 0 : i32
    %dma_wait3A_26 = tpu.memref_slice %arg4[%mul3A_2, %dma_wait3A_25] : memref<819200x100xf32, #tpu.memory_space<hbm>> -> memref<64x100xf32, #tpu.memory_space<hbm>>
    tpu.wait_dma2 semaphore(%arg25 : memref<!tpu.dma_semaphore, #tpu.memory_space<semaphore_mem>>) src(%arg15 : memref<64x100xf32, #tpu.memory_space<vmem>>) dst(%dma_wait3A_26 : memref<64x100xf32, #tpu.memory_space<hbm>>)
    return
  }
}

module attributes {stable_mosaic.version = 14 : i64} {
  func.func @pad_block(%arg0: i32, %arg1: memref<2048x100xf32, #tpu.memory_space<vmem>>, %arg2: memref<2048x128xf32, #tpu.memory_space<vmem>>) attributes {dimension_semantics = [#tpu.dimension_semantics<arbitrary>], iteration_bounds = array<i64: 49>, scalar_prefetch = 0 : i64, scratch_operands = 0 : i64, tpu.core_type = #tpu.core_type<tc>, window_params = [{transform_indices = @transform_0, window_bounds = array<i64: 2048, 100>}, {transform_indices = @transform_1, window_bounds = array<i64: 2048, 128>}]} {
    %get3A = arith.constant 0 : index
    %get3A_0 = arith.constant 0 : index
    %get3A_1 = vector.load %arg1[%get3A, %get3A_0] : memref<2048x100xf32, #tpu.memory_space<vmem>>, vector<2048x100xf32>
    %swap3A = arith.constant 0 : index
    %swap3A_2 = arith.constant 0 : index
    %swap3A_3 = vector.load %arg2[%swap3A, %swap3A_2] : memref<2048x128xf32, #tpu.memory_space<vmem>>, vector<2048x100xf32>
    tpu.vector_store %arg2[%swap3A, %swap3A_2], %get3A_1 {strides = array<i32>} : memref<2048x128xf32, #tpu.memory_space<vmem>>, vector<2048x100xf32>,
    %broadcast_in_dim3A = arith.constant 0.000000e+00 : f32
    %broadcast_in_dim3A_4 = vector.broadcast %broadcast_in_dim3A : f32 to vector<2048x28xf32>
    %swap3A_5 = arith.constant 0 : index
    %swap3A_6 = arith.constant 100 : index
    %swap3A_7 = vector.load %arg2[%swap3A_5, %swap3A_6] : memref<2048x128xf32, #tpu.memory_space<vmem>>, vector<2048x28xf32>
    tpu.vector_store %arg2[%swap3A_5, %swap3A_6], %broadcast_in_dim3A_4 {strides = array<i32>} : memref<2048x128xf32, #tpu.memory_space<vmem>>, vector<2048x28xf32>,
    return
  }
  func.func @transform_0(%arg0: i32) -> (i32, i32) {
    %c0_i32 = arith.constant 0 : i32
    %c0_i32_0 = arith.constant 0 : i32
    return %arg0, %c0_i32 : i32, i32
  }
  func.func @transform_1(%arg0: i32) -> (i32, i32) {
    %c0_i32 = arith.constant 0 : i32
    %c0_i32_0 = arith.constant 0 : i32
    return %arg0, %c0_i32 : i32, i32
  }
}

</mosaic_0001>

<sc_bundles>
// kernel: kernel.4.cloned.1.call-start
scs
__scs_entry_jumppad:
0x0: {  	(pc) =	sbr.rel $0x88, $3  }
0x1: {  	(tag) =	ssettag $0x0;
	lr =	simm.s32 $0x1  }
0x2: {  	[smem:$0x3F9F] =	sst lr;
	_ =	strace $0xD0000000  }
0x3: {  	_ = 	snop  }
0x4: {  	_ = 	snop  }
0x5: {  	_ = 	snop  }
0x6: {  	_ = 	snop  }
0x7: {  	_ = 	snop  }
__scs_overlays_trampoline_lowered:
0x8: {  	[smem:$0x3FAE] =	sst s0  }
0x9: {  	[smem:$0x3FAF] =	sst s1  }
0xa: {  	[smem:$0x3FB0] =	sst s2  }
0xb: {  	[smem:$0x3FB1] =	sst s3  }
0xc: {  	[smem:$0x3FB2] =	sst s4  }
0xd: {  	[smem:$0x3FB3] =	sst s5  }
0xe: {  	[smem:$0x3FB4] =	sst s6  }
0xf: {  	[smem:$0x3FB5] =	sst s7  }
0x10: {  	[smem:$0x3FB6] =	sst s8  }
0x11: {  	[smem:$0x3FB7] =	sst s9;
	s0 =	simm.s32 @!p0 $0x0  }
0x12: {  	s1 =	sld [smem:$0x3F9D];
	s0 =	simm.s32 @p0 $0x1  }
0x13: {  	[smem:$0x3FB8] =	sst s0;
	s0 =	simm.s32 @!p1 $0x0  }
0x14: {  	s2 =	sld [smem:$0x3F9C];
	s0 =	simm.s32 @p1 $0x1  }
0x15: {  	[smem:$0x3FB9] =	sst s0;
	s0 =	simm.s32 @!p2 $0x0  }
0x16: {  	s3 =	sld [smem:$0x3FDB];
	s0 =	simm.s32 @p2 $0x1  }
0x17: {  	s4 =	simm.s32 $0x1BF5;
	[smem:$0x3FBB] =	sst s0  }
0x18: {  	s0 =	sld [smem:$0x3F9E];
	_ =	swait.ge [sflag:s4], $0x0  }
0x19: {  	s7 =	sld [smem:$0x3F9F]  }
0x1a: {  	s8 =	sadd.s32 $0xFFFFE003, lr  }
0x1b: {  	s9 =	sadd.s32 $0xFFFFFEF7, lr;
	s5 =	simm.s32 $0xFFFFFFFF;
	p2 =	slt.u32 s8, $0xFFFFF086  }
0x1c: {  	p1 =	slt.u32 s9, $0xF7A;
	s5 =	simm.s32 @!p2 $0x0  }
0x1d: {  	s5 =	simm.s32 @p1 $0x1;
	p0 =	seq.s32 s7, s2  }
0x1e: {  	s7 =	smul.u32 @!p0 $0xF7A, s2;
	p2 =	seq.s32 @!p0 s5, $0x0  }
0x1f: {  	s9 =	smul.u32 $0xF7A, s1;
	s8 =	simm.s32 @!p0 $0x1BF5;
	p2 =	por !p2, p0  }
0x20: {  	[sflag:s8] =	ssyncset.s32 @!p0 $0xFFFFF086;
	s6 =	sadd.s32 @!p0 s3, s7;
	s7 =	simm.s32 @!p0 $0x108  }
0x21: {  	s3 =	sadd.s32 s3, s9;
	s6 =	sadd.s32 @!p0 $0x88, s6;
	s7 =	simm.s32 @p2 $0x1082  }
0x22: {  	[simem:s7], [sflag:s8] =	dma.local @!p0 [hbm:s6], $0xF7A  }
0x23: {  	s9 =	sor.u32 $0xD0000000, s2;
	s6 =	simm.s32 $0x108;
	_ =	swait.ge @!p0 [sflag:s8], $0x0  }
0x24: {  	s3 =	sadd.s32 $0x88, s3;
	s6 =	simm.s32 @!p1 $0x1082;
	[sflag:s4] =	ssyncset.s32 $0xFFFFF086  }
0x25: {  	[simem:s6], [sflag:s4] =	dma.local [hbm:s3], $0xF7A  }
0x26: {  	[smem:$0x3F9F] =	sst s1;
	(tag) =	ssettag s2;
	_ =	strace s9  }
0x27: {  	s1 =	sld [smem:$0x3FAF]  }
0x28: {  	s2 =	sld [smem:$0x3FB0]  }
0x29: {  	s4 =	sld [smem:$0x3FB2]  }
0x2a: {  	p0 =	seq.s32 s5, $0x0;
	s5 =	sld [smem:$0x3FB3]  }
0x2b: {  	s6 =	sld [smem:$0x3FB4]  }
0x2c: {  	s7 =	sld [smem:$0x3FB5]  }
0x2d: {  	s3 =	simm.s32 $0x108;
	s8 =	sld [smem:$0x3FB6]  }
0x2e: {  	s3 =	simm.s32 @!p0 $0x1082;
	s9 =	sld [smem:$0x3FB7]  }
0x2f: {  	lr =	sadd.s32 s0, s3;
	s0 =	sld [smem:$0x3FAE]  }
0x30: {  	s3 =	sld [smem:$0x3FB1]  }
0x31: {  	[smem:$0x3FBA] =	sst s10  }
0x32: {  	s10 =	sld [smem:$0x3FB8];
	_ =	sdelay $0x3  }
0x33: {  	p0 =	seq.s32 s10, $0x1;
	s10 =	sld [smem:$0x3FBA];
	_ =	sdelay $0x3  }
0x34: {  	[smem:$0x3FBA] =	sst s10  }
0x35: {  	s10 =	sld [smem:$0x3FB9];
	_ =	sdelay $0x3  }
0x36: {  	p1 =	seq.s32 s10, $0x1;
	s10 =	sld [smem:$0x3FBA];
	_ =	sdelay $0x3  }
0x37: {  	[smem:$0x3FBA] =	sst s10  }
0x38: {  	s10 =	sld [smem:$0x3FBB]  }
0x39: {  	_ = 	snop;
	(pc) =	sbr.ind lr, $3  }
0x3a: {  	_ = 	snop  }
0x3b: {  	_ = 	snop  }
0x3c: {  	p2 =	seq.s32 s10, $0x1;
	s10 =	sld [smem:$0x3FBA]  }
0x3d: {  	_ =	shalt  }
0x3e: {  	_ =	shalt  }
0x3f: {  	_ =	shalt  }
0x40: {  	_ =	shalt  }
0x41: {  	_ =	shalt  }
0x42: {  	_ =	shalt  }
0x43: {  	_ =	shalt  }
0x44: {  	_ =	shalt  }
0x45: {  	_ =	shalt  }
0x46: {  	_ =	shalt  }
0x47: {  	_ =	shalt  }
0x48: {  	_ =	shalt  }
0x49: {  	_ =	shalt  }
0x4a: {  	_ =	shalt  }
0x4b: {  	_ =	shalt  }
0x4c: {  	_ =	shalt  }
0x4d: {  	_ =	shalt  }
0x4e: {  	_ =	shalt  }
0x4f: {  	_ =	shalt  }
0x50: {  	_ =	shalt  }
0x51: {  	_ =	shalt  }
0x52: {  	_ =	shalt  }
0x53: {  	_ =	shalt  }
0x54: {  	_ =	shalt  }
0x55: {  	_ =	shalt  }
0x56: {  	_ =	shalt  }
0x57: {  	_ =	shalt  }
0x58: {  	_ =	shalt  }
0x59: {  	_ =	shalt  }
0x5a: {  	_ =	shalt  }
0x5b: {  	_ =	shalt  }
0x5c: {  	_ =	shalt  }
0x5d: {  	_ =	shalt  }
0x5e: {  	_ =	shalt  }
0x5f: {  	_ =	shalt  }
0x60: {  	_ =	shalt  }
0x61: {  	_ =	shalt  }
0x62: {  	_ =	shalt  }
0x63: {  	_ =	shalt  }
0x64: {  	_ =	shalt  }
0x65: {  	_ =	shalt  }
0x66: {  	_ =	shalt  }
0x67: {  	_ =	shalt  }
0x68: {  	_ =	shalt  }
0x69: {  	_ =	shalt  }
0x6a: {  	_ =	shalt  }
0x6b: {  	_ =	shalt  }
0x6c: {  	_ =	shalt  }
0x6d: {  	_ =	shalt  }
0x6e: {  	_ =	shalt  }
0x6f: {  	_ =	shalt  }
0x70: {  	_ =	shalt  }
0x71: {  	_ =	shalt  }
0x72: {  	_ =	shalt  }
0x73: {  	_ =	shalt  }
0x74: {  	_ =	shalt  }
0x75: {  	_ =	shalt  }
0x76: {  	_ =	shalt  }
0x77: {  	_ =	shalt  }
0x78: {  	_ =	shalt  }
0x79: {  	_ =	shalt  }
0x7a: {  	_ =	shalt  }
0x7b: {  	_ =	shalt  }
0x7c: {  	_ =	shalt  }
0x7d: {  	_ =	shalt  }
0x7e: {  	_ =	shalt  }
0x7f: {  	_ =	shalt  }
0x80: {  	_ =	shalt  }
0x81: {  	_ =	shalt  }
0x82: {  	_ =	shalt  }
0x83: {  	_ =	shalt  }
0x84: {  	_ =	shalt  }
0x85: {  	_ =	shalt  }
0x86: {  	_ =	shalt  }
0x87: {  	_ =	shalt  }
.Lfunc_end0:
.L_simem_size_0:
called_computation.1_lowered:
.L_overlay_start_0:
0x88: {  	s2 =	sld [smem:$0x3FD9]  }
0x89: {  	s3 =	sld [smem:$0x3FFE];
	_ =	sdelay $0x1  }
0x8a: {  	s1 =	srdreg.scid  }
0x8b: {  	s0 =	sand.u32 $0x1, s1  }
0x8c: {  	s16 =	sshll.u32 s0, $0xA;
	s2 =	sadd.s32 s3, s2  }
0x8d: {  	s2 =	sadd.s32 s2, s16  }
0x8e: {  	[smem:$0x3FC6] =	sst s2  }
0x8f: {  	_ = 	snop  }
0x90: {  	(tm) =	ssettm $0x1  }
0x91: {  	s17 =	sld [smem:$0x3FFB];
	_ =	sdelay $0x3  }
0x92: {  	_ =	strace s17  }
0x93: {  	s2 =	sld [smem:$0x3FFC];
	_ =	sdelay $0x3  }
0x94: {  	_ =	strace s2  }
0x95: {  	s2 =	sld [smem:$0x3FFD];
	_ =	sdelay $0x3  }
0x96: {  	_ =	strace s2  }
0x97: {  	_ =	strace $0x8FFFFFFF  }
0x98: {  	s18 =	sld [smem:$0x3FDB];
	_ =	sdelay $0x1  }
0x99: {  	s19 =	simm.s32 $_scs_section_size  }
0x9a: {  	s4 =	simm.s32 $_size__tile_overlayer_lowered;
	s5 =	simm.s32 $_tile_overlayer_lowered  }
0x9b: {  	s22 =	simm.s32 $0x1BFF;
	s21 =	sshll.u32 s5, $0x1;
	s2 =	sadd.s32 s19, s18  }
0x9c: {  	s6 =	simm.s32 $0x0;
	s20 =	sshll.u32 s4, $0x1;
	s4 =	sadd.s32 s21, s2  }
0x9d: {  	[timem:s6], [sflag:s22] =	dma.local [hbm:s4], s20  }
0x9e: {  	_ =	swait.ge [sflag:s22], s20  }
0x9f: {  	s3 =	ssub.s32 $0x0, s20;
	[sflag:s22] =	ssyncset.done $0x0  }
0xa0: {  	[sflag:s22] =	ssyncadd.s32 s3;
	_ =	sdelay $0x1  }
0xa1: {  	s23 =	simm.s32 $0x1B8B  }
0xa2: {  	_ =	swait.ge [sflag:s23], $0x1  }
0xa3: {  	[sflag:s23] =	ssyncset.done $0x0  }
0xa4: {  	s25 =	simm.s32 $0x1B8E;
	s24 =	sld [smem:$0x3FFE];
	[sflag:s23] =	ssyncadd.s32 $0xFFFFFFFF  }
0xa5: {  	s26 =	simm.s32 $execute0_lowered;
	[smem:$0x3FD2] =	sst s25  }
0xa6: {  	s4 =	sshll.u32 s26, $0x1;
	_ =	strace $0x80000046;
	[dreg:$0x1] =	wrdreg $0xFFFFFFFF  }
0xa7: {  	s28 =	simm.s32 $_size_execute0_lowered;
	s2 =	sadd.s32 s2, s4;
	[dreg:$0x0] =	wrdreg $0x0  }
0xa8: {  	s4 =	sshll.u32 s28, $0x1;
	[dreg:$0x2] =	wrdreg s2  }
0xa9: {  	[dreg:$0x3] =	wrdreg s4  }
0xaa: {  	[dreg:$0x4] =	wrdreg $0xC0  }
0xab: {  	_ =	task [dreg:s6], $0x5FFFF  }
0xac: {  	[dreg:$0x1] =	wrdreg $0xFFFFFFFF  }
0xad: {  	[dreg:$0x0] =	wrdreg $0x60  }
0xae: {  	[dreg:$0x2] =	wrdreg s24  }
0xaf: {  	[dreg:$0x3] =	wrdreg $0x9  }
0xb0: {  	_ =	task.clear_ibuf [dreg:s6], $0x4FFFF;
	_ =	strace $0x90000046  }
0xb1: {  	s29 =	simm.s32 $0x9;
	_ =	strace $0x80000048  }
0xb2: {  	_ =	swait.ge [sflag:s29], $0x1  }
0xb3: {  	[sflag:s29] =	ssyncadd.s32 $0xFFFFFFFF  }
0xb4: {  	_ =	strace $0x90000048  }
0xb5: {  	_ =	sfence  }
0xb6: {  	s30 =	sld [smem:$0x0];
	_ =	sdelay $0x2  }
0xb7: {  	s31 =	sshll.u32 s1, $0xD;
	s1 =	sshrl.u32 s1, $0x2  }
0xb8: {  	s3 =	sand.u32 $0x4000, s31;
	s1 =	sadd.s32 s1, s30  }
0xb9: {  	s0 =	sor.u32 s3, s0;
	s1 =	sshll.u32 s1, $0x11  }
0xba: {  	s0 =	sor.u32 s1, s0  }
0xbb: {  	s0 =	sadd.s32 $0x8F2B, s0  }
0xbc: {  	[sflag:s0] =	ssyncadd.remote.s32 $0x1  }
0xbd: {  	_ =	sfence.sel $0xFFFF  }
0xbe: {  	[dreg:$0x0] =	wrdreg $0xFFFFFFFF;
	(pc) =	sbr.abs _section_cstart, $3  }
0xbf: {  	[dreg:$0x1] =	wrdreg $0xFFFFFFFF  }
0xc0: {  	_ =	task.clear_ibuf [dreg:s6], $0x2FFFF;
	_ =	strace $0x9FFFFFFF  }
0xc1: {  	(tm) =	ssettm $0x7FFFFFFF  }
tec
execute0_lowered:
.L_overlay_start_1:
0x0: {  	(tag) =	ssettag $0x1  }
0x1: {  	s0 =	srdreg.scid  }
0x2: {  	s2 =	stileid.u32;
	s1 =	rddreg [dreg:$0x0]  }
0x3: {  	s9 =	simm.s32 $0x40;
	s10 =	simm.s32 $0xE400;
	s11 =	simm.s32 $0x1  }
0x4: {  	s12 =	simm.s32 $0x10400;
	s13 =	simm.s32 $0x2;
	s14 =	simm.s32 $0x12400  }
0x5: {  	s15 =	simm.s32 $0x3;
	s16 =	simm.s32 $0x14400;
	s17 =	simm.s32 $0x4  }
0x6: {  	s18 =	simm.s32 $0x16400;
	s19 =	simm.s32 $0x5;
	s20 =	simm.s32 $0x18400  }
0x7: {  	s21 =	simm.s32 $0x6;
	s0 =	sand.u32 $0x1, s0;
	s3 =	sshll.u32 s2, $0x1  }
0x8: {  	s22 =	simm.s32 $0x7;
	s23 =	simm.s32 $0x8;
	s3 =	sor.u32 s0, s3  }
0x9: {  	s24 =	simm.s32 $0x9;
	s0 =	ssub.s32 $0x2, s0;
	s3 =	smul.u32 $0x6400, s3  }
0xa: {  	s25 =	simm.s32 $0xA;
	s26 =	simm.s32 $0x0;
	s6 =	sshrl.u32 s0, $0x1  }
0xb: {  	s2 =	simm.s32 $0x0;
	s0 =	ssub.s32 s0, s6;
	s5 =	sshrl.u32 s3, $0x3  }
0xc: {  	[smem:$0x7FF] =	sst s2;
	s0 =	smax.u32 s0, $0x1;
	s7 =	sadd.s32 s5, s1  }
0xd: {  	_ =	strace $0x80000047;
	[dreg:$0x3] =	wrdreg s0;
	s31 =	sadd.s32 $0x800, s7  }
0xe: {  	s4 =	sadd.s32 $0x19800, s1;
	s5 =	sadd.s32 $0x1A0400, s1;
	[dreg:$0x2] =	wrdreg s31  }
.LBB2_1:
0xf: {  	s0 =	rddreg [dreg:$0x2];
	s31 =	simm.s32 $0xB  }
0x10: {  	[tilespmem:s2], [sflag:$0xB] =	stream.linear.gather [hbm4b:s0+s2], $0x6400, $0x38;
	[tilespmem:$0x1A400] =	vst v63  }
0x11: {  	_ =	swait.ge [sflag:s31], $0x6400  }
0x12: {  	[sflag:s31] =	ssyncset.done $0x0  }
0x13: {  	s28 =	simm.s32 $0x0;
	[sflag:s31] =	ssyncadd.s32 $0xFFFF9C00  }
.LBB2_2:
0x14: {  	p0 =	sne.s32 s28, $0x0  }
0x15: {  	s1 =	simm.s32 @p0 $0x6  }
0x16: {  	_ =	swait.ge @p0 [sflag:s1], $0x2000  }
0x17: {  	s0 =	smul.u32 @p0 $0x140, s28;
	[sflag:s1] =	ssyncset.done @p0 $0x0  }
0x18: {  	s6 =	simm.s32 @p0 $0x40;
	[sflag:s1] =	ssyncadd.s32 @p0 $0xFFFFE000;
	s1 =	simm.s32 @p0 $0x6400  }
0x19: {  	[tilespmem:s1], [sflag:$0x1] =	stream.indirect.gather @p0 [hbm4b:s4+s6], $0x80, s0, s6, $0xb8;
	[tilespmem:$0x1A400] =	vst v63  }
0x1a: {  	s1 =	simm.s32 @p0 $0x7  }
0x1b: {  	_ =	swait.ge @p0 [sflag:s1], $0x2000  }
0x1c: {  	[sflag:s1] =	ssyncset.done @p0 $0x0  }
0x1d: {  	s7 =	simm.s32 @p0 $0x8400;
	[sflag:s1] =	ssyncadd.s32 @p0 $0xFFFFE000;
	s1 =	sadd.s32 @p0 $0x40, s0  }
0x1e: {  	[tilespmem:s7], [sflag:$0x2] =	stream.indirect.gather @p0 [hbm4b:s4+s6], $0x80, s1, s6, $0xb8;
	[tilespmem:$0x1A400] =	vst v63  }
0x1f: {  	s7 =	simm.s32 @p0 $0x8  }
0x20: {  	_ =	swait.ge @p0 [sflag:s7], $0x2000  }
0x21: {  	[sflag:s7] =	ssyncset.done @p0 $0x0  }
0x22: {  	s31 =	sadd.s32 @p0 $0x80, s0;
	[sflag:s7] =	ssyncadd.s32 @p0 $0xFFFFE000;
	s7 =	simm.s32 @p0 $0xA400  }
0x23: {  	[tilespmem:s7], [sflag:$0x3] =	stream.indirect.gather @p0 [hbm4b:s4+s6], $0x80, s31, s6, $0xb8;
	[tilespmem:$0x1A400] =	vst v63  }
0x24: {  	s7 =	simm.s32 @p0 $0x9  }
0x25: {  	_ =	swait.ge @p0 [sflag:s7], $0x2000  }
0x26: {  	[sflag:s7] =	ssyncset.done @p0 $0x0  }
0x27: {  	s30 =	sadd.s32 @p0 $0xC0, s0;
	[sflag:s7] =	ssyncadd.s32 @p0 $0xFFFFE000;
	s7 =	simm.s32 @p0 $0xC400  }
0x28: {  	[tilespmem:s7], [sflag:$0x4] =	stream.indirect.gather @p0 [hbm4b:s4+s6], $0x80, s30, s6, $0xb8;
	[tilespmem:$0x1A400] =	vst v63  }
0x29: {  	s6 =	simm.s32 @p0 $0xA  }
0x2a: {  	_ =	swait.ge @p0 [sflag:s6], $0x2000  }
0x2b: {  	s29 =	simm.s32 @!p0 $0x6400;
	[sflag:s6] =	ssyncset.done @p0 $0x0  }
0x2c: {  	s7 =	simm.s32 @!p0 $0x0;
	[sflag:s6] =	ssyncadd.s32 @p0 $0xFFFFE000;
	s6 =	simm.s32 @!p0 $0x40  }
0x2d: {  	[tilespmem:s29], [sflag:$0x1] =	stream.indirect.gather @!p0 [hbm4b:s4+s6], $0x80, s7, s6, $0xb8;
	[tilespmem:$0x1A400] =	vst v63  }
0x2e: {  	s7 =	simm.s32 @!p0 $0x8400  }
0x2f: {  	[tilespmem:s7], [sflag:$0x2] =	stream.indirect.gather @!p0 [hbm4b:s4+s6], $0x80, s6, s6, $0xb8;
	[tilespmem:$0x1A400] =	vst v63  }
0x30: {  	s29 =	simm.s32 @!p0 $0xA400;
	s7 =	simm.s32 @!p0 $0x80  }
0x31: {  	[tilespmem:s29], [sflag:$0x3] =	stream.indirect.gather @!p0 [hbm4b:s4+s6], $0x80, s7, s6, $0xb8;
	[tilespmem:$0x1A400] =	vst v63  }
0x32: {  	s0 =	simm.s32 @!p0 $0x0;
	s7 =	simm.s32 @!p0 $0xC0;
	s29 =	simm.s32 @!p0 $0xC400  }
0x33: {  	[tilespmem:s29], [sflag:$0x4] =	stream.indirect.gather @!p0 [hbm4b:s4+s6], $0x80, s7, s6, $0xb8;
	[tilespmem:$0x1A400] =	vst v63  }
0x34: {  	s29 =	sadd.s32 $0x100, s0  }
0x35: {  	[tilespmem:s10], [sflag:$0x5] =	stream.indirect.gather [hbm4b:s4+s9], $0x80, s29, s9, $0xb8;
	[tilespmem:$0x1A400] =	vst v63  }
0x36: {  	_ =	swait.ge [sflag:s11], $0x2000  }
0x37: {  	[sflag:s11] =	ssyncset.done $0x0  }
0x38: {  	s6 =	simm.s32 $0x0;
	[sflag:s11] =	ssyncadd.s32 $0xFFFFE000  }
0x39: {  	v2 =	vld [tilespmem:s6+$0x6450]  }
0x3a: {  	v4 =	vld [tilespmem:s6+$0x6454]  }
0x3b: {  	v3 =	vld [tilespmem:s6+$0x64D0]  }
0x3c: {  	v1 =	vld [tilespmem:s6+$0x64D4]  }
0x3d: {  	v0 =	vld [tilespmem:s6+$0x6550]  }
0x3e: {  	s1 =	simm.s32 @!p0 $0x40;
	[tilespmem:s6+$0x10450] =	vst v2;
	v2 =	vld [tilespmem:s6+$0x6554]  }
0x3f: {  	s31 =	simm.s32 @!p0 $0x80;
	s30 =	simm.s32 @!p0 $0xC0;
	s7 =	simm.s32 $0x800;
	[tilespmem:s6+$0x10454] =	vst v4;
	v4 =	vld [tilespmem:s6+$0x65D0]  }
.LBB2_3:
0x40: {  	p0 =	sne.s32 s7, $0x7800;
	[tilespmem:s6+$0x104D0] =	vst v3;
	v3 =	vld [tilespmem:s6+$0x65D4]  }
0x41: {  	v5 =	vld [tilespmem:s6+$0x6400];
	[tilespmem:s6+$0x104D4] =	vst v1  }
0x42: {  	v1 =	vld [tilespmem:s6+$0x6410];
	[tilespmem:s6+$0x10550] =	vst v0  }
0x43: {  	v0 =	vld [tilespmem:s6+$0x6420];
	[tilespmem:s6+$0x10554] =	vst v2  }
0x44: {  	v2 =	vld [tilespmem:s6+$0x6430];
	[tilespmem:s6+$0x105D0] =	vst v4  }
0x45: {  	v4 =	vld [tilespmem:s6+$0x6440];
	[tilespmem:s6+$0x105D4] =	vst v3  }
0x46: {  	[tilespmem:s6+$0x10400] =	vst v5;
	v3 =	vld [tilespmem:s6+$0x6480]  }
0x47: {  	[tilespmem:s6+$0x10410] =	vst v1;
	v1 =	vld [tilespmem:s6+$0x6490]  }
0x48: {  	[tilespmem:s6+$0x10420] =	vst v0;
	v0 =	vld [tilespmem:s6+$0x64A0]  }
0x49: {  	[tilespmem:s6+$0x10430] =	vst v2;
	v2 =	vld [tilespmem:s6+$0x64B0]  }
0x4a: {  	[tilespmem:s6+$0x10440] =	vst v4;
	v4 =	vld [tilespmem:s6+$0x64C0]  }
0x4b: {  	[tilespmem:s6+$0x10480] =	vst v3;
	v3 =	vld [tilespmem:s6+$0x6500]  }
0x4c: {  	[tilespmem:s6+$0x10490] =	vst v1;
	v1 =	vld [tilespmem:s6+$0x6510]  }
0x4d: {  	[tilespmem:s6+$0x104A0] =	vst v0;
	v0 =	vld [tilespmem:s6+$0x6520]  }
0x4e: {  	[tilespmem:s6+$0x104B0] =	vst v2;
	v2 =	vld [tilespmem:s6+$0x6530]  }
0x4f: {  	[tilespmem:s6+$0x104C0] =	vst v4;
	v4 =	vld [tilespmem:s6+$0x6540]  }
0x50: {  	[tilespmem:s6+$0x10500] =	vst v3;
	v3 =	vld [tilespmem:s6+$0x6580]  }
0x51: {  	[tilespmem:s6+$0x10510] =	vst v1;
	v1 =	vld [tilespmem:s6+$0x6590]  }
0x52: {  	[tilespmem:s6+$0x10520] =	vst v0;
	v0 =	vld [tilespmem:s6+$0x65A0]  }
0x53: {  	[tilespmem:s6+$0x10530] =	vst v2;
	v2 =	vld [tilespmem:s6+$0x65B0]  }
0x54: {  	s8 =	sshra.s32 s7, $0x2;
	[tilespmem:s6+$0x10540] =	vst v4;
	v4 =	vld [tilespmem:s6+$0x65C0]  }
0x55: {  	v5 =	vld [tilespmem:s8+$0x6450];
	[tilespmem:s6+$0x10580] =	vst v3  }
0x56: {  	v6 =	vld [tilespmem:s8+$0x6454];
	[tilespmem:s6+$0x10590] =	vst v1  }
.Ltmp0:
0x57: {  	v3 =	vld [tilespmem:s8+$0x64D0];
	[tilespmem:s6+$0x105A0] =	vst v0;
	(pc) =	sbr.rel @p0 .LBB2_3-.Ltmp0, $4  }
0x58: {  	v1 =	vld [tilespmem:s8+$0x64D4];
	[tilespmem:s6+$0x105B0] =	vst v2  }
0x59: {  	v0 =	vld [tilespmem:s8+$0x6550];
	[tilespmem:s6+$0x105C0] =	vst v4;
	s6 =	smov.u32 s8  }
0x5a: {  	[tilespmem:s6+$0x10450] =	vst v5;
	v2 =	vld [tilespmem:s6+$0x6554]  }
0x5b: {  	s7 =	sadd.s32 $0x800, s7;
	[tilespmem:s6+$0x10454] =	vst v6;
	v4 =	vld [tilespmem:s6+$0x65D0]  }
0x5c: {  	[tilespmem:s6+$0x104D0] =	vst v3;
	v3 =	vld [tilespmem:s6+$0x65D4]  }
0x5d: {  	v5 =	vld [tilespmem:s6+$0x6400];
	[tilespmem:s6+$0x104D4] =	vst v1  }
0x5e: {  	v1 =	vld [tilespmem:s6+$0x6410];
	[tilespmem:s6+$0x10550] =	vst v0  }
0x5f: {  	v0 =	vld [tilespmem:s6+$0x6420];
	[tilespmem:s6+$0x10554] =	vst v2  }
0x60: {  	v2 =	vld [tilespmem:s6+$0x6430];
	[tilespmem:s6+$0x105D0] =	vst v4  }
0x61: {  	v4 =	vld [tilespmem:s6+$0x6440];
	[tilespmem:s6+$0x105D4] =	vst v3  }
0x62: {  	[tilespmem:s6+$0x10400] =	vst v5;
	v3 =	vld [tilespmem:s6+$0x6480]  }
0x63: {  	[tilespmem:s6+$0x10410] =	vst v1;
	v1 =	vld [tilespmem:s6+$0x6490]  }
0x64: {  	[tilespmem:s6+$0x10420] =	vst v0;
	v0 =	vld [tilespmem:s6+$0x64A0]  }
0x65: {  	[tilespmem:s6+$0x10430] =	vst v2;
	v2 =	vld [tilespmem:s6+$0x64B0]  }
0x66: {  	[tilespmem:s6+$0x10440] =	vst v4;
	v4 =	vld [tilespmem:s6+$0x64C0]  }
0x67: {  	[tilespmem:s6+$0x10480] =	vst v3;
	v3 =	vld [tilespmem:s6+$0x6500]  }
0x68: {  	[tilespmem:s6+$0x10490] =	vst v1;
	v1 =	vld [tilespmem:s6+$0x6510]  }
0x69: {  	[tilespmem:s6+$0x104A0] =	vst v0;
	v0 =	vld [tilespmem:s6+$0x6520]  }
0x6a: {  	[tilespmem:s6+$0x104B0] =	vst v2;
	v2 =	vld [tilespmem:s6+$0x6530]  }
0x6b: {  	[tilespmem:s6+$0x104C0] =	vst v4;
	v4 =	vld [tilespmem:s6+$0x6540]  }
0x6c: {  	[tilespmem:s6+$0x10500] =	vst v3;
	v3 =	vld [tilespmem:s6+$0x6580]  }
0x6d: {  	[tilespmem:s6+$0x10510] =	vst v1;
	v1 =	vld [tilespmem:s6+$0x6590]  }
0x6e: {  	[tilespmem:s6+$0x10520] =	vst v0;
	v0 =	vld [tilespmem:s6+$0x65A0]  }
0x6f: {  	[tilespmem:s6+$0x10530] =	vst v2;
	v2 =	vld [tilespmem:s6+$0x65B0]  }
0x70: {  	[tilespmem:s6+$0x10540] =	vst v4;
	v4 =	vld [tilespmem:s6+$0x65C0]  }
0x71: {  	[tilespmem:s6+$0x10580] =	vst v3  }
0x72: {  	[tilespmem:s6+$0x10590] =	vst v1  }
0x73: {  	s0 =	sadd.s32 s3, s0;
	[tilespmem:s6+$0x105A0] =	vst v0  }
0x74: {  	s0 =	sshll.u32 s0, $0x4;
	[tilespmem:s6+$0x105B0] =	vst v2  }
0x75: {  	s8 =	simm.s32 $0x0;
	s0 =	sadd.s32 s5, s0;
	[tilespmem:s6+$0x105C0] =	vst v4  }
0x76: {  	[hbm4b:s0+s8] =	stream.linear.scatter [tilespmem:s12], [sflag:$0x6], $0x2000, $0x38;
	[tilespmem:$0x1A400] =	vst v63  }
0x77: {  	_ =	swait.ge [sflag:s13], $0x2000  }
0x78: {  	[sflag:s13] =	ssyncset.done $0x0  }
0x79: {  	s0 =	simm.s32 $0x0;
	[sflag:s13] =	ssyncadd.s32 $0xFFFFE000  }
0x7a: {  	v2 =	vld [tilespmem:s0+$0x8450]  }
0x7b: {  	v3 =	vld [tilespmem:s0+$0x8454]  }
0x7c: {  	v4 =	vld [tilespmem:s0+$0x84D0]  }
0x7d: {  	v1 =	vld [tilespmem:s0+$0x84D4]  }
0x7e: {  	v0 =	vld [tilespmem:s0+$0x8550]  }
0x7f: {  	[tilespmem:s0+$0x12450] =	vst v2;
	v2 =	vld [tilespmem:s0+$0x8554]  }
0x80: {  	s6 =	simm.s32 $0x800;
	[tilespmem:s0+$0x12454] =	vst v3;
	v3 =	vld [tilespmem:s0+$0x85D0]  }
.LBB2_5:
0x81: {  	p0 =	sne.s32 s6, $0x7800;
	[tilespmem:s0+$0x124D0] =	vst v4;
	v4 =	vld [tilespmem:s0+$0x85D4]  }
0x82: {  	v5 =	vld [tilespmem:s0+$0x8400];
	[tilespmem:s0+$0x124D4] =	vst v1  }
0x83: {  	v1 =	vld [tilespmem:s0+$0x8410];
	[tilespmem:s0+$0x12550] =	vst v0  }
0x84: {  	v0 =	vld [tilespmem:s0+$0x8420];
	[tilespmem:s0+$0x12554] =	vst v2  }
0x85: {  	v2 =	vld [tilespmem:s0+$0x8430];
	[tilespmem:s0+$0x125D0] =	vst v3  }
0x86: {  	v3 =	vld [tilespmem:s0+$0x8440];
	[tilespmem:s0+$0x125D4] =	vst v4  }
0x87: {  	[tilespmem:s0+$0x12400] =	vst v5;
	v4 =	vld [tilespmem:s0+$0x8480]  }
0x88: {  	[tilespmem:s0+$0x12410] =	vst v1;
	v1 =	vld [tilespmem:s0+$0x8490]  }
0x89: {  	[tilespmem:s0+$0x12420] =	vst v0;
	v0 =	vld [tilespmem:s0+$0x84A0]  }
0x8a: {  	[tilespmem:s0+$0x12430] =	vst v2;
	v2 =	vld [tilespmem:s0+$0x84B0]  }
0x8b: {  	[tilespmem:s0+$0x12440] =	vst v3;
	v3 =	vld [tilespmem:s0+$0x84C0]  }
0x8c: {  	[tilespmem:s0+$0x12480] =	vst v4;
	v4 =	vld [tilespmem:s0+$0x8500]  }
0x8d: {  	[tilespmem:s0+$0x12490] =	vst v1;
	v1 =	vld [tilespmem:s0+$0x8510]  }
0x8e: {  	[tilespmem:s0+$0x124A0] =	vst v0;
	v0 =	vld [tilespmem:s0+$0x8520]  }
0x8f: {  	[tilespmem:s0+$0x124B0] =	vst v2;
	v2 =	vld [tilespmem:s0+$0x8530]  }
0x90: {  	[tilespmem:s0+$0x124C0] =	vst v3;
	v3 =	vld [tilespmem:s0+$0x8540]  }
0x91: {  	[tilespmem:s0+$0x12500] =	vst v4;
	v4 =	vld [tilespmem:s0+$0x8580]  }
0x92: {  	[tilespmem:s0+$0x12510] =	vst v1;
	v1 =	vld [tilespmem:s0+$0x8590]  }
0x93: {  	[tilespmem:s0+$0x12520] =	vst v0;
	v0 =	vld [tilespmem:s0+$0x85A0]  }
0x94: {  	[tilespmem:s0+$0x12530] =	vst v2;
	v2 =	vld [tilespmem:s0+$0x85B0]  }
0x95: {  	s7 =	sshra.s32 s6, $0x2;
	[tilespmem:s0+$0x12540] =	vst v3;
	v3 =	vld [tilespmem:s0+$0x85C0]  }
0x96: {  	v5 =	vld [tilespmem:s7+$0x8450];
	[tilespmem:s0+$0x12580] =	vst v4  }
0x97: {  	v6 =	vld [tilespmem:s7+$0x8454];
	[tilespmem:s0+$0x12590] =	vst v1  }
.Ltmp1:
0x98: {  	v4 =	vld [tilespmem:s7+$0x84D0];
	[tilespmem:s0+$0x125A0] =	vst v0;
	(pc) =	sbr.rel @p0 .LBB2_5-.Ltmp1, $4  }
0x99: {  	v1 =	vld [tilespmem:s7+$0x84D4];
	[tilespmem:s0+$0x125B0] =	vst v2  }
0x9a: {  	v0 =	vld [tilespmem:s7+$0x8550];
	[tilespmem:s0+$0x125C0] =	vst v3;
	s0 =	smov.u32 s7  }
0x9b: {  	[tilespmem:s0+$0x12450] =	vst v5;
	v2 =	vld [tilespmem:s0+$0x8554]  }
0x9c: {  	s6 =	sadd.s32 $0x800, s6;
	[tilespmem:s0+$0x12454] =	vst v6;
	v3 =	vld [tilespmem:s0+$0x85D0]  }
0x9d: {  	[tilespmem:s0+$0x124D0] =	vst v4;
	v4 =	vld [tilespmem:s0+$0x85D4]  }
0x9e: {  	v5 =	vld [tilespmem:s0+$0x8400];
	[tilespmem:s0+$0x124D4] =	vst v1  }
0x9f: {  	v1 =	vld [tilespmem:s0+$0x8410];
	[tilespmem:s0+$0x12550] =	vst v0  }
0xa0: {  	v0 =	vld [tilespmem:s0+$0x8420];
	[tilespmem:s0+$0x12554] =	vst v2  }
0xa1: {  	v2 =	vld [tilespmem:s0+$0x8430];
	[tilespmem:s0+$0x125D0] =	vst v3  }
0xa2: {  	v3 =	vld [tilespmem:s0+$0x8440];
	[tilespmem:s0+$0x125D4] =	vst v4  }
0xa3: {  	[tilespmem:s0+$0x12400] =	vst v5;
	v4 =	vld [tilespmem:s0+$0x8480]  }
0xa4: {  	[tilespmem:s0+$0x12410] =	vst v1;
	v1 =	vld [tilespmem:s0+$0x8490]  }
0xa5: {  	[tilespmem:s0+$0x12420] =	vst v0;
	v0 =	vld [tilespmem:s0+$0x84A0]  }
0xa6: {  	[tilespmem:s0+$0x12430] =	vst v2;
	v2 =	vld [tilespmem:s0+$0x84B0]  }
0xa7: {  	[tilespmem:s0+$0x12440] =	vst v3;
	v3 =	vld [tilespmem:s0+$0x84C0]  }
0xa8: {  	[tilespmem:s0+$0x12480] =	vst v4;
	v4 =	vld [tilespmem:s0+$0x8500]  }
0xa9: {  	[tilespmem:s0+$0x12490] =	vst v1;
	v1 =	vld [tilespmem:s0+$0x8510]  }
0xaa: {  	[tilespmem:s0+$0x124A0] =	vst v0;
	v0 =	vld [tilespmem:s0+$0x8520]  }
0xab: {  	[tilespmem:s0+$0x124B0] =	vst v2;
	v2 =	vld [tilespmem:s0+$0x8530]  }
0xac: {  	[tilespmem:s0+$0x124C0] =	vst v3;
	v3 =	vld [tilespmem:s0+$0x8540]  }
0xad: {  	[tilespmem:s0+$0x12500] =	vst v4;
	v4 =	vld [tilespmem:s0+$0x8580]  }
0xae: {  	[tilespmem:s0+$0x12510] =	vst v1;
	v1 =	vld [tilespmem:s0+$0x8590]  }
0xaf: {  	[tilespmem:s0+$0x12520] =	vst v0;
	v0 =	vld [tilespmem:s0+$0x85A0]  }
0xb0: {  	[tilespmem:s0+$0x12530] =	vst v2;
	v2 =	vld [tilespmem:s0+$0x85B0]  }
0xb1: {  	[tilespmem:s0+$0x12540] =	vst v3;
	v3 =	vld [tilespmem:s0+$0x85C0]  }
0xb2: {  	[tilespmem:s0+$0x12580] =	vst v4  }
0xb3: {  	[tilespmem:s0+$0x12590] =	vst v1  }
0xb4: {  	s1 =	sadd.s32 s3, s1;
	[tilespmem:s0+$0x125A0] =	vst v0  }
0xb5: {  	s1 =	sshll.u32 s1, $0x4;
	[tilespmem:s0+$0x125B0] =	vst v2  }
0xb6: {  	s8 =	simm.s32 $0x0;
	s7 =	sadd.s32 s5, s1;
	[tilespmem:s0+$0x125C0] =	vst v3  }
0xb7: {  	[hbm4b:s7+s8] =	stream.linear.scatter [tilespmem:s14], [sflag:$0x7], $0x2000, $0x38;
	[tilespmem:$0x1A400] =	vst v63  }
0xb8: {  	_ =	swait.ge [sflag:s15], $0x2000  }
0xb9: {  	[sflag:s15] =	ssyncset.done $0x0  }
0xba: {  	s0 =	simm.s32 $0x0;
	[sflag:s15] =	ssyncadd.s32 $0xFFFFE000  }
0xbb: {  	v2 =	vld [tilespmem:s0+$0xA450]  }
0xbc: {  	v3 =	vld [tilespmem:s0+$0xA454]  }
0xbd: {  	v4 =	vld [tilespmem:s0+$0xA4D0]  }
0xbe: {  	v1 =	vld [tilespmem:s0+$0xA4D4]  }
0xbf: {  	v0 =	vld [tilespmem:s0+$0xA550]  }
0xc0: {  	[tilespmem:s0+$0x14450] =	vst v2;
	v2 =	vld [tilespmem:s0+$0xA554]  }
0xc1: {  	s1 =	simm.s32 $0x800;
	[tilespmem:s0+$0x14454] =	vst v3;
	v3 =	vld [tilespmem:s0+$0xA5D0]  }
.LBB2_7:
0xc2: {  	p0 =	sne.s32 s1, $0x7800;
	[tilespmem:s0+$0x144D0] =	vst v4;
	v4 =	vld [tilespmem:s0+$0xA5D4]  }
0xc3: {  	v5 =	vld [tilespmem:s0+$0xA400];
	[tilespmem:s0+$0x144D4] =	vst v1  }
0xc4: {  	v1 =	vld [tilespmem:s0+$0xA410];
	[tilespmem:s0+$0x14550] =	vst v0  }
0xc5: {  	v0 =	vld [tilespmem:s0+$0xA420];
	[tilespmem:s0+$0x14554] =	vst v2  }
0xc6: {  	v2 =	vld [tilespmem:s0+$0xA430];
	[tilespmem:s0+$0x145D0] =	vst v3  }
0xc7: {  	v3 =	vld [tilespmem:s0+$0xA440];
	[tilespmem:s0+$0x145D4] =	vst v4  }
0xc8: {  	[tilespmem:s0+$0x14400] =	vst v5;
	v4 =	vld [tilespmem:s0+$0xA480]  }
0xc9: {  	[tilespmem:s0+$0x14410] =	vst v1;
	v1 =	vld [tilespmem:s0+$0xA490]  }
0xca: {  	[tilespmem:s0+$0x14420] =	vst v0;
	v0 =	vld [tilespmem:s0+$0xA4A0]  }
0xcb: {  	[tilespmem:s0+$0x14430] =	vst v2;
	v2 =	vld [tilespmem:s0+$0xA4B0]  }
0xcc: {  	[tilespmem:s0+$0x14440] =	vst v3;
	v3 =	vld [tilespmem:s0+$0xA4C0]  }
0xcd: {  	[tilespmem:s0+$0x14480] =	vst v4;
	v4 =	vld [tilespmem:s0+$0xA500]  }
0xce: {  	[tilespmem:s0+$0x14490] =	vst v1;
	v1 =	vld [tilespmem:s0+$0xA510]  }
0xcf: {  	[tilespmem:s0+$0x144A0] =	vst v0;
	v0 =	vld [tilespmem:s0+$0xA520]  }
0xd0: {  	[tilespmem:s0+$0x144B0] =	vst v2;
	v2 =	vld [tilespmem:s0+$0xA530]  }
0xd1: {  	[tilespmem:s0+$0x144C0] =	vst v3;
	v3 =	vld [tilespmem:s0+$0xA540]  }
0xd2: {  	[tilespmem:s0+$0x14500] =	vst v4;
	v4 =	vld [tilespmem:s0+$0xA580]  }
0xd3: {  	[tilespmem:s0+$0x14510] =	vst v1;
	v1 =	vld [tilespmem:s0+$0xA590]  }
0xd4: {  	[tilespmem:s0+$0x14520] =	vst v0;
	v0 =	vld [tilespmem:s0+$0xA5A0]  }
0xd5: {  	[tilespmem:s0+$0x14530] =	vst v2;
	v2 =	vld [tilespmem:s0+$0xA5B0]  }
0xd6: {  	s6 =	sshra.s32 s1, $0x2;
	[tilespmem:s0+$0x14540] =	vst v3;
	v3 =	vld [tilespmem:s0+$0xA5C0]  }
0xd7: {  	v5 =	vld [tilespmem:s6+$0xA450];
	[tilespmem:s0+$0x14580] =	vst v4  }
0xd8: {  	v6 =	vld [tilespmem:s6+$0xA454];
	[tilespmem:s0+$0x14590] =	vst v1  }
.Ltmp2:
0xd9: {  	v4 =	vld [tilespmem:s6+$0xA4D0];
	[tilespmem:s0+$0x145A0] =	vst v0;
	(pc) =	sbr.rel @p0 .LBB2_7-.Ltmp2, $4  }
0xda: {  	v1 =	vld [tilespmem:s6+$0xA4D4];
	[tilespmem:s0+$0x145B0] =	vst v2  }
0xdb: {  	v0 =	vld [tilespmem:s6+$0xA550];
	[tilespmem:s0+$0x145C0] =	vst v3;
	s0 =	smov.u32 s6  }
0xdc: {  	[tilespmem:s0+$0x14450] =	vst v5;
	v2 =	vld [tilespmem:s0+$0xA554]  }
0xdd: {  	s1 =	sadd.s32 $0x800, s1;
	[tilespmem:s0+$0x14454] =	vst v6;
	v3 =	vld [tilespmem:s0+$0xA5D0]  }
0xde: {  	[tilespmem:s0+$0x144D0] =	vst v4;
	v4 =	vld [tilespmem:s0+$0xA5D4]  }
0xdf: {  	v5 =	vld [tilespmem:s0+$0xA400];
	[tilespmem:s0+$0x144D4] =	vst v1  }
0xe0: {  	v1 =	vld [tilespmem:s0+$0xA410];
	[tilespmem:s0+$0x14550] =	vst v0  }
0xe1: {  	v0 =	vld [tilespmem:s0+$0xA420];
	[tilespmem:s0+$0x14554] =	vst v2  }
0xe2: {  	v2 =	vld [tilespmem:s0+$0xA430];
	[tilespmem:s0+$0x145D0] =	vst v3  }
0xe3: {  	v3 =	vld [tilespmem:s0+$0xA440];
	[tilespmem:s0+$0x145D4] =	vst v4  }
0xe4: {  	[tilespmem:s0+$0x14400] =	vst v5;
	v4 =	vld [tilespmem:s0+$0xA480]  }
0xe5: {  	[tilespmem:s0+$0x14410] =	vst v1;
	v1 =	vld [tilespmem:s0+$0xA490]  }
0xe6: {  	[tilespmem:s0+$0x14420] =	vst v0;
	v0 =	vld [tilespmem:s0+$0xA4A0]  }
0xe7: {  	[tilespmem:s0+$0x14430] =	vst v2;
	v2 =	vld [tilespmem:s0+$0xA4B0]  }
0xe8: {  	[tilespmem:s0+$0x14440] =	vst v3;
	v3 =	vld [tilespmem:s0+$0xA4C0]  }
0xe9: {  	[tilespmem:s0+$0x14480] =	vst v4;
	v4 =	vld [tilespmem:s0+$0xA500]  }
0xea: {  	[tilespmem:s0+$0x14490] =	vst v1;
	v1 =	vld [tilespmem:s0+$0xA510]  }
0xeb: {  	[tilespmem:s0+$0x144A0] =	vst v0;
	v0 =	vld [tilespmem:s0+$0xA520]  }
0xec: {  	[tilespmem:s0+$0x144B0] =	vst v2;
	v2 =	vld [tilespmem:s0+$0xA530]  }
0xed: {  	[tilespmem:s0+$0x144C0] =	vst v3;
	v3 =	vld [tilespmem:s0+$0xA540]  }
0xee: {  	[tilespmem:s0+$0x14500] =	vst v4;
	v4 =	vld [tilespmem:s0+$0xA580]  }
0xef: {  	[tilespmem:s0+$0x14510] =	vst v1;
	v1 =	vld [tilespmem:s0+$0xA590]  }
0xf0: {  	[tilespmem:s0+$0x14520] =	vst v0;
	v0 =	vld [tilespmem:s0+$0xA5A0]  }
0xf1: {  	[tilespmem:s0+$0x14530] =	vst v2;
	v2 =	vld [tilespmem:s0+$0xA5B0]  }
0xf2: {  	[tilespmem:s0+$0x14540] =	vst v3;
	v3 =	vld [tilespmem:s0+$0xA5C0]  }
0xf3: {  	[tilespmem:s0+$0x14580] =	vst v4  }
0xf4: {  	[tilespmem:s0+$0x14590] =	vst v1  }
0xf5: {  	s1 =	sadd.s32 s3, s31;
	[tilespmem:s0+$0x145A0] =	vst v0  }
0xf6: {  	s1 =	sshll.u32 s1, $0x4;
	[tilespmem:s0+$0x145B0] =	vst v2  }
0xf7: {  	s31 =	simm.s32 $0x0;
	s8 =	sadd.s32 s5, s1;
	[tilespmem:s0+$0x145C0] =	vst v3  }
0xf8: {  	[hbm4b:s8+s31] =	stream.linear.scatter [tilespmem:s16], [sflag:$0x8], $0x2000, $0x38;
	[tilespmem:$0x1A400] =	vst v63  }
0xf9: {  	_ =	swait.ge [sflag:s17], $0x2000  }
0xfa: {  	[sflag:s17] =	ssyncset.done $0x0  }
0xfb: {  	s0 =	simm.s32 $0x0;
	[sflag:s17] =	ssyncadd.s32 $0xFFFFE000  }
0xfc: {  	v2 =	vld [tilespmem:s0+$0xC450]  }
0xfd: {  	v3 =	vld [tilespmem:s0+$0xC454]  }
0xfe: {  	v4 =	vld [tilespmem:s0+$0xC4D0]  }
0xff: {  	v1 =	vld [tilespmem:s0+$0xC4D4]  }
0x100: {  	v0 =	vld [tilespmem:s0+$0xC550]  }
0x101: {  	[tilespmem:s0+$0x16450] =	vst v2;
	v2 =	vld [tilespmem:s0+$0xC554]  }
0x102: {  	s1 =	simm.s32 $0x800;
	[tilespmem:s0+$0x16454] =	vst v3;
	v3 =	vld [tilespmem:s0+$0xC5D0]  }
.LBB2_9:
0x103: {  	p0 =	sne.s32 s1, $0x7800;
	[tilespmem:s0+$0x164D0] =	vst v4;
	v4 =	vld [tilespmem:s0+$0xC5D4]  }
0x104: {  	v5 =	vld [tilespmem:s0+$0xC400];
	[tilespmem:s0+$0x164D4] =	vst v1  }
0x105: {  	v1 =	vld [tilespmem:s0+$0xC410];
	[tilespmem:s0+$0x16550] =	vst v0  }
0x106: {  	v0 =	vld [tilespmem:s0+$0xC420];
	[tilespmem:s0+$0x16554] =	vst v2  }
0x107: {  	v2 =	vld [tilespmem:s0+$0xC430];
	[tilespmem:s0+$0x165D0] =	vst v3  }
0x108: {  	v3 =	vld [tilespmem:s0+$0xC440];
	[tilespmem:s0+$0x165D4] =	vst v4  }
0x109: {  	[tilespmem:s0+$0x16400] =	vst v5;
	v4 =	vld [tilespmem:s0+$0xC480]  }
0x10a: {  	[tilespmem:s0+$0x16410] =	vst v1;
	v1 =	vld [tilespmem:s0+$0xC490]  }
0x10b: {  	[tilespmem:s0+$0x16420] =	vst v0;
	v0 =	vld [tilespmem:s0+$0xC4A0]  }
0x10c: {  	[tilespmem:s0+$0x16430] =	vst v2;
	v2 =	vld [tilespmem:s0+$0xC4B0]  }
0x10d: {  	[tilespmem:s0+$0x16440] =	vst v3;
	v3 =	vld [tilespmem:s0+$0xC4C0]  }
0x10e: {  	[tilespmem:s0+$0x16480] =	vst v4;
	v4 =	vld [tilespmem:s0+$0xC500]  }
0x10f: {  	[tilespmem:s0+$0x16490] =	vst v1;
	v1 =	vld [tilespmem:s0+$0xC510]  }
0x110: {  	[tilespmem:s0+$0x164A0] =	vst v0;
	v0 =	vld [tilespmem:s0+$0xC520]  }
0x111: {  	[tilespmem:s0+$0x164B0] =	vst v2;
	v2 =	vld [tilespmem:s0+$0xC530]  }
0x112: {  	[tilespmem:s0+$0x164C0] =	vst v3;
	v3 =	vld [tilespmem:s0+$0xC540]  }
0x113: {  	[tilespmem:s0+$0x16500] =	vst v4;
	v4 =	vld [tilespmem:s0+$0xC580]  }
0x114: {  	[tilespmem:s0+$0x16510] =	vst v1;
	v1 =	vld [tilespmem:s0+$0xC590]  }
0x115: {  	[tilespmem:s0+$0x16520] =	vst v0;
	v0 =	vld [tilespmem:s0+$0xC5A0]  }
0x116: {  	[tilespmem:s0+$0x16530] =	vst v2;
	v2 =	vld [tilespmem:s0+$0xC5B0]  }
0x117: {  	s6 =	sshra.s32 s1, $0x2;
	[tilespmem:s0+$0x16540] =	vst v3;
	v3 =	vld [tilespmem:s0+$0xC5C0]  }
0x118: {  	v5 =	vld [tilespmem:s6+$0xC450];
	[tilespmem:s0+$0x16580] =	vst v4  }
0x119: {  	v6 =	vld [tilespmem:s6+$0xC454];
	[tilespmem:s0+$0x16590] =	vst v1  }
.Ltmp3:
0x11a: {  	v4 =	vld [tilespmem:s6+$0xC4D0];
	[tilespmem:s0+$0x165A0] =	vst v0;
	(pc) =	sbr.rel @p0 .LBB2_9-.Ltmp3, $4  }
0x11b: {  	v1 =	vld [tilespmem:s6+$0xC4D4];
	[tilespmem:s0+$0x165B0] =	vst v2  }
0x11c: {  	v0 =	vld [tilespmem:s6+$0xC550];
	[tilespmem:s0+$0x165C0] =	vst v3;
	s0 =	smov.u32 s6  }
0x11d: {  	[tilespmem:s0+$0x16450] =	vst v5;
	v2 =	vld [tilespmem:s0+$0xC554]  }
0x11e: {  	s1 =	sadd.s32 $0x800, s1;
	[tilespmem:s0+$0x16454] =	vst v6;
	v3 =	vld [tilespmem:s0+$0xC5D0]  }
0x11f: {  	[tilespmem:s0+$0x164D0] =	vst v4;
	v4 =	vld [tilespmem:s0+$0xC5D4]  }
0x120: {  	v5 =	vld [tilespmem:s0+$0xC400];
	[tilespmem:s0+$0x164D4] =	vst v1  }
0x121: {  	v1 =	vld [tilespmem:s0+$0xC410];
	[tilespmem:s0+$0x16550] =	vst v0  }
0x122: {  	v0 =	vld [tilespmem:s0+$0xC420];
	[tilespmem:s0+$0x16554] =	vst v2  }
0x123: {  	v2 =	vld [tilespmem:s0+$0xC430];
	[tilespmem:s0+$0x165D0] =	vst v3  }
0x124: {  	v3 =	vld [tilespmem:s0+$0xC440];
	[tilespmem:s0+$0x165D4] =	vst v4  }
0x125: {  	[tilespmem:s0+$0x16400] =	vst v5;
	v4 =	vld [tilespmem:s0+$0xC480]  }
0x126: {  	[tilespmem:s0+$0x16410] =	vst v1;
	v1 =	vld [tilespmem:s0+$0xC490]  }
0x127: {  	[tilespmem:s0+$0x16420] =	vst v0;
	v0 =	vld [tilespmem:s0+$0xC4A0]  }
0x128: {  	[tilespmem:s0+$0x16430] =	vst v2;
	v2 =	vld [tilespmem:s0+$0xC4B0]  }
0x129: {  	[tilespmem:s0+$0x16440] =	vst v3;
	v3 =	vld [tilespmem:s0+$0xC4C0]  }
0x12a: {  	[tilespmem:s0+$0x16480] =	vst v4;
	v4 =	vld [tilespmem:s0+$0xC500]  }
0x12b: {  	[tilespmem:s0+$0x16490] =	vst v1;
	v1 =	vld [tilespmem:s0+$0xC510]  }
0x12c: {  	[tilespmem:s0+$0x164A0] =	vst v0;
	v0 =	vld [tilespmem:s0+$0xC520]  }
0x12d: {  	[tilespmem:s0+$0x164B0] =	vst v2;
	v2 =	vld [tilespmem:s0+$0xC530]  }
0x12e: {  	[tilespmem:s0+$0x164C0] =	vst v3;
	v3 =	vld [tilespmem:s0+$0xC540]  }
0x12f: {  	[tilespmem:s0+$0x16500] =	vst v4;
	v4 =	vld [tilespmem:s0+$0xC580]  }
0x130: {  	[tilespmem:s0+$0x16510] =	vst v1;
	v1 =	vld [tilespmem:s0+$0xC590]  }
0x131: {  	[tilespmem:s0+$0x16520] =	vst v0;
	v0 =	vld [tilespmem:s0+$0xC5A0]  }
0x132: {  	[tilespmem:s0+$0x16530] =	vst v2;
	v2 =	vld [tilespmem:s0+$0xC5B0]  }
0x133: {  	[tilespmem:s0+$0x16540] =	vst v3;
	v3 =	vld [tilespmem:s0+$0xC5C0]  }
0x134: {  	[tilespmem:s0+$0x16580] =	vst v4  }
0x135: {  	[tilespmem:s0+$0x16590] =	vst v1  }
0x136: {  	s1 =	sadd.s32 s3, s30;
	[tilespmem:s0+$0x165A0] =	vst v0  }
0x137: {  	s1 =	sshll.u32 s1, $0x4;
	[tilespmem:s0+$0x165B0] =	vst v2  }
0x138: {  	s31 =	simm.s32 $0x0;
	s30 =	sadd.s32 s5, s1;
	[tilespmem:s0+$0x165C0] =	vst v3  }
0x139: {  	[hbm4b:s30+s31] =	stream.linear.scatter [tilespmem:s18], [sflag:$0x9], $0x2000, $0x38;
	[tilespmem:$0x1A400] =	vst v63  }
0x13a: {  	_ =	swait.ge [sflag:s19], $0x2000  }
0x13b: {  	[sflag:s19] =	ssyncset.done $0x0  }
0x13c: {  	s0 =	simm.s32 $0x0;
	[sflag:s19] =	ssyncadd.s32 $0xFFFFE000  }
0x13d: {  	v2 =	vld [tilespmem:s0+$0xE450]  }
0x13e: {  	v3 =	vld [tilespmem:s0+$0xE454]  }
0x13f: {  	v4 =	vld [tilespmem:s0+$0xE4D0]  }
0x140: {  	v1 =	vld [tilespmem:s0+$0xE4D4]  }
0x141: {  	v0 =	vld [tilespmem:s0+$0xE550]  }
0x142: {  	[tilespmem:s0+$0x18450] =	vst v2;
	v2 =	vld [tilespmem:s0+$0xE554]  }
0x143: {  	s1 =	simm.s32 $0x800;
	[tilespmem:s0+$0x18454] =	vst v3;
	v3 =	vld [tilespmem:s0+$0xE5D0]  }
.LBB2_11:
0x144: {  	p0 =	sne.s32 s1, $0x7800;
	[tilespmem:s0+$0x184D0] =	vst v4;
	v4 =	vld [tilespmem:s0+$0xE5D4]  }
0x145: {  	v5 =	vld [tilespmem:s0+$0xE400];
	[tilespmem:s0+$0x184D4] =	vst v1  }
0x146: {  	v1 =	vld [tilespmem:s0+$0xE410];
	[tilespmem:s0+$0x18550] =	vst v0  }
0x147: {  	v0 =	vld [tilespmem:s0+$0xE420];
	[tilespmem:s0+$0x18554] =	vst v2  }
0x148: {  	v2 =	vld [tilespmem:s0+$0xE430];
	[tilespmem:s0+$0x185D0] =	vst v3  }
0x149: {  	v3 =	vld [tilespmem:s0+$0xE440];
	[tilespmem:s0+$0x185D4] =	vst v4  }
0x14a: {  	[tilespmem:s0+$0x18400] =	vst v5;
	v4 =	vld [tilespmem:s0+$0xE480]  }
0x14b: {  	[tilespmem:s0+$0x18410] =	vst v1;
	v1 =	vld [tilespmem:s0+$0xE490]  }
0x14c: {  	[tilespmem:s0+$0x18420] =	vst v0;
	v0 =	vld [tilespmem:s0+$0xE4A0]  }
0x14d: {  	[tilespmem:s0+$0x18430] =	vst v2;
	v2 =	vld [tilespmem:s0+$0xE4B0]  }
0x14e: {  	[tilespmem:s0+$0x18440] =	vst v3;
	v3 =	vld [tilespmem:s0+$0xE4C0]  }
0x14f: {  	[tilespmem:s0+$0x18480] =	vst v4;
	v4 =	vld [tilespmem:s0+$0xE500]  }
0x150: {  	[tilespmem:s0+$0x18490] =	vst v1;
	v1 =	vld [tilespmem:s0+$0xE510]  }
0x151: {  	[tilespmem:s0+$0x184A0] =	vst v0;
	v0 =	vld [tilespmem:s0+$0xE520]  }
0x152: {  	[tilespmem:s0+$0x184B0] =	vst v2;
	v2 =	vld [tilespmem:s0+$0xE530]  }
0x153: {  	[tilespmem:s0+$0x184C0] =	vst v3;
	v3 =	vld [tilespmem:s0+$0xE540]  }
0x154: {  	[tilespmem:s0+$0x18500] =	vst v4;
	v4 =	vld [tilespmem:s0+$0xE580]  }
0x155: {  	[tilespmem:s0+$0x18510] =	vst v1;
	v1 =	vld [tilespmem:s0+$0xE590]  }
0x156: {  	[tilespmem:s0+$0x18520] =	vst v0;
	v0 =	vld [tilespmem:s0+$0xE5A0]  }
0x157: {  	[tilespmem:s0+$0x18530] =	vst v2;
	v2 =	vld [tilespmem:s0+$0xE5B0]  }
0x158: {  	s6 =	sshra.s32 s1, $0x2;
	[tilespmem:s0+$0x18540] =	vst v3;
	v3 =	vld [tilespmem:s0+$0xE5C0]  }
0x159: {  	v5 =	vld [tilespmem:s6+$0xE450];
	[tilespmem:s0+$0x18580] =	vst v4  }
0x15a: {  	v6 =	vld [tilespmem:s6+$0xE454];
	[tilespmem:s0+$0x18590] =	vst v1  }
.Ltmp4:
0x15b: {  	v4 =	vld [tilespmem:s6+$0xE4D0];
	[tilespmem:s0+$0x185A0] =	vst v0;
	(pc) =	sbr.rel @p0 .LBB2_11-.Ltmp4, $4  }
0x15c: {  	v1 =	vld [tilespmem:s6+$0xE4D4];
	[tilespmem:s0+$0x185B0] =	vst v2  }
0x15d: {  	v0 =	vld [tilespmem:s6+$0xE550];
	[tilespmem:s0+$0x185C0] =	vst v3;
	s0 =	smov.u32 s6  }
0x15e: {  	[tilespmem:s0+$0x18450] =	vst v5;
	v2 =	vld [tilespmem:s0+$0xE554]  }
0x15f: {  	s1 =	sadd.s32 $0x800, s1;
	[tilespmem:s0+$0x18454] =	vst v6;
	v3 =	vld [tilespmem:s0+$0xE5D0]  }
0x160: {  	[tilespmem:s0+$0x184D0] =	vst v4;
	v44 =	vld [tilespmem:s0+$0xE5D4]  }
0x161: {  	v5 =	vld [tilespmem:s0+$0xE400];
	[tilespmem:s0+$0x184D4] =	vst v1  }
0x162: {  	v45 =	vld [tilespmem:s0+$0xE410];
	[tilespmem:s0+$0x18550] =	vst v0  }
0x163: {  	v46 =	vld [tilespmem:s0+$0xE420];
	[tilespmem:s0+$0x18554] =	vst v2  }
0x164: {  	v47 =	vld [tilespmem:s0+$0xE430];
	[tilespmem:s0+$0x185D0] =	vst v3  }
0x165: {  	v48 =	vld [tilespmem:s0+$0xE440];
	[tilespmem:s0+$0x185D4] =	vst v44  }
0x166: {  	v49 =	vld [tilespmem:s0+$0xE480];
	[tilespmem:s0+$0x18400] =	vst v5  }
0x167: {  	v50 =	vld [tilespmem:s0+$0xE490];
	[tilespmem:s0+$0x18410] =	vst v45  }
0x168: {  	v51 =	vld [tilespmem:s0+$0xE4A0];
	[tilespmem:s0+$0x18420] =	vst v46  }
0x169: {  	v52 =	vld [tilespmem:s0+$0xE4B0];
	[tilespmem:s0+$0x18430] =	vst v47  }
0x16a: {  	v53 =	vld [tilespmem:s0+$0xE4C0];
	[tilespmem:s0+$0x18440] =	vst v48  }
0x16b: {  	v54 =	vld [tilespmem:s0+$0xE500];
	[tilespmem:s0+$0x18480] =	vst v49  }
0x16c: {  	v55 =	vld [tilespmem:s0+$0xE510];
	[tilespmem:s0+$0x18490] =	vst v50  }
0x16d: {  	v56 =	vld [tilespmem:s0+$0xE520];
	[tilespmem:s0+$0x184A0] =	vst v51  }
0x16e: {  	v57 =	vld [tilespmem:s0+$0xE530];
	[tilespmem:s0+$0x184B0] =	vst v52  }
0x16f: {  	v58 =	vld [tilespmem:s0+$0xE540];
	[tilespmem:s0+$0x184C0] =	vst v53  }
0x170: {  	v59 =	vld [tilespmem:s0+$0xE580];
	[tilespmem:s0+$0x18500] =	vst v54  }
0x171: {  	v60 =	vld [tilespmem:s0+$0xE590];
	[tilespmem:s0+$0x18510] =	vst v55  }
0x172: {  	v61 =	vld [tilespmem:s0+$0xE5A0];
	[tilespmem:s0+$0x18520] =	vst v56  }
0x173: {  	v62 =	vld [tilespmem:s0+$0xE5B0];
	[tilespmem:s0+$0x18530] =	vst v57  }
0x174: {  	v63 =	vld [tilespmem:s0+$0xE5C0];
	s28 =	sadd.s32 $0x1, s28;
	[tilespmem:s0+$0x18540] =	vst v58  }
0x175: {  	p0 =	sne.s32 s28, $0x50;
	[tilespmem:s0+$0x18580] =	vst v59  }
.Ltmp5:
0x176: {  	[tilespmem:s0+$0x18590] =	vst v60;
	(pc) =	sbr.rel @p0 .LBB2_2-.Ltmp5, $4  }
0x177: {  	s1 =	sadd.s32 s3, s29;
	[tilespmem:s0+$0x185A0] =	vst v61  }
0x178: {  	s1 =	sshll.u32 s1, $0x4;
	[tilespmem:s0+$0x185B0] =	vst v62  }
0x179: {  	s31 =	sadd.s32 s5, s1;
	[tilespmem:s0+$0x185C0] =	vst v63  }
0x17a: {  	[hbm4b:s31+s2] =	stream.linear.scatter [tilespmem:s20], [sflag:$0xA], $0x2000, $0x38;
	[tilespmem:$0x1A400] =	vst v63  }
0x17b: {  	_ =	swait.ge [sflag:s21], $0x2000  }
0x17c: {  	[sflag:s21] =	ssyncset.done $0x0  }
0x17d: {  	[sflag:s21] =	ssyncadd.s32 $0xFFFFE000  }
0x17e: {  	_ =	swait.ge [sflag:s22], $0x2000  }
0x17f: {  	[sflag:s22] =	ssyncset.done $0x0  }
0x180: {  	[sflag:s22] =	ssyncadd.s32 $0xFFFFE000  }
0x181: {  	_ =	swait.ge [sflag:s23], $0x2000  }
0x182: {  	[sflag:s23] =	ssyncset.done $0x0  }
0x183: {  	[sflag:s23] =	ssyncadd.s32 $0xFFFFE000  }
0x184: {  	_ =	swait.ge [sflag:s24], $0x2000  }
0x185: {  	[sflag:s24] =	ssyncset.done $0x0  }
0x186: {  	[sflag:s24] =	ssyncadd.s32 $0xFFFFE000  }
0x187: {  	_ =	swait.ge [sflag:s25], $0x2000  }
0x188: {  	s26 =	sadd.s32 $0x1, s26;
	s0 =	rddreg [dreg:$0x3]  }
0x189: {  	p0 =	sne.s32 s26, s0  }
.Ltmp6:
0x18a: {  	_ = 	snop;
	(pc) =	sbr.rel @p0 .LBB2_1-.Ltmp6, $3  }
0x18b: {  	_ =	sdelay $0x1  }
0x18c: {  	[sflag:s25] =	ssyncset.done $0x0  }
0x18d: {  	[sflag:s25] =	ssyncadd.s32 $0xFFFFE000  }
0x18e: {  	_ =	sfence.sel $0x180000  }
0x18f: {  	[bflag:$0x0] =	sbarrier.arrive $0xFFFF  }
0x190: {  	_ =	strace $0x90000047  }
0x191: {  	s0 =	stileid.u32;
	[bflag:$0x2] =	sbarrier.arrive $0xFFFF  }
0x192: {  	p0 =	sne.s32 s0, $0x0;
	s0 =	rddreg [dreg:$0x1]  }
0x193: {  	s0 =	sadd.s32 @!p0 $0x100000, s0  }
0x194: {  	[sflag:s0] =	ssyncadd.tile.s32 @!p0 $0x1;
	_ =	shalt  }
.Lfunc_end2:
_tile_overlayer_lowered:
.L_overlay_start_2:
0x195: {  	(tag) =	ssettag $0x2  }
0x196: {  	s0 =	rddreg [dreg:$0x0];
	s2 =	stileid.u32  }
0x197: {  	s1 =	rddreg [dreg:$0x1];
	p0 =	sne.s32 s2, $0x0  }
0x198: {  	s3 =	rddreg [dreg:$0x2];
	[bflag:$0x3] =	sbarrier.arrive $0xFFFF;
	s2 =	simm.s32 @!p0 $0x1C0B  }
0x199: {  	[timem:s3], [sflag:s2] =	dma.local @!p0 [hbm:s0], s1  }
0x19a: {  	s0 =	simm.s32 @!p0 $0xB  }
0x19b: {  	_ =	swait.ge @!p0 [sflag:s0], s1  }
0x19c: {  	s1 =	ssub.s32 @!p0 $0x0, s1;
	[sflag:s0] =	ssyncset.done @!p0 $0x0  }
0x19d: {  	[sflag:s0] =	ssyncadd.s32 @!p0 s1  }
0x19e: {  	[bflag:$0x3] =	sbarrier.arrive $0xFFFF  }
0x19f: {  	_ =	shalt  }

// kernel: sparse-core-data-format-call.cloned.1.call-start
scs
called_computation_lowered:
.L_overlay_start_0:
0x0: {  	s2 =	sld [smem:$0x3FD9]  }
0x1: {  	s3 =	sld [smem:$0x3FFE];
	_ =	sdelay $0x1  }
0x2: {  	s1 =	srdreg.scid  }
0x3: {  	s0 =	sand.u32 $0x1, s1  }
0x4: {  	s18 =	sshll.u32 s0, $0xA;
	s2 =	sadd.s32 s3, s2  }
0x5: {  	s2 =	sadd.s32 s2, s18  }
0x6: {  	[smem:$0x3FC6] =	sst s2  }
0x7: {  	_ = 	snop  }
0x8: {  	s2 =	sld [smem:$0x3FD0];
	(tm) =	ssettm $0x1  }
0x9: {  	s19 =	sld [smem:$0x3FFB];
	_ =	sdelay $0x3  }
0xa: {  	_ =	strace s19  }
0xb: {  	s3 =	sld [smem:$0x3FFC];
	_ =	sdelay $0x3  }
0xc: {  	_ =	strace s3  }
0xd: {  	s3 =	sld [smem:$0x3FFD];
	_ =	sdelay $0x3  }
0xe: {  	_ =	strace s3  }
0xf: {  	_ =	strace $0x8FFFFFFF  }
0x10: {  	s20 =	sld [smem:$0x3FDB];
	_ =	sdelay $0x1  }
0x11: {  	s4 =	simm.s32 $_scs_section_size  }
0x12: {  	s5 =	simm.s32 $_size__tile_overlayer_lowered;
	s6 =	simm.s32 $_tile_overlayer_lowered  }
0x13: {  	s23 =	simm.s32 $0x1BFF;
	s22 =	sshll.u32 s6, $0x1;
	s3 =	sadd.s32 s4, s20  }
0x14: {  	s7 =	simm.s32 $0x0;
	s21 =	sshll.u32 s5, $0x1;
	s5 =	sadd.s32 s22, s3  }
0x15: {  	[timem:s7], [sflag:s23] =	dma.local [hbm:s5], s21  }
0x16: {  	_ =	swait.ge [sflag:s23], s21  }
0x17: {  	s4 =	ssub.s32 $0x0, s21;
	[sflag:s23] =	ssyncset.done $0x0  }
0x18: {  	[sflag:s23] =	ssyncadd.s32 s4;
	_ =	sdelay $0x1  }
0x19: {  	s24 =	simm.s32 $0x1B8B  }
0x1a: {  	_ =	swait.ge [sflag:s24], $0x1  }
0x1b: {  	[sflag:s24] =	ssyncset.done $0x0  }
0x1c: {  	s26 =	simm.s32 $0x1B8E;
	s25 =	sld [smem:$0x3FFE];
	[sflag:s24] =	ssyncadd.s32 $0xFFFFFFFF  }
0x1d: {  	s27 =	simm.s32 $execute0_lowered;
	[smem:$0x3FD2] =	sst s26  }
0x1e: {  	s5 =	sshll.u32 s27, $0x1;
	_ =	strace $0x80000049;
	[dreg:$0x1] =	wrdreg $0xFFFFFFFF  }
0x1f: {  	s28 =	simm.s32 $_size_execute0_lowered;
	s3 =	sadd.s32 s3, s5;
	[dreg:$0x0] =	wrdreg $0x0  }
0x20: {  	s5 =	sshll.u32 s28, $0x1;
	[dreg:$0x2] =	wrdreg s3  }
0x21: {  	[dreg:$0x3] =	wrdreg s5  }
0x22: {  	[dreg:$0x4] =	wrdreg $0xC0  }
0x23: {  	_ =	task [dreg:s7], $0x5FFFF  }
0x24: {  	[dreg:$0x1] =	wrdreg $0xFFFFFFFF  }
0x25: {  	[dreg:$0x0] =	wrdreg $0x60  }
0x26: {  	[dreg:$0x2] =	wrdreg s25  }
0x27: {  	[dreg:$0x3] =	wrdreg s2  }
0x28: {  	[dreg:$0x4] =	wrdreg $0x9  }
0x29: {  	_ =	task.clear_ibuf [dreg:s7], $0x5FFFF;
	_ =	strace $0x90000049  }
0x2a: {  	s29 =	simm.s32 $0x9;
	_ =	strace $0x8000004B  }
0x2b: {  	_ =	swait.ge [sflag:s29], $0x1  }
0x2c: {  	[sflag:s29] =	ssyncadd.s32 $0xFFFFFFFF  }
0x2d: {  	_ =	strace $0x9000004B  }
0x2e: {  	_ =	sfence  }
0x2f: {  	s30 =	sld [smem:$0x0];
	_ =	sdelay $0x2  }
0x30: {  	s31 =	sshll.u32 s1, $0xD;
	s1 =	sshrl.u32 s1, $0x2  }
0x31: {  	s3 =	sand.u32 $0x4000, s31;
	s1 =	sadd.s32 s1, s30  }
0x32: {  	s0 =	sor.u32 s3, s0;
	s1 =	sshll.u32 s1, $0x11  }
0x33: {  	s0 =	sor.u32 s1, s0  }
0x34: {  	s0 =	sadd.s32 $0x8F2B, s0  }
0x35: {  	[sflag:s0] =	ssyncadd.remote.s32 $0x1  }
0x36: {  	_ =	sfence.sel $0xFFFF  }
0x37: {  	[dreg:$0x0] =	wrdreg $0xFFFFFFFF;
	(pc) =	sbr.abs _section_cstart, $3  }
0x38: {  	[dreg:$0x1] =	wrdreg $0xFFFFFFFF  }
0x39: {  	_ =	task.clear_ibuf [dreg:s7], $0x2FFFF;
	_ =	strace $0x9FFFFFFF  }
0x3a: {  	(tm) =	ssettm $0x7FFFFFFF  }
0x3b: {  	_ =	shalt  }
tec
execute0_lowered:
.L_overlay_start_1:
0x0: {  	(tag) =	ssettag $0x1  }
0x1: {  	s0 =	srdreg.scid  }
0x2: {  	s1 =	sshll.u32 s0, $0x4  }
0x3: {  	s6 =	rddreg [dreg:$0x0];
	s0 =	stileid.u32;
	s1 =	sand.u32 $0x10, s1  }
0x4: {  	s3 =	rddreg [dreg:$0x1];
	s1 =	sor.u32 s0, s1  }
0x5: {  	s5 =	simm.s32 $0x1;
	s31 =	simm.s32 $0x2;
	s2 =	sshll.u32 s1, $0x7  }
0x6: {  	s15 =	simm.s32 $0x0;
	s8 =	simm.s32 $0xC8000;
	s4 =	ssub.s32 $0x1000, s2  }
0x7: {  	s14 =	simm.s32 $0x0;
	s9 =	simm.s32 $0x0;
	s30 =	sand.u32 $0xF80, s4  }
0x8: {  	s10 =	simm.s32 $0x0;
	s11 =	simm.s32 $0x0;
	p0 =	sne.s32 s30, $0x0  }
.Ltmp0:
0x9: {  	s7 =	sshrl.u32 s4, $0xC;
	s5 =	simm.s32 @!p0 $0x0;
	(pc) =	sbr.rel .LBB1_1-.Ltmp0, $4  }
0xa: {  	s13 =	simm.s32 $0x0;
	s1 =	rddreg [dreg:$0x2];
	s5 =	sadd.s32 s5, s7  }
0xb: {  	_ =	strace $0x8000004A;
	s4 =	simm.s32 $0x1;
	s5 =	smul.u32 $0xC8, s5  }
0xc: {  	s6 =	sadd.s32 $0x1A0400, s6;
	s12 =	smov.u32 s2;
	[sflag:s4] =	ssyncpa.u1 $0x0  }
0xd: {  	[sflag:s31] =	ssyncpa.u1 $0x0;
	p0 =	por $0x0, $0x0;
	s7 =	sor.u32 $0x1, s5  }
.LBB1_4:
0xe: {  	s20 =	sshra.s32 s20, $0x2;
	s27 =	sshll.u32 s9, $0xC  }
0xf: {  	s21 =	sand.u32 $0x78, s10;
	s22 =	sshll.u32 s10, $0x3;
	s24 =	sshll.u32 s9, $0x7  }
0x10: {  	p1 =	sgt.s32 s9, $0xC7;
	s30 =	sshra.s32 s9, $0x1F;
	s25 =	sshra.s32 s10, $0x1F  }
0x11: {  	s19 =	sadd.s32 s20, s19;
	s20 =	sand.u32 $0xFFFF8000, s27;
	s23 =	sand.u32 $0xFFFFFC00, s22  }
0x12: {  	v5 =	vld [tilespmem:s17+$0xFFFFFFD0];
	[tilespmem:s18+$0x2040 ss:$0x81] =	vst.msk $0xffff, v4;
	s22 =	sand.u32 $0xC00, s22;
	s28 =	sand.u32 $0x380, s24;
	s31 =	sand.u32 s30, s9  }
0x13: {  	v58 =	vld [tilespmem:s17+$0xFFFFFFE0];
	[tilespmem:s18+$0x2850 ss:$0x81] =	vst.msk $0xffff, v3;
	s24 =	smov.u32 s10;
	s25 =	sand.u32 s25, s10;
	s20 =	sadd.s32 s23, s20  }
0x14: {  	v59 =	vld [tilespmem:s17+$0xFFFFFFF0];
	[tilespmem:s18+$0x3060 ss:$0x81] =	vst.msk $0xffff, v2;
	s21 =	sor.u32 s21, s22;
	s22 =	smov.u32 s9;
	s20 =	sshrl.u32 s20, $0xC  }
0x15: {  	v60 =	vld [tilespmem:s17+$0x0];
	[tilespmem:s18+$0x0 ss:$0x81] =	vst.msk $0xffff, v1;
	s22 =	simm.s32 @!p1 $0xC7;
	p1 =	sgt.s32 s10, $0xF80;
	s29 =	smulhi.u32 $0x147AE15, s20  }
0x16: {  	v61 =	vld [tilespmem:s17+$0x10];
	[tilespmem:s19+$0x3870 ss:$0x81] =	vst.msk $0xffff, v0;
	s21 =	sor.u32 s28, s21;
	s18 =	ssub.s32 s22, s31;
	s24 =	simm.s32 @!p1 $0xF80  }
0x17: {  	v62 =	vld [tilespmem:s17+$0x20];
	[tilespmem:s19+$0x810 ss:$0x81] =	vst.msk $0xffff, v5;
	s22 =	ssub.s32 s24, s25;
	s26 =	ssub.s32 $0xC8, s18;
	s23 =	smul.u32 $0xC8, s29  }
0x18: {  	v63 =	vld [tilespmem:s17+$0xFFFFFFC0];
	[tilespmem:s19+$0x1020 ss:$0x81] =	vst.msk $0xffff, v58;
	s27 =	sadd.s32 $0xFFFFFF39, s18;
	s18 =	smul.u32 $0x64, s26;
	s28 =	sadd.s32 $0xFFFFF080, s22  }
0x19: {  	[tilespmem:s19+$0x1830 ss:$0x81] =	vst.msk $0xffff, v59;
	p1 =	sgt.s32 s27, $0x0;
	s17 =	ssub.s32 $0x1000, s22;
	p2 =	sgt.s32 s28, $0x7F  }
0x1a: {  	s30 =	sand.u32 $0x7, s10;
	[tilespmem:s19+$0x2040 ss:$0x81] =	vst.msk $0xffff, v60;
	s18 =	simm.s32 @p1 $0x0;
	s17 =	simm.s32 @p2 $0x0  }
0x1b: {  	[tilespmem:s19+$0x2850 ss:$0x81] =	vst.msk $0xffff, v61;
	s29 =	sshrl.u32 s21, $0x3;
	s20 =	ssub.s32 s20, s23;
	s17 =	smul.u32 s17, s18  }
0x1c: {  	[tilespmem:s19+$0x3060 ss:$0x81] =	vst.msk $0xffff, v62;
	s21 =	sshll.u32 s30, $0x12;
	s20 =	sshll.u32 s20, $0x9;
	s18 =	sadd.s32 s3, s29  }
0x1d: {  	[tilespmem:s19+$0x0 ss:$0x81] =	vst.msk $0xffff, v63;
	s31 =	sor.u32 $0x80, s21;
	s18 =	sadd.s32 s20, s18;
	s17 =	sand.u32 $0x3FFFFFFC, s17  }
0x1e: {  	[hbm4b:s18+s31] =	stream.strided.scatter [tilespmem:s16], [sflag:$0x2], s17, s8, s31, $0x20;
	[tilespmem:$0x10100] =	vst v63  }
.LBB1_5:
0x1f: {  	p1 =	slt.u32 s13, $0x2  }
0x20: {  	s17 =	smov.u32 s15;
	p2 =	sgt.s32 @!p1 s15, $0xC7;
	s16 =	sshra.s32 @!p1 s15, $0x1F  }
0x21: {  	p3 =	sgt.s32 @!p1 s14, $0xF80;
	s18 =	sshra.s32 @!p1 s14, $0x1F;
	p2 =	por !p2, p1  }
0x22: {  	s15 =	sand.u32 @!p1 s16, s15;
	p3 =	por !p3, p1;
	s16 =	smov.u32 s14  }
0x23: {  	s14 =	sand.u32 @!p1 s18, s14;
	s17 =	simm.s32 @p2 $0xC7;
	s16 =	simm.s32 @p3 $0xF80  }
0x24: {  	s18 =	smov.u32 s12;
	s15 =	ssub.s32 @!p1 s17, s15;
	s14 =	ssub.s32 @!p1 s16, s14  }
0x25: {  	s16 =	sadd.s32 @!p1 $0xFFFFFF39, s15;
	s15 =	ssub.s32 @!p1 $0xC8, s15;
	s17 =	sadd.s32 @!p1 $0xFFFFF080, s14  }
0x26: {  	p2 =	sgt.s32 @!p1 s16, $0x0;
	s15 =	smul.u32 @!p1 $0x64, s15;
	p3 =	sgt.s32 @!p1 s17, $0x7F  }
0x27: {  	s14 =	ssub.s32 @!p1 $0x1000, s14;
	p2 =	por !p2, p1;
	p3 =	por !p3, p1  }
0x28: {  	s16 =	sadd.s32 $0x1, s11;
	s15 =	simm.s32 @!p2 $0x0;
	s14 =	simm.s32 @!p3 $0x0  }
0x29: {  	p2 =	sgt.s32 s16, $0xC7;
	s14 =	smul.u32 @!p1 s14, s15;
	s15 =	sadd.s32 $0x1000, s12  }
0x2a: {  	s18 =	smov.u32 @p2 s15  }
0x2b: {  	s16 =	simm.s32 @p2 $0x0;
	p2 =	sgt.s32 s18, $0xFFF  }
0x2c: {  	s18 =	smov.u32 @p2 s2;
	p2 =	sne.s32 s13, s7  }
.Ltmp1:
0x2d: {  	p0 =	por !p0, !p0;
	s17 =	simm.s32 @!p1 $0x2;
	(pc) =	sbr.rel @!p2 .LBB1_6-.Ltmp1, $4  }
0x2e: {  	s15 =	smov.u32 s9;
	s9 =	smov.u32 s11;
	s14 =	sand.u32 @!p1 $0x3FFFFFFC, s14  }
0x2f: {  	s11 =	smov.u32 s16;
	_ =	swait.ge @!p1 [sflag:s17], s14;
	s19 =	ssub.s32 @!p1 $0x0, s14  }
0x30: {  	s14 =	smov.u32 s10;
	s13 =	sadd.s32 $0x1, s13;
	[sflag:s17] =	ssyncset.done @!p1 $0x0  }
0x31: {  	s10 =	smov.u32 s12;
	s12 =	smov.u32 s18;
	[sflag:s17] =	ssyncadd.s32 @!p1 s19  }
.LBB1_1:
0x32: {  	p1 =	sge.u32 s13, s5  }
0x33: {  	s16 =	sand.u32 @!p1 $0x1FFFFFF, s11  }
0x34: {  	s17 =	smulhi.u32 @!p1 $0x147AE15, s16;
	_ =	sdelay $0x1  }
0x35: {  	s17 =	smul.u32 @!p1 $0xC8, s17  }
0x36: {  	s18 =	sxor.u32 @!p1 $0xFFFFFFFF, s13;
	s19 =	smul.u32 @!p1 $0xC80, s12  }
0x37: {  	s31 =	sadd.s32 $0xFFFFFFFF, s13;
	s18 =	sshll.u32 @!p1 s18, $0xE;
	s16 =	ssub.s32 @!p1 s16, s17  }
0x38: {  	s17 =	sand.u32 @!p1 $0x4000, s18;
	s18 =	sadd.s32 @!p1 s6, s19;
	s16 =	sshll.u32 @!p1 s16, $0x4  }
0x39: {  	s19 =	simm.s32 @!p1 $0x6400;
	s16 =	sadd.s32 @!p1 s16, s18;
	s18 =	simm.s32 @!p1 $0x80  }
0x3a: {  	[tilespmem:s17], [sflag:$0x1] =	stream.strided.gather @!p1 [hbm4b:s16+s18], $0x4000, s19, s18, $0x38;
	[tilespmem:$0x10100] =	vst v63  }
0x3b: {  	p1 =	sge.u32 s31, s5  }
.Ltmp2:
0x3c: {  	_ = 	snop;
	(pc) =	sbr.rel @p1 .LBB1_5-.Ltmp2, $1  }
0x3d: {  	_ =	sdelay $0x3  }
0x3e: {  	s16 =	simm.s32 $0x1  }
0x3f: {  	_ =	swait.ge [sflag:s4], $0x4000;
	s16 =	simm.s32 @!p0 $0x0  }
0x40: {  	[sflag:s4] =	ssyncset.done $0x0;
	s17 =	sshll.u32 s16, $0xE  }
0x41: {  	[sflag:s4] =	ssyncadd.s32 $0xFFFFC000;
	s17 =	sor.u32 $0x40, s17  }
0x42: {  	s16 =	smul.u32 $0x10200, s16;
	v0 =	vld [tilespmem:s17+$0x30]  }
0x43: {  	v1 =	vld [tilespmem:s17+$0xFFFFFFD0]  }
0x44: {  	s16 =	sshrl.u32 s16, $0x2;
	v5 =	vld [tilespmem:s17+$0xFFFFFFE0]  }
0x45: {  	v6 =	vld [tilespmem:s17+$0xFFFFFFF0];
	s19 =	sor.u32 $0x8000, s16  }
0x46: {  	s31 =	sand.u32 $0x1, s13;
	v4 =	vld [tilespmem:s17+$0x0];
	s18 =	sadd.s32 $0x0, s19  }
0x47: {  	v3 =	vld [tilespmem:s17+$0x10];
	s16 =	smul.u32 $0x10200, s31;
	[tilespmem:s18+$0x3870 ss:$0x81] =	vst.msk $0xffff, v0  }
0x48: {  	v2 =	vld [tilespmem:s17+$0x20];
	[tilespmem:s18+$0x810 ss:$0x81] =	vst.msk $0xffff, v1  }
0x49: {  	s16 =	sshrl.u32 s16, $0x2;
	v1 =	vld [tilespmem:s17+$0xFFFFFFC0];
	[tilespmem:s18+$0x1020 ss:$0x81] =	vst.msk $0xffff, v5;
	s17 =	sadd.s32 $0x80, s17  }
0x4a: {  	s20 =	simm.s32 $0x4;
	s21 =	simm.s32 $0x8;
	s16 =	sor.u32 $0x8000, s16;
	[tilespmem:s18+$0x1830 ss:$0x81] =	vst.msk $0xffff, v6;
	v0 =	vld [tilespmem:s17+$0x30]  }
.LBB1_3:
0x4b: {  	p1 =	sne.s32 s21, $0x1FC;
	v5 =	vld [tilespmem:s17+$0xFFFFFFD0];
	[tilespmem:s18+$0x2040 ss:$0x81] =	vst.msk $0xffff, v4  }
0x4c: {  	v6 =	vld [tilespmem:s17+$0xFFFFFFE0];
	[tilespmem:s18+$0x2850 ss:$0x81] =	vst.msk $0xffff, v3  }
0x4d: {  	s22 =	sshra.s32 s20, $0x2;
	s20 =	smov.u32 s21;
	v7 =	vld [tilespmem:s17+$0xFFFFFFF0];
	[tilespmem:s18+$0x3060 ss:$0x81] =	vst.msk $0xffff, v2  }
.Ltmp3:
0x4e: {  	v4 =	vld [tilespmem:s17+$0x0];
	[tilespmem:s18+$0x0 ss:$0x81] =	vst.msk $0xffff, v1;
	s18 =	sadd.s32 s22, s19;
	(pc) =	sbr.rel @p1 .LBB1_3-.Ltmp3, $4  }
0x4f: {  	v3 =	vld [tilespmem:s17+$0x10];
	[tilespmem:s18+$0x3870 ss:$0x81] =	vst.msk $0xffff, v0  }
0x50: {  	[tilespmem:s18+$0x810 ss:$0x81] =	vst.msk $0xffff, v5;
	v2 =	vld [tilespmem:s17+$0x20]  }
0x51: {  	v1 =	vld [tilespmem:s17+$0xFFFFFFC0];
	[tilespmem:s18+$0x1020 ss:$0x81] =	vst.msk $0xffff, v6;
	s17 =	sadd.s32 $0x80, s17  }
0x52: {  	s21 =	sadd.s32 $0x4, s21;
	v0 =	vld [tilespmem:s17+$0x30];
	[tilespmem:s18+$0x1830 ss:$0x81] =	vst.msk $0xffff, v7  }
.Ltmp4:
0x53: {  	_ = 	snop;
	(pc) =	sbr.rel .LBB1_4-.Ltmp4, $1  }
0x54: {  	_ =	sdelay $0x3  }
.LBB1_6:
0x55: {  	_ =	sfence.sel $0x180000  }
0x56: {  	s2 =	simm.s32 $0x1;
	[bflag:$0x0] =	sbarrier.arrive $0xFFFF  }
0x57: {  	s31 =	simm.s32 $0x2;
	[sflag:s2] =	ssyncpa.u1 $0x1  }
0x58: {  	[sflag:s31] =	ssyncpa.u1 $0x1  }
0x59: {  	p0 =	sne.s32 s0, $0x0;
	_ =	strace $0x9000004A  }
0x5a: {  	s0 =	sadd.s32 @!p0 $0x100000, s1;
	[bflag:$0x2] =	sbarrier.arrive $0xFFFF  }
0x5b: {  	[sflag:s0] =	ssyncadd.tile.s32 @!p0 $0x1;
	_ =	shalt  }
.Lfunc_end1:
_tile_overlayer_lowered:
.L_overlay_start_2:
0x5c: {  	(tag) =	ssettag $0x2  }
0x5d: {  	s0 =	rddreg [dreg:$0x0];
	s2 =	stileid.u32  }
0x5e: {  	s1 =	rddreg [dreg:$0x1];
	p0 =	sne.s32 s2, $0x0  }
0x5f: {  	s3 =	rddreg [dreg:$0x2];
	[bflag:$0x3] =	sbarrier.arrive $0xFFFF;
	s2 =	simm.s32 @!p0 $0x1C01  }
0x60: {  	[timem:s3], [sflag:s2] =	dma.local @!p0 [hbm:s0], s1  }
0x61: {  	s0 =	simm.s32 @!p0 $0x1  }
0x62: {  	_ =	swait.ge @!p0 [sflag:s0], s1  }
0x63: {  	s1 =	ssub.s32 @!p0 $0x0, s1;
	[sflag:s0] =	ssyncset.done @!p0 $0x0  }
0x64: {  	[sflag:s0] =	ssyncadd.s32 @!p0 s1  }
0x65: {  	[bflag:$0x3] =	sbarrier.arrive $0xFFFF  }
0x66: {  	_ =	shalt  }

</sc_bundles>
